<compile_context>
chip_gen: v7x
topology: tpu7x:2x2x1
jax: 0.10.2.dev20260603
libtpu: 0.0.44.dev20260713+nightly
codegen_flags: <defaults>
</compile_context>

<pallas_src>
import functools

import jax
import jax.numpy as jnp
from jax import lax
from jax.experimental import pallas as pl
from jax.experimental.pallas import tpu as pltpu
from jax.experimental.pallas import tpu_sc as plsc

N = 10000
E = 320000
D = 128
B = 1024

NC = 2
NS = 16
NW = NC * NS
L = 16

EPT = E // NW
C = 128
FCAP = EPT + 2 * C
SLOTS = 1280
SPW = SLOTS // NW
BIGSLOT = 1 << 14
CB = 2048
RCAP = 16384
FLUSH_AT = RCAP - FCAP


def _phase1a_body(src_hbm, dst_hbm, ids_hbm,
                  fent_hbm, cnts_hbm, w_hbm,
                  esrc_v, edst_v, n2s_v, ids_v, fent_v,
                  w_v, cnt_v, sem):
    core = lax.axis_index("c")
    sub = lax.axis_index("s")
    wid = core * NS + sub

    cp_src = pltpu.async_copy(src_hbm.at[pl.ds(wid * EPT, EPT)], esrc_v, sem)
    cp_dst = pltpu.async_copy(dst_hbm.at[pl.ds(wid * EPT, EPT)], edst_v, sem)
    pltpu.sync_copy(ids_hbm, ids_v)

    neg1 = jnp.full((L,), -1, jnp.int32)

    def n2s_clear(i, _):
        n2s_v[pl.ds(i * L, L)] = neg1
        return 0
    lax.fori_loop(0, N // L, n2s_clear, 0)

    lane = lax.iota(jnp.int32, L)

    def n2s_fill(k, _):
        iv = ids_v[pl.ds(k * L, L)]
        plsc.store_scatter(n2s_v, [iv], lane + k * L)
        return 0
    lax.fori_loop(0, B // L, n2s_fill, 0)

    kpt = B // NW
    iv = ids_v[pl.ds(wid * kpt, L)]
    w_v[pl.ds(0, L)] = plsc.load_gather(n2s_v, [iv])
    iv = ids_v[pl.ds(wid * kpt + L, L)]
    w_v[pl.ds(L, L)] = plsc.load_gather(n2s_v, [iv])
    cp_w = pltpu.async_copy(w_v, w_hbm.at[pl.ds(wid * kpt, kpt)], sem)

    cp_src.wait()
    cp_dst.wait()

    def filt(i, cnt):
        sv = esrc_v[pl.ds(i * L, L)]
        dv = edst_v[pl.ds(i * L, L)]
        slot = plsc.load_gather(n2s_v, [dv])
        m = slot >= 0
        ent = jnp.bitwise_or(lax.shift_left(slot, 16), sv)
        plsc.store_compressed(fent_v.at[pl.ds(cnt, L)], ent, mask=m)
        return cnt + plsc.all_reduce_population_count(m)[0]
    cnt = lax.fori_loop(0, EPT // L, filt, jnp.int32(0))

    fent_v[pl.ds(cnt, L)] = jnp.full((L,), BIGSLOT << 16, jnp.int32)

    cnt_v[...] = jnp.full((L,), cnt, jnp.int32)
    pltpu.sync_copy(cnt_v, cnts_hbm.at[pl.ds(wid * L, L)])
    pltpu.sync_copy(fent_v, fent_hbm.at[pl.ds(wid * FCAP, FCAP)])
    cp_w.wait()


def _phase1b_body(fent_hbm, cnts_hbm, x_hbm,
                  acc_hbm, deg_hbm,
                  cnts_v, entb_v, rent_v, ichunk_v,
                  rows_v, acc_v, degb_v, sem_l, sem_g):
    core = lax.axis_index("c")
    sub = lax.axis_index("s")
    wid = core * NS + sub
    lo = wid * SPW

    pltpu.sync_copy(cnts_hbm, cnts_v)

    zvec = jnp.zeros((L,), jnp.float32)

    def zacc(i, _):
        def zcol(j, _):
            acc_v[i, pl.ds(j * L, L)] = zvec
            return 0
        return lax.fori_loop(0, D // L, zcol, 0)
    lax.fori_loop(0, SPW, zacc, 0)
    degb_v[pl.ds(0, L)] = zvec
    degb_v[pl.ds(L, L)] = zvec
    degb_v[pl.ds(2 * L, L)] = zvec
    zvec_i = jnp.zeros((L,), jnp.int32)
    for p in range(C // L):
        rent_v[pl.ds(p * L, L)] = zvec_i

    lane = lax.iota(jnp.int32, L)
    lane0 = lane == 0
    one_f = jnp.ones((L,), jnp.float32)

    def row_accum(ci, b, total):
        rem = jnp.minimum(jnp.int32(C), total - ci * C)

        def row(r, _):
            esp = plsc.load_gather(rent_v, [jnp.full((L,), ci * C + r,
                                                     jnp.int32)])
            lrow = lax.shift_right_arithmetic(esp, 16) - lo
            for j in range(D // L):
                plsc.addupdate_scatter(
                    acc_v, [lrow, lane + j * L],
                    rows_v[b * C + r, pl.ds(j * L, L)])
            plsc.addupdate_scatter(degb_v, [lrow], one_f, mask=lane0)
            return 0
        lax.fori_loop(0, rem, row, 0)

    mask16 = jnp.full((L,), 0xFFFF, jnp.int32)

    def build_ichunk(ci, b):
        def ld(j, _):
            ichunk_v[pl.ds(b * C + j * L, L)] = jnp.bitwise_and(
                rent_v[pl.ds(ci * C + j * L, L)], mask16)
            return 0
        lax.fori_loop(0, C // L, ld, 0)

    def gather_descr(b):
        return pltpu.make_async_copy(
            x_hbm.at[ichunk_v.at[pl.ds(b * C, C)]],
            rows_v.at[pl.ds(b * C, C), :], sem_g)

    def fire_gather(ci, b):
        build_ichunk(ci, b)
        gather_descr(b).start()

    def accum_chunks(nch2, total):
        fire_gather(0, 0)

        def chunk_acc(ci, _):
            b = lax.rem(ci, 2)
            gather_descr(b).wait()

            @pl.when(ci + 1 < nch2)
            def _():
                fire_gather(ci + 1, 1 - b)
            row_accum(ci, b, total)
            return 0
        lax.fori_loop(0, jnp.maximum(nch2, 1), chunk_acc, 0)

    def list_descr(t, ci, b):
        base = t * FCAP + ci * CB
        return pltpu.make_async_copy(fent_hbm.at[pl.ds(base, CB)],
                                     entb_v.at[pl.ds(b * CB, CB)], sem_l)

    def fire_list(t, b):
        list_descr(t, 0, b).start()

    elo = lax.shift_left(lo, 16)
    ehi = lax.shift_left(lo + SPW, 16)

    def scan_vectors(b, jlo, jm, rc):
        def vec_scan(j, rc2):
            ev = entb_v[pl.ds(b * CB + j * L, L)]
            m = jnp.logical_and(ev >= elo, ev < ehi)
            plsc.store_compressed(rent_v.at[pl.ds(rc2, L)], ev, mask=m)
            return rc2 + plsc.all_reduce_population_count(m)[0]
        return lax.fori_loop(jlo, jm, vec_scan, rc)

    fire_list(0, 0)

    def src_tile(t, rcnt):
        b = lax.rem(t, 2)
        c_t = cnts_v[pl.ds(t * L, L)][0]
        list_descr(t, 0, b).wait()

        @pl.when(t + 1 < NW)
        def _():
            fire_list(t + 1, 1 - b)

        jm0 = jnp.minimum(jnp.int32(CB // L), (c_t + L - 1) // L)
        rcnt = scan_vectors(b, 0, jm0, rcnt)
        nch = (c_t + CB - 1) // CB

        def extra(ci, rc):
            ed = list_descr(t, ci, b)
            ed.start()
            ed.wait()
            jm = jnp.minimum(jnp.int32(CB // L),
                             (c_t - ci * CB + L - 1) // L)
            return scan_vectors(b, 0, jm, rc)
        rcnt = lax.fori_loop(1, nch, extra, rcnt)

        def do_flush(rc):
            nfull = rc // C
            accum_chunks(nfull, nfull * C)

            def mv(p, _):
                rent_v[pl.ds(p * L, L)] = rent_v[pl.ds(nfull * C + p * L, L)]
                return 0
            lax.fori_loop(0, C // L, mv, 0)
            return rc - nfull * C
        return lax.cond(rcnt >= FLUSH_AT, do_flush, lambda rc: rc, rcnt)
    rcnt = lax.fori_loop(0, NW, src_tile, jnp.int32(0))

    for p in range(C // L):
        rent_v[pl.ds(rcnt + p * L, L)] = jnp.zeros((L,), jnp.int32)
    accum_chunks((rcnt + C - 1) // C, rcnt)

    pltpu.sync_copy(acc_v, acc_hbm.at[pl.ds(lo, SPW), :])
    pltpu.sync_copy(degb_v.at[pl.ds(0, SPW)], deg_hbm.at[pl.ds(lo, SPW)])


def _phase2_body(acc_hbm, deg_hbm, w_hbm, ids_hbm, x_hbm, rows_hbm,
                 w_v, ids_v, a_v, xv_v, degf_v, rcp_v, out_v, sem):
    core = lax.axis_index("c")
    sub = lax.axis_index("s")
    wid = core * NS + sub
    kpt = B // NW
    base = wid * kpt

    pltpu.sync_copy(w_hbm.at[pl.ds(base, kpt)], w_v)
    pltpu.sync_copy(ids_hbm.at[pl.ds(base, kpt)], ids_v)

    cps = [pltpu.async_copy(acc_hbm.at[w_v], a_v, sem),
           pltpu.async_copy(x_hbm.at[ids_v], xv_v, sem),
           pltpu.async_copy(deg_hbm, degf_v, sem)]
    for cp in cps:
        cp.wait()

    for g in range(kpt // L):
        wv = w_v[pl.ds(g * L, L)]
        dv = plsc.load_gather(degf_v, [wv])
        rcp_v[pl.ds(g * L, L)] = 1.0 / (1.0 + dv)

    def row(k, _):
        r = plsc.load_gather(rcp_v, [jnp.full((L,), k, jnp.int32)])

        def col(j, _):
            sl = pl.ds(j * L, L)
            out_v[k, sl] = (a_v[k, sl] + xv_v[k, sl]) * r
            return 0
        return lax.fori_loop(0, D // L, col, 0)
    lax.fori_loop(0, kpt, row, 0)

    pltpu.sync_copy(out_v, rows_hbm.at[pl.ds(base, kpt), :])


def _tc_body(rows_ref, w_ref, b_ref, o_ref):
    h = jnp.dot(rows_ref[...], w_ref[...].T, preferred_element_type=jnp.float32)
    o_ref[...] = jnp.tanh(h + b_ref[...])


@jax.jit
def kernel(x, edge_index, ids, W_neigh, b_neigh):
    src = edge_index[0]
    dst = edge_index[1]
    mesh = plsc.VectorSubcoreMesh(core_axis_name="c", subcore_axis_name="s",
                                  num_cores=NC, num_subcores=NS)
    f32 = jnp.float32
    i32 = jnp.int32

    phase1a = pl.kernel(
        _phase1a_body,
        out_type=[jax.ShapeDtypeStruct((NW * FCAP,), i32),
                  jax.ShapeDtypeStruct((NW * L,), i32),
                  jax.ShapeDtypeStruct((B,), i32)],
        mesh=mesh,
        compiler_params=pltpu.CompilerParams(needs_layout_passes=False),
        scratch_types=[
            pltpu.VMEM((EPT,), i32),
            pltpu.VMEM((EPT,), i32),
            pltpu.VMEM((N,), i32),
            pltpu.VMEM((B,), i32),
            pltpu.VMEM((FCAP,), i32),
            pltpu.VMEM((B // NW,), i32),
            pltpu.VMEM((L,), i32),
            pltpu.SemaphoreType.DMA,
        ],
    )
    fent, cnts, w = phase1a(src, dst, ids)

    phase1b = pl.kernel(
        _phase1b_body,
        out_type=[jax.ShapeDtypeStruct((SLOTS, D), f32),
                  jax.ShapeDtypeStruct((SLOTS,), f32)],
        mesh=mesh,
        compiler_params=pltpu.CompilerParams(needs_layout_passes=False),
        scratch_types=[
            pltpu.VMEM((NW * L,), i32),
            pltpu.VMEM((2 * CB,), i32),
            pltpu.VMEM((RCAP,), i32),
            pltpu.VMEM((2 * C,), i32),
            pltpu.VMEM((2 * C, D), f32),
            pltpu.VMEM((SPW, D), f32),
            pltpu.VMEM((3 * L,), f32),
            pltpu.SemaphoreType.DMA,
            pltpu.SemaphoreType.DMA,
        ],
    )
    acc, deg = phase1b(fent, cnts, x)

    kpt = B // NW
    phase2 = pl.kernel(
        _phase2_body,
        out_type=[jax.ShapeDtypeStruct((B, D), f32)],
        mesh=mesh,
        compiler_params=pltpu.CompilerParams(needs_layout_passes=False),
        scratch_types=[
            pltpu.VMEM((kpt,), i32),
            pltpu.VMEM((kpt,), i32),
            pltpu.VMEM((kpt, D), f32),
            pltpu.VMEM((kpt, D), f32),
            pltpu.VMEM((SLOTS,), f32),
            pltpu.VMEM((kpt,), f32),
            pltpu.VMEM((kpt, D), f32),
            pltpu.SemaphoreType.DMA,
        ],
    )
    (rows,) = phase2(acc, deg, w, ids, x)

    out = pl.pallas_call(
        _tc_body,
        out_shape=jax.ShapeDtypeStruct((B, D), f32),
    )(rows, W_neigh, b_neigh.reshape(1, D))
    return out

# --- scband reference (transcript-rebuilt; emitter-appended) ---
"""Pipeline reference for scband-sage-encoder-69870527971698 (READ-ONLY COPY).

The authoritative reference and input builder live on the scoring server;
editing this copy changes nothing except your own understanding.
"""

import jax, jax.numpy as jnp
import numpy as np

N_NODES = 10000
N_EDGES = 320000
D_FEAT = 128
D_HIDDEN = 128
B_IDS = 1024


def setup_inputs(seed: int = 0) -> dict:
    key = jax.random.key(seed)
    k1, k2, k3, k4, k5 = jax.random.split(key, 5)
    x = jax.random.normal(k1, (N_NODES, D_FEAT), dtype=jnp.float32)
    edge_index = jax.random.randint(k2, (2, N_EDGES), 0, N_NODES, dtype=jnp.int32)
    ids = jax.random.randint(k3, (B_IDS,), 0, N_NODES, dtype=jnp.int32)
    # SAGEConv(in_feats=128, n_hidden=128, aggregator='gcn') parameters:
    # gcn aggregator has only fc_neigh (no fc_self) plus bias.
    W_neigh = jax.random.normal(k4, (D_HIDDEN, D_FEAT), dtype=jnp.float32) * 0.05
    b_neigh = jnp.zeros((D_HIDDEN,), dtype=jnp.float32)
    return {"x": x, "edge_index": edge_index, "ids": ids, "W_neigh": W_neigh, "b_neigh": b_neigh}


def reference(x, edge_index, ids, W_neigh, b_neigh):
    # SageEmbedder.forward: dropout(p=0, eval) -> SAGEConv(gcn) -> tanh
    n = x.shape[0]
    src = edge_index[0]
    dst = edge_index[1]
    # DGL SAGEConv 'gcn' aggregator: neigh = sum_{j->i} h_j; h = (neigh + h_i) / (deg_i + 1)
    # (equivalent to mean aggregation over the graph with self-loop added)
    msgs = jnp.take(x, src, axis=0)
    neigh_sum = jax.ops.segment_sum(msgs, dst, num_segments=n)
    deg = jax.ops.segment_sum(jnp.ones((src.shape[0],), dtype=jnp.float32), dst, num_segments=n)
    h_neigh = (neigh_sum + x) / (deg[:, None] + 1.0)
    h = h_neigh @ W_neigh.T + b_neigh
    h = jnp.tanh(h)
    # SageEncoder.forward: gather per-id node embeddings (id2node mapping treated as identity)
    out = jnp.take(h, ids, axis=0)
    return out

if __name__ == "__main__":
    import jax
    _d = setup_inputs()
    print(jax.jit(kernel)(*tuple(_d.values())))

</pallas_src>

<mosaic_0001>
#map = affine_map<(d0, d1) -> (0)>
#map1 = affine_map<(d0, d1) -> (0, 0)>
module attributes {stable_mosaic.version = 14 : i64} {
  func.func @_phase1b_body(%arg0: i32, %arg1: i32, %arg2: memref<328192xi32, #tpu.memory_space<hbm>>, %arg3: memref<512xi32, #tpu.memory_space<hbm>>, %arg4: memref<10000x128xf32, #tpu.memory_space<hbm>>, %arg5: memref<1280x128xf32, #tpu.memory_space<hbm>>, %arg6: memref<1280xf32, #tpu.memory_space<hbm>>, %arg7: memref<512xi32, #tpu.memory_space<vmem>>, %arg8: memref<4096xi32, #tpu.memory_space<vmem>>, %arg9: memref<16384xi32, #tpu.memory_space<vmem>>, %arg10: memref<256xi32, #tpu.memory_space<vmem>>, %arg11: memref<256x128xf32, #tpu.memory_space<vmem>>, %arg12: memref<40x128xf32, #tpu.memory_space<vmem>>, %arg13: memref<48xf32, #tpu.memory_space<vmem>>, %arg14: memref<!tpu.dma_semaphore, #tpu.memory_space<semaphore_mem>>, %arg15: memref<!tpu.dma_semaphore, #tpu.memory_space<semaphore_mem>>) attributes {dimension_semantics = [#tpu.dimension_semantics<core_parallel>, #tpu.dimension_semantics<subcore_parallel>], iteration_bounds = array<i64: 2, 16>, scalar_prefetch = 0 : i64, scratch_operands = 9 : i64, tpu.core_type = #tpu.core_type<sc_vector_subcore>, window_params = [{transform_indices = #map}, {transform_indices = #map}, {transform_indices = #map1}, {transform_indices = #map1}, {transform_indices = #map}]} {
    %mul3A = arith.constant 16 : i32
    %mul3A_0 = arith.muli %arg0, %mul3A : i32
    %add3A = arith.addi %mul3A_0, %arg1 : i32
    %mul3A_1 = arith.constant 40 : i32
    %mul3A_2 = arith.muli %add3A, %mul3A_1 : i32
    "tpu.region"() ({
      %run_scoped3A = tpu.sem_alloc : memref<!tpu.dma_semaphore, #tpu.memory_space<semaphore_mem>>
      tpu.enqueue_dma source(%arg3 : memref<512xi32, #tpu.memory_space<hbm>>) target(%arg7 : memref<512xi32, #tpu.memory_space<vmem>>) target_semaphore(%run_scoped3A : memref<!tpu.dma_semaphore, #tpu.memory_space<semaphore_mem>>)
      tpu.wait_dma2 semaphore(%run_scoped3A : memref<!tpu.dma_semaphore, #tpu.memory_space<semaphore_mem>>) src(%arg3 : memref<512xi32, #tpu.memory_space<hbm>>) dst(%arg7 : memref<512xi32, #tpu.memory_space<vmem>>)
      tpu.yield
    }) : () -> ()
    %broadcast_in_dim3A = arith.constant 0.000000e+00 : f32
    %broadcast_in_dim3A_3 = vector.broadcast %broadcast_in_dim3A : f32 to vector<16xf32>
    %scan3A = arith.constant 0 : i32
    %scan3A_4 = arith.constant 0 : i32
    %scan3A_5 = arith.constant 40 : i32
    %scan3A_6 = arith.addi %scan3A_4, %scan3A_5 : i32
    %scan3A_7 = arith.constant 1 : i32
    %scan3A_8 = scf.for %scan3A_153 = %scan3A_4 to %scan3A_6 step %scan3A_7 iter_args(%scan3A_154 = %scan3A) -> (i32)  : i32 {
      %scan3A_155 = arith.constant 0 : i32
      %scan3A_156 = arith.constant 0 : i32
      %scan3A_157 = arith.constant 8 : i32
      %scan3A_158 = arith.addi %scan3A_156, %scan3A_157 : i32
      %scan3A_159 = arith.constant 1 : i32
      %scan3A_160 = scf.for %scan3A_162 = %scan3A_156 to %scan3A_158 step %scan3A_159 iter_args(%scan3A_163 = %scan3A_155) -> (i32)  : i32 {
        %mul3A_164 = arith.constant 16 : i32
        %mul3A_165 = arith.muli %scan3A_162, %mul3A_164 : i32
        %swap3A_166 = arith.index_cast %scan3A_153 : i32 to index
        %swap3A_167 = arith.index_cast %mul3A_165 : i32 to index
        %swap3A_168 = tpu.vector_load %arg12[%swap3A_166, %swap3A_167] {strides = array<i32>} : memref<40x128xf32, #tpu.memory_space<vmem>>, vector<16xf32>,
        tpu.vector_store %arg12[%swap3A_166, %swap3A_167], %broadcast_in_dim3A_3 {strides = array<i32>} : memref<40x128xf32, #tpu.memory_space<vmem>>, vector<16xf32>,
        %scan3A_169 = arith.constant 0 : i32
        scf.yield %scan3A_169 : i32
      }
      %scan3A_161 = arith.constant 8 : i32
      scf.yield %scan3A_160 : i32
    }
    %scan3A_9 = arith.constant 40 : i32
    %swap3A = arith.constant 0 : index
    %swap3A_10 = tpu.vector_load %arg13[%swap3A] {strides = array<i32>} : memref<48xf32, #tpu.memory_space<vmem>>, vector<16xf32>,
    tpu.vector_store %arg13[%swap3A], %broadcast_in_dim3A_3 {strides = array<i32>} : memref<48xf32, #tpu.memory_space<vmem>>, vector<16xf32>,
    %swap3A_11 = arith.constant 16 : index
    %swap3A_12 = tpu.vector_load %arg13[%swap3A_11] {strides = array<i32>} : memref<48xf32, #tpu.memory_space<vmem>>, vector<16xf32>,
    tpu.vector_store %arg13[%swap3A_11], %broadcast_in_dim3A_3 {strides = array<i32>} : memref<48xf32, #tpu.memory_space<vmem>>, vector<16xf32>,
    %swap3A_13 = arith.constant 32 : index
    %swap3A_14 = tpu.vector_load %arg13[%swap3A_13] {strides = array<i32>} : memref<48xf32, #tpu.memory_space<vmem>>, vector<16xf32>,
    tpu.vector_store %arg13[%swap3A_13], %broadcast_in_dim3A_3 {strides = array<i32>} : memref<48xf32, #tpu.memory_space<vmem>>, vector<16xf32>,
    %broadcast_in_dim3A_15 = arith.constant 0 : i32
    %broadcast_in_dim3A_16 = vector.broadcast %broadcast_in_dim3A_15 : i32 to vector<16xi32>
    %swap3A_17 = arith.constant 0 : index
    %swap3A_18 = tpu.vector_load %arg9[%swap3A_17] {strides = array<i32>} : memref<16384xi32, #tpu.memory_space<vmem>>, vector<16xi32>,
    tpu.vector_store %arg9[%swap3A_17], %broadcast_in_dim3A_16 {strides = array<i32>} : memref<16384xi32, #tpu.memory_space<vmem>>, vector<16xi32>,
    %swap3A_19 = arith.constant 16 : index
    %swap3A_20 = tpu.vector_load %arg9[%swap3A_19] {strides = array<i32>} : memref<16384xi32, #tpu.memory_space<vmem>>, vector<16xi32>,
    tpu.vector_store %arg9[%swap3A_19], %broadcast_in_dim3A_16 {strides = array<i32>} : memref<16384xi32, #tpu.memory_space<vmem>>, vector<16xi32>,
    %swap3A_21 = arith.constant 32 : index
    %swap3A_22 = tpu.vector_load %arg9[%swap3A_21] {strides = array<i32>} : memref<16384xi32, #tpu.memory_space<vmem>>, vector<16xi32>,
    tpu.vector_store %arg9[%swap3A_21], %broadcast_in_dim3A_16 {strides = array<i32>} : memref<16384xi32, #tpu.memory_space<vmem>>, vector<16xi32>,
    %swap3A_23 = arith.constant 48 : index
    %swap3A_24 = tpu.vector_load %arg9[%swap3A_23] {strides = array<i32>} : memref<16384xi32, #tpu.memory_space<vmem>>, vector<16xi32>,
    tpu.vector_store %arg9[%swap3A_23], %broadcast_in_dim3A_16 {strides = array<i32>} : memref<16384xi32, #tpu.memory_space<vmem>>, vector<16xi32>,
    %swap3A_25 = arith.constant 64 : index
    %swap3A_26 = tpu.vector_load %arg9[%swap3A_25] {strides = array<i32>} : memref<16384xi32, #tpu.memory_space<vmem>>, vector<16xi32>,
    tpu.vector_store %arg9[%swap3A_25], %broadcast_in_dim3A_16 {strides = array<i32>} : memref<16384xi32, #tpu.memory_space<vmem>>, vector<16xi32>,
    %swap3A_27 = arith.constant 80 : index
    %swap3A_28 = tpu.vector_load %arg9[%swap3A_27] {strides = array<i32>} : memref<16384xi32, #tpu.memory_space<vmem>>, vector<16xi32>,
    tpu.vector_store %arg9[%swap3A_27], %broadcast_in_dim3A_16 {strides = array<i32>} : memref<16384xi32, #tpu.memory_space<vmem>>, vector<16xi32>,
    %swap3A_29 = arith.constant 96 : index
    %swap3A_30 = tpu.vector_load %arg9[%swap3A_29] {strides = array<i32>} : memref<16384xi32, #tpu.memory_space<vmem>>, vector<16xi32>,
    tpu.vector_store %arg9[%swap3A_29], %broadcast_in_dim3A_16 {strides = array<i32>} : memref<16384xi32, #tpu.memory_space<vmem>>, vector<16xi32>,
    %swap3A_31 = arith.constant 112 : index
    %swap3A_32 = tpu.vector_load %arg9[%swap3A_31] {strides = array<i32>} : memref<16384xi32, #tpu.memory_space<vmem>>, vector<16xi32>,
    tpu.vector_store %arg9[%swap3A_31], %broadcast_in_dim3A_16 {strides = array<i32>} : memref<16384xi32, #tpu.memory_space<vmem>>, vector<16xi32>,
    %iota3A = tpu.iota {dimensions = array<i32: 0>} : vector<16xi32>
    %eq3A = arith.constant 0 : i32
    %eq3A_33 = vector.broadcast %eq3A : i32 to vector<16xi32>
    %eq3A_34 = arith.cmpi eq, %iota3A, %eq3A_33 : vector<16xi32>
    %broadcast_in_dim3A_35 = arith.constant 1.000000e+00 : f32
    %broadcast_in_dim3A_36 = vector.broadcast %broadcast_in_dim3A_35 : f32 to vector<16xf32>
    %broadcast_in_dim3A_37 = arith.constant 65535 : i32
    %broadcast_in_dim3A_38 = vector.broadcast %broadcast_in_dim3A_37 : i32 to vector<16xi32>
    %shift_left3A = arith.constant 16 : i32
    %shift_left3A_39 = arith.shli %mul3A_2, %shift_left3A : i32
    %add3A_40 = arith.constant 40 : i32
    %add3A_41 = arith.addi %mul3A_2, %add3A_40 : i32
    %shift_left3A_42 = arith.constant 16 : i32
    %shift_left3A_43 = arith.shli %add3A_41, %shift_left3A_42 : i32
    %dma_start3A = arith.constant 0 : i32
    %dma_start3A_44 = tpu.memref_slice %arg8[%dma_start3A] : memref<4096xi32, #tpu.memory_space<vmem>> -> memref<2048xi32, #tpu.memory_space<vmem>>
    %dma_start3A_45 = arith.constant 0 : i32
    %dma_start3A_46 = tpu.memref_slice %arg2[%dma_start3A_45] : memref<328192xi32, #tpu.memory_space<hbm>> -> memref<2048xi32, #tpu.memory_space<hbm>>
    %dma_start3A_47 = arith.constant 0 : i32
    %dma_start3A_48 = tpu.memref_slice %arg8[%dma_start3A_47] : memref<4096xi32, #tpu.memory_space<vmem>> -> memref<2048xi32, #tpu.memory_space<vmem>>
    %dma_start3A_49 = arith.constant 0 : i32
    %dma_start3A_50 = tpu.memref_slice %arg2[%dma_start3A_49] : memref<328192xi32, #tpu.memory_space<hbm>> -> memref<2048xi32, #tpu.memory_space<hbm>>
    tpu.enqueue_dma source(%dma_start3A_50 : memref<2048xi32, #tpu.memory_space<hbm>>) target(%dma_start3A_48 : memref<2048xi32, #tpu.memory_space<vmem>>) target_semaphore(%arg14 : memref<!tpu.dma_semaphore, #tpu.memory_space<semaphore_mem>>)
    %scan3A_51 = arith.constant 0 : i32
    %scan3A_52 = arith.constant 0 : i32
    %scan3A_53 = arith.constant 32 : i32
    %scan3A_54 = arith.addi %scan3A_52, %scan3A_53 : i32
    %scan3A_55 = arith.constant 1 : i32
    %scan3A_56 = scf.for %scan3A_153 = %scan3A_52 to %scan3A_54 step %scan3A_55 iter_args(%scan3A_154 = %scan3A_51) -> (i32)  : i32 {
      %rem3A_155 = arith.constant 2 : i32
      %rem3A_156 = arith.remsi %scan3A_153, %rem3A_155 : i32
      %mul3A_157 = arith.constant 16 : i32
      %mul3A_158 = arith.muli %scan3A_153, %mul3A_157 : i32
      %get3A = arith.index_cast %mul3A_158 : i32 to index
      %get3A_159 = tpu.vector_load %arg7[%get3A] {strides = array<i32>} : memref<512xi32, #tpu.memory_space<vmem>>, vector<16xi32>,
      %slice3A = vector.extract_strided_slice %get3A_159 {offsets = [0], sizes = [1], strides = [1]} : vector<16xi32> to vector<1xi32>
      %squeeze3A = vector.extract %slice3A[0] : i32 from vector<1xi32>
      %mul3A_160 = arith.constant 10256 : i32
      %mul3A_161 = arith.muli %scan3A_153, %mul3A_160 : i32
      %add3A_162 = arith.constant 0 : i32
      %add3A_163 = arith.addi %mul3A_161, %add3A_162 : i32
      %mul3A_164 = arith.constant 2048 : i32
      %mul3A_165 = arith.muli %rem3A_156, %mul3A_164 : i32
      %dma_wait3A = tpu.memref_slice %arg8[%mul3A_165] : memref<4096xi32, #tpu.memory_space<vmem>> -> memref<2048xi32, #tpu.memory_space<vmem>>
      %dma_wait3A_166 = tpu.memref_slice %arg2[%add3A_163] : memref<328192xi32, #tpu.memory_space<hbm>> -> memref<2048xi32, #tpu.memory_space<hbm>>
      %dma_wait3A_167 = tpu.memref_slice %arg8[%mul3A_165] : memref<4096xi32, #tpu.memory_space<vmem>> -> memref<2048xi32, #tpu.memory_space<vmem>>
      %dma_wait3A_168 = tpu.memref_slice %arg2[%add3A_163] : memref<328192xi32, #tpu.memory_space<hbm>> -> memref<2048xi32, #tpu.memory_space<hbm>>
      tpu.wait_dma2 semaphore(%arg14 : memref<!tpu.dma_semaphore, #tpu.memory_space<semaphore_mem>>) src(%dma_wait3A_168 : memref<2048xi32, #tpu.memory_space<hbm>>) dst(%dma_wait3A_167 : memref<2048xi32, #tpu.memory_space<vmem>>)
      %add3A_169 = arith.constant 1 : i32
      %add3A_170 = arith.addi %scan3A_153, %add3A_169 : i32
      %lt3A = arith.constant 32 : i32
      %lt3A_171 = arith.cmpi slt, %add3A_170, %lt3A : i32
      %convert_element_type3A = arith.extui %lt3A_171 : i1 to i32
      %cond3A = arith.constant 0 : i32
      %cond3A_172 = arith.cmpi ne, %convert_element_type3A, %cond3A : i32
      scf.if %cond3A_172 {
        %add3A_257 = arith.constant 1 : i32
        %add3A_258 = arith.addi %scan3A_153, %add3A_257 : i32
        %sub3A_259 = arith.constant 1 : i32
        %sub3A_260 = arith.subi %sub3A_259, %rem3A_156 : i32
        %mul3A_261 = arith.constant 10256 : i32
        %mul3A_262 = arith.muli %add3A_258, %mul3A_261 : i32
        %add3A_263 = arith.constant 0 : i32
        %add3A_264 = arith.addi %mul3A_262, %add3A_263 : i32
        %mul3A_265 = arith.constant 2048 : i32
        %mul3A_266 = arith.muli %sub3A_260, %mul3A_265 : i32
        %dma_start3A_267 = tpu.memref_slice %arg8[%mul3A_266] : memref<4096xi32, #tpu.memory_space<vmem>> -> memref<2048xi32, #tpu.memory_space<vmem>>
        %dma_start3A_268 = tpu.memref_slice %arg2[%add3A_264] : memref<328192xi32, #tpu.memory_space<hbm>> -> memref<2048xi32, #tpu.memory_space<hbm>>
        %dma_start3A_269 = tpu.memref_slice %arg8[%mul3A_266] : memref<4096xi32, #tpu.memory_space<vmem>> -> memref<2048xi32, #tpu.memory_space<vmem>>
        %dma_start3A_270 = tpu.memref_slice %arg2[%add3A_264] : memref<328192xi32, #tpu.memory_space<hbm>> -> memref<2048xi32, #tpu.memory_space<hbm>>
        tpu.enqueue_dma source(%dma_start3A_270 : memref<2048xi32, #tpu.memory_space<hbm>>) target(%dma_start3A_269 : memref<2048xi32, #tpu.memory_space<vmem>>) target_semaphore(%arg14 : memref<!tpu.dma_semaphore, #tpu.memory_space<semaphore_mem>>)
      } else {
      }
      %add3A_173 = arith.constant 16 : i32
      %add3A_174 = arith.addi %squeeze3A, %add3A_173 : i32
      %sub3A_175 = arith.constant 1 : i32
      %sub3A_176 = arith.subi %add3A_174, %sub3A_175 : i32
      %jit3A_177 = arith.constant 16 : i32
      %div3A_178 = arith.divsi %sub3A_176, %jit3A_177 : i32
      %sign3A_179 = arith.constant 0 : i32
      %sign3A_180 = arith.cmpi sgt, %sub3A_176, %sign3A_179 : i32
      %sign3A_181 = arith.extui %sign3A_180 : i1 to i32
      %sign3A_182 = arith.constant 0 : i32
      %sign3A_183 = arith.cmpi slt, %sub3A_176, %sign3A_182 : i32
      %sign3A_184 = arith.extui %sign3A_183 : i1 to i32
      %sign3A_185 = arith.subi %sign3A_181, %sign3A_184 : i32
      %sign3A_186 = arith.constant 0 : i32
      %sign3A_187 = arith.cmpi sgt, %jit3A_177, %sign3A_186 : i32
      %sign3A_188 = arith.extui %sign3A_187 : i1 to i32
      %sign3A_189 = arith.constant 0 : i32
      %sign3A_190 = arith.cmpi slt, %jit3A_177, %sign3A_189 : i32
      %sign3A_191 = arith.extui %sign3A_190 : i1 to i32
      %sign3A_192 = arith.subi %sign3A_188, %sign3A_191 : i32
      %ne3A_193 = arith.cmpi ne, %sign3A_185, %sign3A_192 : i32
      %rem3A_194 = arith.remsi %sub3A_176, %jit3A_177 : i32
      %ne3A_195 = arith.constant 0 : i32
      %ne3A_196 = arith.cmpi ne, %rem3A_194, %ne3A_195 : i32
      %and3A_197 = arith.andi %ne3A_193, %ne3A_196 : i1
      %sub3A_198 = arith.constant 1 : i32
      %sub3A_199 = arith.subi %div3A_178, %sub3A_198 : i32
      %select_n3A_200 = arith.select %and3A_197, %sub3A_199, %div3A_178 : i32
      %min3A = arith.constant 128 : i32
      %min3A_201 = arith.minsi %min3A, %select_n3A_200 : i32
      %while3A_202 = arith.constant 0 : i32
      %while3A_203 = arith.subi %min3A_201, %while3A_202 : i32
      %while3A_204 = arith.addi %while3A_202, %while3A_203 : i32
      %while3A_205 = arith.constant 1 : i32
      %while3A_206 = arith.divsi %while3A_203, %while3A_205 : i32
      %while3A_207 = arith.muli %while3A_206, %while3A_205 : i32
      %while3A_208 = arith.addi %while3A_202, %while3A_207 : i32
      %while3A_209 = arith.constant 1 : i32
      %while3A_210 = scf.for %while3A_257 = %while3A_202 to %while3A_208 step %while3A_209 iter_args(%while3A_258 = %scan3A_154) -> (i32)  : i32 {
        %mul3A_259 = arith.constant 2048 : i32
        %mul3A_260 = arith.muli %rem3A_156, %mul3A_259 : i32
        %mul3A_261 = arith.constant 16 : i32
        %mul3A_262 = arith.muli %while3A_257, %mul3A_261 : i32
        %add3A_263 = arith.addi %mul3A_260, %mul3A_262 : i32
        %get3A_264 = arith.index_cast %add3A_263 : i32 to index
        %get3A_265 = tpu.vector_load %arg8[%get3A_264] {strides = array<i32>} : memref<4096xi32, #tpu.memory_space<vmem>>, vector<16xi32>,
        %ge3A_266 = vector.broadcast %shift_left3A_39 : i32 to vector<16xi32>
        %ge3A_267 = arith.cmpi sge, %get3A_265, %ge3A_266 : vector<16xi32>
        %lt3A_268 = vector.broadcast %shift_left3A_43 : i32 to vector<16xi32>
        %lt3A_269 = arith.cmpi slt, %get3A_265, %lt3A_268 : vector<16xi32>
        %and3A_270 = arith.andi %ge3A_267, %lt3A_269 : vector<16xi1>
        %swap3A_271 = arith.index_cast %while3A_258 : i32 to index
        %swap3A_272 = tpu.vector_load %arg9[%swap3A_271] masked %and3A_270 {strides = array<i32>} : memref<16384xi32, #tpu.memory_space<vmem>>, vector<16xi32>, vector<16xi1>
        tpu.vector_store %arg9[%swap3A_271], %get3A_265 masked %and3A_270 {strides = array<i32>} : memref<16384xi32, #tpu.memory_space<vmem>>, vector<16xi32>, vector<16xi1>
        %all_reduce_population_count3A = tpu.all_reduce %and3A_270 {dim = 0 : i64, kind = #tpu.reduction_kind<sum>} : vector<16xi1> -> vector<16xi32>
        %slice3A_273 = vector.extract_strided_slice %all_reduce_population_count3A {offsets = [0], sizes = [1], strides = [1]} : vector<16xi32> to vector<1xi32>
        %squeeze3A_274 = vector.extract %slice3A_273[0] : i32 from vector<1xi32>
        %add3A_275 = arith.addi %while3A_258, %squeeze3A_274 : i32
        scf.yield %add3A_275 : i32
      }
      %while3A_211 = arith.constant 1 : i32
      %while3A_212 = scf.for %while3A_257 = %while3A_208 to %while3A_204 step %while3A_211 iter_args(%while3A_258 = %while3A_210) -> (i32)  : i32 {
        %mul3A_259 = arith.constant 2048 : i32
        %mul3A_260 = arith.muli %rem3A_156, %mul3A_259 : i32
        %mul3A_261 = arith.constant 16 : i32
        %mul3A_262 = arith.muli %while3A_257, %mul3A_261 : i32
        %add3A_263 = arith.addi %mul3A_260, %mul3A_262 : i32
        %get3A_264 = arith.index_cast %add3A_263 : i32 to index
        %get3A_265 = tpu.vector_load %arg8[%get3A_264] {strides = array<i32>} : memref<4096xi32, #tpu.memory_space<vmem>>, vector<16xi32>,
        %ge3A_266 = vector.broadcast %shift_left3A_39 : i32 to vector<16xi32>
        %ge3A_267 = arith.cmpi sge, %get3A_265, %ge3A_266 : vector<16xi32>
        %lt3A_268 = vector.broadcast %shift_left3A_43 : i32 to vector<16xi32>
        %lt3A_269 = arith.cmpi slt, %get3A_265, %lt3A_268 : vector<16xi32>
        %and3A_270 = arith.andi %ge3A_267, %lt3A_269 : vector<16xi1>
        %swap3A_271 = arith.index_cast %while3A_258 : i32 to index
        %swap3A_272 = tpu.vector_load %arg9[%swap3A_271] masked %and3A_270 {strides = array<i32>} : memref<16384xi32, #tpu.memory_space<vmem>>, vector<16xi32>, vector<16xi1>
        tpu.vector_store %arg9[%swap3A_271], %get3A_265 masked %and3A_270 {strides = array<i32>} : memref<16384xi32, #tpu.memory_space<vmem>>, vector<16xi32>, vector<16xi1>
        %all_reduce_population_count3A = tpu.all_reduce %and3A_270 {dim = 0 : i64, kind = #tpu.reduction_kind<sum>} : vector<16xi1> -> vector<16xi32>
        %slice3A_273 = vector.extract_strided_slice %all_reduce_population_count3A {offsets = [0], sizes = [1], strides = [1]} : vector<16xi32> to vector<1xi32>
        %squeeze3A_274 = vector.extract %slice3A_273[0] : i32 from vector<1xi32>
        %add3A_275 = arith.addi %while3A_258, %squeeze3A_274 : i32
        scf.yield %add3A_275 : i32
      }
      %add3A_213 = arith.constant 2048 : i32
      %add3A_214 = arith.addi %squeeze3A, %add3A_213 : i32
      %sub3A_215 = arith.constant 1 : i32
      %sub3A_216 = arith.subi %add3A_214, %sub3A_215 : i32
      %jit3A_217 = arith.constant 2048 : i32
      %div3A_218 = arith.divsi %sub3A_216, %jit3A_217 : i32
      %sign3A_219 = arith.constant 0 : i32
      %sign3A_220 = arith.cmpi sgt, %sub3A_216, %sign3A_219 : i32
      %sign3A_221 = arith.extui %sign3A_220 : i1 to i32
      %sign3A_222 = arith.constant 0 : i32
      %sign3A_223 = arith.cmpi slt, %sub3A_216, %sign3A_222 : i32
      %sign3A_224 = arith.extui %sign3A_223 : i1 to i32
      %sign3A_225 = arith.subi %sign3A_221, %sign3A_224 : i32
      %sign3A_226 = arith.constant 0 : i32
      %sign3A_227 = arith.cmpi sgt, %jit3A_217, %sign3A_226 : i32
      %sign3A_228 = arith.extui %sign3A_227 : i1 to i32
      %sign3A_229 = arith.constant 0 : i32
      %sign3A_230 = arith.cmpi slt, %jit3A_217, %sign3A_229 : i32
      %sign3A_231 = arith.extui %sign3A_230 : i1 to i32
      %sign3A_232 = arith.subi %sign3A_228, %sign3A_231 : i32
      %ne3A_233 = arith.cmpi ne, %sign3A_225, %sign3A_232 : i32
      %rem3A_234 = arith.remsi %sub3A_216, %jit3A_217 : i32
      %ne3A_235 = arith.constant 0 : i32
      %ne3A_236 = arith.cmpi ne, %rem3A_234, %ne3A_235 : i32
      %and3A_237 = arith.andi %ne3A_233, %ne3A_236 : i1
      %sub3A_238 = arith.constant 1 : i32
      %sub3A_239 = arith.subi %div3A_218, %sub3A_238 : i32
      %select_n3A_240 = arith.select %and3A_237, %sub3A_239, %div3A_218 : i32
      %while3A_241 = arith.constant 1 : i32
      %while3A_242 = arith.subi %select_n3A_240, %while3A_241 : i32
      %while3A_243 = arith.addi %while3A_241, %while3A_242 : i32
      %while3A_244 = arith.constant 1 : i32
      %while3A_245 = arith.divsi %while3A_242, %while3A_244 : i32
      %while3A_246 = arith.muli %while3A_245, %while3A_244 : i32
      %while3A_247 = arith.addi %while3A_241, %while3A_246 : i32
      %while3A_248 = arith.constant 1 : i32
      %while3A_249 = scf.for %while3A_257 = %while3A_241 to %while3A_247 step %while3A_248 iter_args(%while3A_258 = %while3A_212) -> (i32)  : i32 {
        %mul3A_259 = arith.constant 10256 : i32
        %mul3A_260 = arith.muli %scan3A_153, %mul3A_259 : i32
        %mul3A_261 = arith.constant 2048 : i32
        %mul3A_262 = arith.muli %while3A_257, %mul3A_261 : i32
        %add3A_263 = arith.addi %mul3A_260, %mul3A_262 : i32
        %mul3A_264 = arith.constant 2048 : i32
        %mul3A_265 = arith.muli %rem3A_156, %mul3A_264 : i32
        %dma_start3A_266 = tpu.memref_slice %arg8[%mul3A_265] : memref<4096xi32, #tpu.memory_space<vmem>> -> memref<2048xi32, #tpu.memory_space<vmem>>
        %dma_start3A_267 = tpu.memref_slice %arg2[%add3A_263] : memref<328192xi32, #tpu.memory_space<hbm>> -> memref<2048xi32, #tpu.memory_space<hbm>>
        %dma_start3A_268 = tpu.memref_slice %arg8[%mul3A_265] : memref<4096xi32, #tpu.memory_space<vmem>> -> memref<2048xi32, #tpu.memory_space<vmem>>
        %dma_start3A_269 = tpu.memref_slice %arg2[%add3A_263] : memref<328192xi32, #tpu.memory_space<hbm>> -> memref<2048xi32, #tpu.memory_space<hbm>>
        tpu.enqueue_dma source(%dma_start3A_269 : memref<2048xi32, #tpu.memory_space<hbm>>) target(%dma_start3A_268 : memref<2048xi32, #tpu.memory_space<vmem>>) target_semaphore(%arg14 : memref<!tpu.dma_semaphore, #tpu.memory_space<semaphore_mem>>)
        %dma_wait3A_270 = tpu.memref_slice %arg8[%mul3A_265] : memref<4096xi32, #tpu.memory_space<vmem>> -> memref<2048xi32, #tpu.memory_space<vmem>>
        %dma_wait3A_271 = tpu.memref_slice %arg2[%add3A_263] : memref<328192xi32, #tpu.memory_space<hbm>> -> memref<2048xi32, #tpu.memory_space<hbm>>
        %dma_wait3A_272 = tpu.memref_slice %arg8[%mul3A_265] : memref<4096xi32, #tpu.memory_space<vmem>> -> memref<2048xi32, #tpu.memory_space<vmem>>
        %dma_wait3A_273 = tpu.memref_slice %arg2[%add3A_263] : memref<328192xi32, #tpu.memory_space<hbm>> -> memref<2048xi32, #tpu.memory_space<hbm>>
        tpu.wait_dma2 semaphore(%arg14 : memref<!tpu.dma_semaphore, #tpu.memory_space<semaphore_mem>>) src(%dma_wait3A_273 : memref<2048xi32, #tpu.memory_space<hbm>>) dst(%dma_wait3A_272 : memref<2048xi32, #tpu.memory_space<vmem>>)
        %mul3A_274 = arith.constant 2048 : i32
        %mul3A_275 = arith.muli %while3A_257, %mul3A_274 : i32
        %sub3A_276 = arith.subi %squeeze3A, %mul3A_275 : i32
        %add3A_277 = arith.constant 16 : i32
        %add3A_278 = arith.addi %sub3A_276, %add3A_277 : i32
        %sub3A_279 = arith.constant 1 : i32
        %sub3A_280 = arith.subi %add3A_278, %sub3A_279 : i32
        %jit3A_281 = arith.constant 16 : i32
        %div3A_282 = arith.divsi %sub3A_280, %jit3A_281 : i32
        %sign3A_283 = arith.constant 0 : i32
        %sign3A_284 = arith.cmpi sgt, %sub3A_280, %sign3A_283 : i32
        %sign3A_285 = arith.extui %sign3A_284 : i1 to i32
        %sign3A_286 = arith.constant 0 : i32
        %sign3A_287 = arith.cmpi slt, %sub3A_280, %sign3A_286 : i32
        %sign3A_288 = arith.extui %sign3A_287 : i1 to i32
        %sign3A_289 = arith.subi %sign3A_285, %sign3A_288 : i32
        %sign3A_290 = arith.constant 0 : i32
        %sign3A_291 = arith.cmpi sgt, %jit3A_281, %sign3A_290 : i32
        %sign3A_292 = arith.extui %sign3A_291 : i1 to i32
        %sign3A_293 = arith.constant 0 : i32
        %sign3A_294 = arith.cmpi slt, %jit3A_281, %sign3A_293 : i32
        %sign3A_295 = arith.extui %sign3A_294 : i1 to i32
        %sign3A_296 = arith.subi %sign3A_292, %sign3A_295 : i32
        %ne3A_297 = arith.cmpi ne, %sign3A_289, %sign3A_296 : i32
        %rem3A_298 = arith.remsi %sub3A_280, %jit3A_281 : i32
        %ne3A_299 = arith.constant 0 : i32
        %ne3A_300 = arith.cmpi ne, %rem3A_298, %ne3A_299 : i32
        %and3A_301 = arith.andi %ne3A_297, %ne3A_300 : i1
        %sub3A_302 = arith.constant 1 : i32
        %sub3A_303 = arith.subi %div3A_282, %sub3A_302 : i32
        %select_n3A_304 = arith.select %and3A_301, %sub3A_303, %div3A_282 : i32
        %min3A_305 = arith.constant 128 : i32
        %min3A_306 = arith.minsi %min3A_305, %select_n3A_304 : i32
        %while3A_307 = arith.constant 0 : i32
        %while3A_308 = arith.subi %min3A_306, %while3A_307 : i32
        %while3A_309 = arith.addi %while3A_307, %while3A_308 : i32
        %while3A_310 = arith.constant 1 : i32
        %while3A_311 = arith.divsi %while3A_308, %while3A_310 : i32
        %while3A_312 = arith.muli %while3A_311, %while3A_310 : i32
        %while3A_313 = arith.addi %while3A_307, %while3A_312 : i32
        %while3A_314 = arith.constant 1 : i32
        %while3A_315 = scf.for %while3A_318 = %while3A_307 to %while3A_313 step %while3A_314 iter_args(%while3A_319 = %while3A_258) -> (i32)  : i32 {
          %mul3A_320 = arith.constant 2048 : i32
          %mul3A_321 = arith.muli %rem3A_156, %mul3A_320 : i32
          %mul3A_322 = arith.constant 16 : i32
          %mul3A_323 = arith.muli %while3A_318, %mul3A_322 : i32
          %add3A_324 = arith.addi %mul3A_321, %mul3A_323 : i32
          %get3A_325 = arith.index_cast %add3A_324 : i32 to index
          %get3A_326 = tpu.vector_load %arg8[%get3A_325] {strides = array<i32>} : memref<4096xi32, #tpu.memory_space<vmem>>, vector<16xi32>,
          %ge3A_327 = vector.broadcast %shift_left3A_39 : i32 to vector<16xi32>
          %ge3A_328 = arith.cmpi sge, %get3A_326, %ge3A_327 : vector<16xi32>
          %lt3A_329 = vector.broadcast %shift_left3A_43 : i32 to vector<16xi32>
          %lt3A_330 = arith.cmpi slt, %get3A_326, %lt3A_329 : vector<16xi32>
          %and3A_331 = arith.andi %ge3A_328, %lt3A_330 : vector<16xi1>
          %swap3A_332 = arith.index_cast %while3A_319 : i32 to index
          %swap3A_333 = tpu.vector_load %arg9[%swap3A_332] masked %and3A_331 {strides = array<i32>} : memref<16384xi32, #tpu.memory_space<vmem>>, vector<16xi32>, vector<16xi1>
          tpu.vector_store %arg9[%swap3A_332], %get3A_326 masked %and3A_331 {strides = array<i32>} : memref<16384xi32, #tpu.memory_space<vmem>>, vector<16xi32>, vector<16xi1>
          %all_reduce_population_count3A = tpu.all_reduce %and3A_331 {dim = 0 : i64, kind = #tpu.reduction_kind<sum>} : vector<16xi1> -> vector<16xi32>
          %slice3A_334 = vector.extract_strided_slice %all_reduce_population_count3A {offsets = [0], sizes = [1], strides = [1]} : vector<16xi32> to vector<1xi32>
          %squeeze3A_335 = vector.extract %slice3A_334[0] : i32 from vector<1xi32>
          %add3A_336 = arith.addi %while3A_319, %squeeze3A_335 : i32
          scf.yield %add3A_336 : i32
        }
        %while3A_316 = arith.constant 1 : i32
        %while3A_317 = scf.for %while3A_318 = %while3A_313 to %while3A_309 step %while3A_316 iter_args(%while3A_319 = %while3A_315) -> (i32)  : i32 {
          %mul3A_320 = arith.constant 2048 : i32
          %mul3A_321 = arith.muli %rem3A_156, %mul3A_320 : i32
          %mul3A_322 = arith.constant 16 : i32
          %mul3A_323 = arith.muli %while3A_318, %mul3A_322 : i32
          %add3A_324 = arith.addi %mul3A_321, %mul3A_323 : i32
          %get3A_325 = arith.index_cast %add3A_324 : i32 to index
          %get3A_326 = tpu.vector_load %arg8[%get3A_325] {strides = array<i32>} : memref<4096xi32, #tpu.memory_space<vmem>>, vector<16xi32>,
          %ge3A_327 = vector.broadcast %shift_left3A_39 : i32 to vector<16xi32>
          %ge3A_328 = arith.cmpi sge, %get3A_326, %ge3A_327 : vector<16xi32>
          %lt3A_329 = vector.broadcast %shift_left3A_43 : i32 to vector<16xi32>
          %lt3A_330 = arith.cmpi slt, %get3A_326, %lt3A_329 : vector<16xi32>
          %and3A_331 = arith.andi %ge3A_328, %lt3A_330 : vector<16xi1>
          %swap3A_332 = arith.index_cast %while3A_319 : i32 to index
          %swap3A_333 = tpu.vector_load %arg9[%swap3A_332] masked %and3A_331 {strides = array<i32>} : memref<16384xi32, #tpu.memory_space<vmem>>, vector<16xi32>, vector<16xi1>
          tpu.vector_store %arg9[%swap3A_332], %get3A_326 masked %and3A_331 {strides = array<i32>} : memref<16384xi32, #tpu.memory_space<vmem>>, vector<16xi32>, vector<16xi1>
          %all_reduce_population_count3A = tpu.all_reduce %and3A_331 {dim = 0 : i64, kind = #tpu.reduction_kind<sum>} : vector<16xi1> -> vector<16xi32>
          %slice3A_334 = vector.extract_strided_slice %all_reduce_population_count3A {offsets = [0], sizes = [1], strides = [1]} : vector<16xi32> to vector<1xi32>
          %squeeze3A_335 = vector.extract %slice3A_334[0] : i32 from vector<1xi32>
          %add3A_336 = arith.addi %while3A_319, %squeeze3A_335 : i32
          scf.yield %add3A_336 : i32
        }
        scf.yield %while3A_317 : i32
      }
      %while3A_250 = arith.constant 1 : i32
      %while3A_251 = scf.for %while3A_257 = %while3A_247 to %while3A_243 step %while3A_250 iter_args(%while3A_258 = %while3A_249) -> (i32)  : i32 {
        %mul3A_259 = arith.constant 10256 : i32
        %mul3A_260 = arith.muli %scan3A_153, %mul3A_259 : i32
        %mul3A_261 = arith.constant 2048 : i32
        %mul3A_262 = arith.muli %while3A_257, %mul3A_261 : i32
        %add3A_263 = arith.addi %mul3A_260, %mul3A_262 : i32
        %mul3A_264 = arith.constant 2048 : i32
        %mul3A_265 = arith.muli %rem3A_156, %mul3A_264 : i32
        %dma_start3A_266 = tpu.memref_slice %arg8[%mul3A_265] : memref<4096xi32, #tpu.memory_space<vmem>> -> memref<2048xi32, #tpu.memory_space<vmem>>
        %dma_start3A_267 = tpu.memref_slice %arg2[%add3A_263] : memref<328192xi32, #tpu.memory_space<hbm>> -> memref<2048xi32, #tpu.memory_space<hbm>>
        %dma_start3A_268 = tpu.memref_slice %arg8[%mul3A_265] : memref<4096xi32, #tpu.memory_space<vmem>> -> memref<2048xi32, #tpu.memory_space<vmem>>
        %dma_start3A_269 = tpu.memref_slice %arg2[%add3A_263] : memref<328192xi32, #tpu.memory_space<hbm>> -> memref<2048xi32, #tpu.memory_space<hbm>>
        tpu.enqueue_dma source(%dma_start3A_269 : memref<2048xi32, #tpu.memory_space<hbm>>) target(%dma_start3A_268 : memref<2048xi32, #tpu.memory_space<vmem>>) target_semaphore(%arg14 : memref<!tpu.dma_semaphore, #tpu.memory_space<semaphore_mem>>)
        %dma_wait3A_270 = tpu.memref_slice %arg8[%mul3A_265] : memref<4096xi32, #tpu.memory_space<vmem>> -> memref<2048xi32, #tpu.memory_space<vmem>>
        %dma_wait3A_271 = tpu.memref_slice %arg2[%add3A_263] : memref<328192xi32, #tpu.memory_space<hbm>> -> memref<2048xi32, #tpu.memory_space<hbm>>
        %dma_wait3A_272 = tpu.memref_slice %arg8[%mul3A_265] : memref<4096xi32, #tpu.memory_space<vmem>> -> memref<2048xi32, #tpu.memory_space<vmem>>
        %dma_wait3A_273 = tpu.memref_slice %arg2[%add3A_263] : memref<328192xi32, #tpu.memory_space<hbm>> -> memref<2048xi32, #tpu.memory_space<hbm>>
        tpu.wait_dma2 semaphore(%arg14 : memref<!tpu.dma_semaphore, #tpu.memory_space<semaphore_mem>>) src(%dma_wait3A_273 : memref<2048xi32, #tpu.memory_space<hbm>>) dst(%dma_wait3A_272 : memref<2048xi32, #tpu.memory_space<vmem>>)
        %mul3A_274 = arith.constant 2048 : i32
        %mul3A_275 = arith.muli %while3A_257, %mul3A_274 : i32
        %sub3A_276 = arith.subi %squeeze3A, %mul3A_275 : i32
        %add3A_277 = arith.constant 16 : i32
        %add3A_278 = arith.addi %sub3A_276, %add3A_277 : i32
        %sub3A_279 = arith.constant 1 : i32
        %sub3A_280 = arith.subi %add3A_278, %sub3A_279 : i32
        %jit3A_281 = arith.constant 16 : i32
        %div3A_282 = arith.divsi %sub3A_280, %jit3A_281 : i32
        %sign3A_283 = arith.constant 0 : i32
        %sign3A_284 = arith.cmpi sgt, %sub3A_280, %sign3A_283 : i32
        %sign3A_285 = arith.extui %sign3A_284 : i1 to i32
        %sign3A_286 = arith.constant 0 : i32
        %sign3A_287 = arith.cmpi slt, %sub3A_280, %sign3A_286 : i32
        %sign3A_288 = arith.extui %sign3A_287 : i1 to i32
        %sign3A_289 = arith.subi %sign3A_285, %sign3A_288 : i32
        %sign3A_290 = arith.constant 0 : i32
        %sign3A_291 = arith.cmpi sgt, %jit3A_281, %sign3A_290 : i32
        %sign3A_292 = arith.extui %sign3A_291 : i1 to i32
        %sign3A_293 = arith.constant 0 : i32
        %sign3A_294 = arith.cmpi slt, %jit3A_281, %sign3A_293 : i32
        %sign3A_295 = arith.extui %sign3A_294 : i1 to i32
        %sign3A_296 = arith.subi %sign3A_292, %sign3A_295 : i32
        %ne3A_297 = arith.cmpi ne, %sign3A_289, %sign3A_296 : i32
        %rem3A_298 = arith.remsi %sub3A_280, %jit3A_281 : i32
        %ne3A_299 = arith.constant 0 : i32
        %ne3A_300 = arith.cmpi ne, %rem3A_298, %ne3A_299 : i32
        %and3A_301 = arith.andi %ne3A_297, %ne3A_300 : i1
        %sub3A_302 = arith.constant 1 : i32
        %sub3A_303 = arith.subi %div3A_282, %sub3A_302 : i32
        %select_n3A_304 = arith.select %and3A_301, %sub3A_303, %div3A_282 : i32
        %min3A_305 = arith.constant 128 : i32
        %min3A_306 = arith.minsi %min3A_305, %select_n3A_304 : i32
        %while3A_307 = arith.constant 0 : i32
        %while3A_308 = arith.subi %min3A_306, %while3A_307 : i32
        %while3A_309 = arith.addi %while3A_307, %while3A_308 : i32
        %while3A_310 = arith.constant 1 : i32
        %while3A_311 = arith.divsi %while3A_308, %while3A_310 : i32
        %while3A_312 = arith.muli %while3A_311, %while3A_310 : i32
        %while3A_313 = arith.addi %while3A_307, %while3A_312 : i32
        %while3A_314 = arith.constant 1 : i32
        %while3A_315 = scf.for %while3A_318 = %while3A_307 to %while3A_313 step %while3A_314 iter_args(%while3A_319 = %while3A_258) -> (i32)  : i32 {
          %mul3A_320 = arith.constant 2048 : i32
          %mul3A_321 = arith.muli %rem3A_156, %mul3A_320 : i32
          %mul3A_322 = arith.constant 16 : i32
          %mul3A_323 = arith.muli %while3A_318, %mul3A_322 : i32
          %add3A_324 = arith.addi %mul3A_321, %mul3A_323 : i32
          %get3A_325 = arith.index_cast %add3A_324 : i32 to index
          %get3A_326 = tpu.vector_load %arg8[%get3A_325] {strides = array<i32>} : memref<4096xi32, #tpu.memory_space<vmem>>, vector<16xi32>,
          %ge3A_327 = vector.broadcast %shift_left3A_39 : i32 to vector<16xi32>
          %ge3A_328 = arith.cmpi sge, %get3A_326, %ge3A_327 : vector<16xi32>
          %lt3A_329 = vector.broadcast %shift_left3A_43 : i32 to vector<16xi32>
          %lt3A_330 = arith.cmpi slt, %get3A_326, %lt3A_329 : vector<16xi32>
          %and3A_331 = arith.andi %ge3A_328, %lt3A_330 : vector<16xi1>
          %swap3A_332 = arith.index_cast %while3A_319 : i32 to index
          %swap3A_333 = tpu.vector_load %arg9[%swap3A_332] masked %and3A_331 {strides = array<i32>} : memref<16384xi32, #tpu.memory_space<vmem>>, vector<16xi32>, vector<16xi1>
          tpu.vector_store %arg9[%swap3A_332], %get3A_326 masked %and3A_331 {strides = array<i32>} : memref<16384xi32, #tpu.memory_space<vmem>>, vector<16xi32>, vector<16xi1>
          %all_reduce_population_count3A = tpu.all_reduce %and3A_331 {dim = 0 : i64, kind = #tpu.reduction_kind<sum>} : vector<16xi1> -> vector<16xi32>
          %slice3A_334 = vector.extract_strided_slice %all_reduce_population_count3A {offsets = [0], sizes = [1], strides = [1]} : vector<16xi32> to vector<1xi32>
          %squeeze3A_335 = vector.extract %slice3A_334[0] : i32 from vector<1xi32>
          %add3A_336 = arith.addi %while3A_319, %squeeze3A_335 : i32
          scf.yield %add3A_336 : i32
        }
        %while3A_316 = arith.constant 1 : i32
        %while3A_317 = scf.for %while3A_318 = %while3A_313 to %while3A_309 step %while3A_316 iter_args(%while3A_319 = %while3A_315) -> (i32)  : i32 {
          %mul3A_320 = arith.constant 2048 : i32
          %mul3A_321 = arith.muli %rem3A_156, %mul3A_320 : i32
          %mul3A_322 = arith.constant 16 : i32
          %mul3A_323 = arith.muli %while3A_318, %mul3A_322 : i32
          %add3A_324 = arith.addi %mul3A_321, %mul3A_323 : i32
          %get3A_325 = arith.index_cast %add3A_324 : i32 to index
          %get3A_326 = tpu.vector_load %arg8[%get3A_325] {strides = array<i32>} : memref<4096xi32, #tpu.memory_space<vmem>>, vector<16xi32>,
          %ge3A_327 = vector.broadcast %shift_left3A_39 : i32 to vector<16xi32>
          %ge3A_328 = arith.cmpi sge, %get3A_326, %ge3A_327 : vector<16xi32>
          %lt3A_329 = vector.broadcast %shift_left3A_43 : i32 to vector<16xi32>
          %lt3A_330 = arith.cmpi slt, %get3A_326, %lt3A_329 : vector<16xi32>
          %and3A_331 = arith.andi %ge3A_328, %lt3A_330 : vector<16xi1>
          %swap3A_332 = arith.index_cast %while3A_319 : i32 to index
          %swap3A_333 = tpu.vector_load %arg9[%swap3A_332] masked %and3A_331 {strides = array<i32>} : memref<16384xi32, #tpu.memory_space<vmem>>, vector<16xi32>, vector<16xi1>
          tpu.vector_store %arg9[%swap3A_332], %get3A_326 masked %and3A_331 {strides = array<i32>} : memref<16384xi32, #tpu.memory_space<vmem>>, vector<16xi32>, vector<16xi1>
          %all_reduce_population_count3A = tpu.all_reduce %and3A_331 {dim = 0 : i64, kind = #tpu.reduction_kind<sum>} : vector<16xi1> -> vector<16xi32>
          %slice3A_334 = vector.extract_strided_slice %all_reduce_population_count3A {offsets = [0], sizes = [1], strides = [1]} : vector<16xi32> to vector<1xi32>
          %squeeze3A_335 = vector.extract %slice3A_334[0] : i32 from vector<1xi32>
          %add3A_336 = arith.addi %while3A_319, %squeeze3A_335 : i32
          scf.yield %add3A_336 : i32
        }
        scf.yield %while3A_317 : i32
      }
      %ge3A = arith.constant 6128 : i32
      %ge3A_252 = arith.cmpi sge, %while3A_251, %ge3A : i32
      %convert_element_type3A_253 = arith.extui %ge3A_252 : i1 to i32
      %cond3A_254 = arith.constant 0 : i32
      %cond3A_255 = arith.cmpi ne, %convert_element_type3A_253, %cond3A_254 : i32
      %cond3A_256 = scf.if %cond3A_255 -> (i32) {
        %jit3A_257 = arith.constant 128 : i32
        %div3A_258 = arith.divsi %while3A_251, %jit3A_257 : i32
        %sign3A_259 = arith.constant 0 : i32
        %sign3A_260 = arith.cmpi sgt, %while3A_251, %sign3A_259 : i32
        %sign3A_261 = arith.extui %sign3A_260 : i1 to i32
        %sign3A_262 = arith.constant 0 : i32
        %sign3A_263 = arith.cmpi slt, %while3A_251, %sign3A_262 : i32
        %sign3A_264 = arith.extui %sign3A_263 : i1 to i32
        %sign3A_265 = arith.subi %sign3A_261, %sign3A_264 : i32
        %sign3A_266 = arith.constant 0 : i32
        %sign3A_267 = arith.cmpi sgt, %jit3A_257, %sign3A_266 : i32
        %sign3A_268 = arith.extui %sign3A_267 : i1 to i32
        %sign3A_269 = arith.constant 0 : i32
        %sign3A_270 = arith.cmpi slt, %jit3A_257, %sign3A_269 : i32
        %sign3A_271 = arith.extui %sign3A_270 : i1 to i32
        %sign3A_272 = arith.subi %sign3A_268, %sign3A_271 : i32
        %ne3A_273 = arith.cmpi ne, %sign3A_265, %sign3A_272 : i32
        %rem3A_274 = arith.remsi %while3A_251, %jit3A_257 : i32
        %ne3A_275 = arith.constant 0 : i32
        %ne3A_276 = arith.cmpi ne, %rem3A_274, %ne3A_275 : i32
        %and3A_277 = arith.andi %ne3A_273, %ne3A_276 : i1
        %sub3A_278 = arith.constant 1 : i32
        %sub3A_279 = arith.subi %div3A_258, %sub3A_278 : i32
        %select_n3A_280 = arith.select %and3A_277, %sub3A_279, %div3A_258 : i32
        %mul3A_281 = arith.constant 128 : i32
        %mul3A_282 = arith.muli %select_n3A_280, %mul3A_281 : i32
        %scan3A_283 = arith.constant 0 : i32
        %scan3A_284 = arith.constant 0 : i32
        %scan3A_285 = arith.constant 8 : i32
        %scan3A_286 = arith.addi %scan3A_284, %scan3A_285 : i32
        %scan3A_287 = arith.constant 1 : i32
        %scan3A_288 = scf.for %scan3A_322 = %scan3A_284 to %scan3A_286 step %scan3A_287 iter_args(%scan3A_323 = %scan3A_283) -> (i32)  : i32 {
          %mul3A_324 = arith.constant 16 : i32
          %mul3A_325 = arith.muli %scan3A_322, %mul3A_324 : i32
          %add3A_326 = arith.constant 0 : i32
          %add3A_327 = arith.addi %add3A_326, %mul3A_325 : i32
          %get3A_328 = arith.index_cast %add3A_327 : i32 to index
          %get3A_329 = tpu.vector_load %arg9[%get3A_328] {strides = array<i32>} : memref<16384xi32, #tpu.memory_space<vmem>>, vector<16xi32>,
          %and3A_330 = arith.andi %get3A_329, %broadcast_in_dim3A_38 : vector<16xi32>
          %mul3A_331 = arith.constant 16 : i32
          %mul3A_332 = arith.muli %scan3A_322, %mul3A_331 : i32
          %add3A_333 = arith.constant 0 : i32
          %add3A_334 = arith.addi %add3A_333, %mul3A_332 : i32
          %swap3A_335 = arith.index_cast %add3A_334 : i32 to index
          %swap3A_336 = tpu.vector_load %arg10[%swap3A_335] {strides = array<i32>} : memref<256xi32, #tpu.memory_space<vmem>>, vector<16xi32>,
          tpu.vector_store %arg10[%swap3A_335], %and3A_330 {strides = array<i32>} : memref<256xi32, #tpu.memory_space<vmem>>, vector<16xi32>,
          %scan3A_337 = arith.constant 0 : i32
          scf.yield %scan3A_337 : i32
        }
        %scan3A_289 = arith.constant 8 : i32
        %dma_start3A_290 = arith.constant 0 : i32
        %dma_start3A_291 = arith.constant 0 : i32
        %dma_start3A_292 = tpu.memref_slice %arg11[%dma_start3A_290, %dma_start3A_291] : memref<256x128xf32, #tpu.memory_space<vmem>> -> memref<128x128xf32, #tpu.memory_space<vmem>>
        %dma_start3A_293 = arith.constant 0 : i32
        %dma_start3A_294 = tpu.memref_slice %arg10[%dma_start3A_293] : memref<256xi32, #tpu.memory_space<vmem>> -> memref<128xi32, #tpu.memory_space<vmem>>
        %dma_start3A_295 = arith.constant 0 : i32
        %dma_start3A_296 = arith.constant 0 : i32
        %dma_start3A_297 = tpu.memref_slice %arg4[%dma_start3A_295, %dma_start3A_296] : memref<10000x128xf32, #tpu.memory_space<hbm>> -> memref<10000x128xf32, #tpu.memory_space<hbm>>
        tpu.enqueue_indirect_dma source(%dma_start3A_297 : memref<10000x128xf32, #tpu.memory_space<hbm>>) target(%dma_start3A_292 : memref<128x128xf32, #tpu.memory_space<vmem>>) offsets(%dma_start3A_294 : memref<128xi32, #tpu.memory_space<vmem>>) semaphore(%arg15 : memref<!tpu.dma_semaphore, #tpu.memory_space<semaphore_mem>>)
        %max3A_298 = arith.constant 1 : i32
        %max3A_299 = arith.maxsi %select_n3A_280, %max3A_298 : i32
        %while3A_300 = arith.constant 0 : i32
        %while3A_301 = arith.constant 0 : i32
        %while3A_302 = arith.subi %max3A_299, %while3A_300 : i32
        %while3A_303 = arith.addi %while3A_300, %while3A_302 : i32
        %while3A_304 = arith.constant 1 : i32
        %while3A_305 = arith.divsi %while3A_302, %while3A_304 : i32
        %while3A_306 = arith.muli %while3A_305, %while3A_304 : i32
        %while3A_307 = arith.addi %while3A_300, %while3A_306 : i32
        %while3A_308 = arith.constant 1 : i32
        %while3A_309 = scf.for %while3A_322 = %while3A_300 to %while3A_307 step %while3A_308 iter_args(%while3A_323 = %while3A_301) -> (i32)  : i32 {
          %rem3A_324 = arith.constant 2 : i32
          %rem3A_325 = arith.remsi %while3A_322, %rem3A_324 : i32
          %mul3A_326 = arith.constant 128 : i32
          %mul3A_327 = arith.muli %rem3A_325, %mul3A_326 : i32
          %mul3A_328 = arith.constant 128 : i32
          %mul3A_329 = arith.muli %rem3A_325, %mul3A_328 : i32
          %dma_wait3A_330 = arith.constant 0 : i32
          %dma_wait3A_331 = tpu.memref_slice %arg11[%mul3A_329, %dma_wait3A_330] : memref<256x128xf32, #tpu.memory_space<vmem>> -> memref<128x128xf32, #tpu.memory_space<vmem>>
          %dma_wait3A_332 = tpu.memref_slice %arg10[%mul3A_327] : memref<256xi32, #tpu.memory_space<vmem>> -> memref<128xi32, #tpu.memory_space<vmem>>
          %dma_wait3A_333 = arith.constant 0 : i32
          %dma_wait3A_334 = arith.constant 0 : i32
          %dma_wait3A_335 = tpu.memref_slice %arg4[%dma_wait3A_333, %dma_wait3A_334] : memref<10000x128xf32, #tpu.memory_space<hbm>> -> memref<10000x128xf32, #tpu.memory_space<hbm>>
          tpu.wait_indirect_dma semaphore(%arg15 : memref<!tpu.dma_semaphore, #tpu.memory_space<semaphore_mem>>) src(%dma_wait3A_335 : memref<10000x128xf32, #tpu.memory_space<hbm>>) dst(%dma_wait3A_331 : memref<128x128xf32, #tpu.memory_space<vmem>>)
          %add3A_336 = arith.constant 1 : i32
          %add3A_337 = arith.addi %while3A_322, %add3A_336 : i32
          %lt3A_338 = arith.cmpi slt, %add3A_337, %select_n3A_280 : i32
          %convert_element_type3A_339 = arith.extui %lt3A_338 : i1 to i32
          %cond3A_340 = arith.constant 0 : i32
          %cond3A_341 = arith.cmpi ne, %convert_element_type3A_339, %cond3A_340 : i32
          scf.if %cond3A_341 {
            %add3A_360 = arith.constant 1 : i32
            %add3A_361 = arith.addi %while3A_322, %add3A_360 : i32
            %sub3A_362 = arith.constant 1 : i32
            %sub3A_363 = arith.subi %sub3A_362, %rem3A_325 : i32
            %scan3A_364 = arith.constant 0 : i32
            %scan3A_365 = arith.constant 0 : i32
            %scan3A_366 = arith.constant 8 : i32
            %scan3A_367 = arith.addi %scan3A_365, %scan3A_366 : i32
            %scan3A_368 = arith.constant 1 : i32
            %scan3A_369 = scf.for %scan3A_381 = %scan3A_365 to %scan3A_367 step %scan3A_368 iter_args(%scan3A_382 = %scan3A_364) -> (i32)  : i32 {
              %mul3A_383 = arith.constant 128 : i32
              %mul3A_384 = arith.muli %add3A_361, %mul3A_383 : i32
              %mul3A_385 = arith.constant 16 : i32
              %mul3A_386 = arith.muli %scan3A_381, %mul3A_385 : i32
              %add3A_387 = arith.addi %mul3A_384, %mul3A_386 : i32
              %get3A_388 = arith.index_cast %add3A_387 : i32 to index
              %get3A_389 = tpu.vector_load %arg9[%get3A_388] {strides = array<i32>} : memref<16384xi32, #tpu.memory_space<vmem>>, vector<16xi32>,
              %and3A_390 = arith.andi %get3A_389, %broadcast_in_dim3A_38 : vector<16xi32>
              %mul3A_391 = arith.constant 128 : i32
              %mul3A_392 = arith.muli %sub3A_363, %mul3A_391 : i32
              %mul3A_393 = arith.constant 16 : i32
              %mul3A_394 = arith.muli %scan3A_381, %mul3A_393 : i32
              %add3A_395 = arith.addi %mul3A_392, %mul3A_394 : i32
              %swap3A_396 = arith.index_cast %add3A_395 : i32 to index
              %swap3A_397 = tpu.vector_load %arg10[%swap3A_396] {strides = array<i32>} : memref<256xi32, #tpu.memory_space<vmem>>, vector<16xi32>,
              tpu.vector_store %arg10[%swap3A_396], %and3A_390 {strides = array<i32>} : memref<256xi32, #tpu.memory_space<vmem>>, vector<16xi32>,
              %scan3A_398 = arith.constant 0 : i32
              scf.yield %scan3A_398 : i32
            }
            %scan3A_370 = arith.constant 8 : i32
            %mul3A_371 = arith.constant 128 : i32
            %mul3A_372 = arith.muli %sub3A_363, %mul3A_371 : i32
            %mul3A_373 = arith.constant 128 : i32
            %mul3A_374 = arith.muli %sub3A_363, %mul3A_373 : i32
            %dma_start3A_375 = arith.constant 0 : i32
            %dma_start3A_376 = tpu.memref_slice %arg11[%mul3A_374, %dma_start3A_375] : memref<256x128xf32, #tpu.memory_space<vmem>> -> memref<128x128xf32, #tpu.memory_space<vmem>>
            %dma_start3A_377 = tpu.memref_slice %arg10[%mul3A_372] : memref<256xi32, #tpu.memory_space<vmem>> -> memref<128xi32, #tpu.memory_space<vmem>>
            %dma_start3A_378 = arith.constant 0 : i32
            %dma_start3A_379 = arith.constant 0 : i32
            %dma_start3A_380 = tpu.memref_slice %arg4[%dma_start3A_378, %dma_start3A_379] : memref<10000x128xf32, #tpu.memory_space<hbm>> -> memref<10000x128xf32, #tpu.memory_space<hbm>>
            tpu.enqueue_indirect_dma source(%dma_start3A_380 : memref<10000x128xf32, #tpu.memory_space<hbm>>) target(%dma_start3A_376 : memref<128x128xf32, #tpu.memory_space<vmem>>) offsets(%dma_start3A_377 : memref<128xi32, #tpu.memory_space<vmem>>) semaphore(%arg15 : memref<!tpu.dma_semaphore, #tpu.memory_space<semaphore_mem>>)
          } else {
          }
          %mul3A_342 = arith.constant 128 : i32
          %mul3A_343 = arith.muli %while3A_322, %mul3A_342 : i32
          %sub3A_344 = arith.subi %mul3A_282, %mul3A_343 : i32
          %min3A_345 = arith.constant 128 : i32
          %min3A_346 = arith.minsi %min3A_345, %sub3A_344 : i32
          %while3A_347 = arith.constant 0 : i32
          %while3A_348 = arith.constant 0 : i32
          %while3A_349 = arith.subi %min3A_346, %while3A_347 : i32
          %while3A_350 = arith.addi %while3A_347, %while3A_349 : i32
          %while3A_351 = arith.constant 1 : i32
          %while3A_352 = arith.divsi %while3A_349, %while3A_351 : i32
          %while3A_353 = arith.muli %while3A_352, %while3A_351 : i32
          %while3A_354 = arith.addi %while3A_347, %while3A_353 : i32
          %while3A_355 = arith.constant 1 : i32
          %while3A_356 = scf.for %while3A_360 = %while3A_347 to %while3A_354 step %while3A_355 iter_args(%while3A_361 = %while3A_348) -> (i32)  : i32 {
            %mul3A_362 = arith.constant 128 : i32
            %mul3A_363 = arith.muli %while3A_322, %mul3A_362 : i32
            %add3A_364 = arith.addi %mul3A_363, %while3A_360 : i32
            %broadcast_in_dim3A_365 = vector.broadcast %add3A_364 : i32 to vector<16xi32>
            %gather3A = tpu.vector_load_idx %arg9[%broadcast_in_dim3A_365] : memref<16384xi32, #tpu.memory_space<vmem>>[vector<16xi32>], vector<16xi32>,
            %shift_right_arithmetic3A = arith.constant 16 : i32
            %shift_right_arithmetic3A_366 = vector.broadcast %shift_right_arithmetic3A : i32 to vector<16xi32>
            %shift_right_arithmetic3A_367 = arith.shrsi %gather3A, %shift_right_arithmetic3A_366 : vector<16xi32>
            %sub3A_368 = vector.broadcast %mul3A_2 : i32 to vector<16xi32>
            %sub3A_369 = arith.subi %shift_right_arithmetic3A_367, %sub3A_368 : vector<16xi32>
            %add3A_370 = arith.constant 0 : i32
            %add3A_371 = vector.broadcast %add3A_370 : i32 to vector<16xi32>
            %add3A_372 = arith.addi %iota3A, %add3A_371 : vector<16xi32>
            %mul3A_373 = arith.constant 128 : i32
            %mul3A_374 = arith.muli %rem3A_325, %mul3A_373 : i32
            %add3A_375 = arith.addi %mul3A_374, %while3A_360 : i32
            %get3A_376 = arith.index_cast %add3A_375 : i32 to index
            %get3A_377 = arith.constant 0 : index
            %get3A_378 = tpu.vector_load %arg11[%get3A_376, %get3A_377] {strides = array<i32>} : memref<256x128xf32, #tpu.memory_space<vmem>>, vector<16xf32>,
            tpu.vector_store_idx %arg12[%sub3A_369, %add3A_372], %get3A_378 {add = true} : memref<40x128xf32, #tpu.memory_space<vmem>>[vector<16xi32>, vector<16xi32>], vector<16xf32>,
            %add3A_379 = arith.constant 16 : i32
            %add3A_380 = vector.broadcast %add3A_379 : i32 to vector<16xi32>
            %add3A_381 = arith.addi %iota3A, %add3A_380 : vector<16xi32>
            %mul3A_382 = arith.constant 128 : i32
            %mul3A_383 = arith.muli %rem3A_325, %mul3A_382 : i32
            %add3A_384 = arith.addi %mul3A_383, %while3A_360 : i32
            %get3A_385 = arith.index_cast %add3A_384 : i32 to index
            %get3A_386 = arith.constant 16 : index
            %get3A_387 = tpu.vector_load %arg11[%get3A_385, %get3A_386] {strides = array<i32>} : memref<256x128xf32, #tpu.memory_space<vmem>>, vector<16xf32>,
            tpu.vector_store_idx %arg12[%sub3A_369, %add3A_381], %get3A_387 {add = true} : memref<40x128xf32, #tpu.memory_space<vmem>>[vector<16xi32>, vector<16xi32>], vector<16xf32>,
            %add3A_388 = arith.constant 32 : i32
            %add3A_389 = vector.broadcast %add3A_388 : i32 to vector<16xi32>
            %add3A_390 = arith.addi %iota3A, %add3A_389 : vector<16xi32>
            %mul3A_391 = arith.constant 128 : i32
            %mul3A_392 = arith.muli %rem3A_325, %mul3A_391 : i32
            %add3A_393 = arith.addi %mul3A_392, %while3A_360 : i32
            %get3A_394 = arith.index_cast %add3A_393 : i32 to index
            %get3A_395 = arith.constant 32 : index
            %get3A_396 = tpu.vector_load %arg11[%get3A_394, %get3A_395] {strides = array<i32>} : memref<256x128xf32, #tpu.memory_space<vmem>>, vector<16xf32>,
            tpu.vector_store_idx %arg12[%sub3A_369, %add3A_390], %get3A_396 {add = true} : memref<40x128xf32, #tpu.memory_space<vmem>>[vector<16xi32>, vector<16xi32>], vector<16xf32>,
            %add3A_397 = arith.constant 48 : i32
            %add3A_398 = vector.broadcast %add3A_397 : i32 to vector<16xi32>
            %add3A_399 = arith.addi %iota3A, %add3A_398 : vector<16xi32>
            %mul3A_400 = arith.constant 128 : i32
            %mul3A_401 = arith.muli %rem3A_325, %mul3A_400 : i32
            %add3A_402 = arith.addi %mul3A_401, %while3A_360 : i32
            %get3A_403 = arith.index_cast %add3A_402 : i32 to index
            %get3A_404 = arith.constant 48 : index
            %get3A_405 = tpu.vector_load %arg11[%get3A_403, %get3A_404] {strides = array<i32>} : memref<256x128xf32, #tpu.memory_space<vmem>>, vector<16xf32>,
            tpu.vector_store_idx %arg12[%sub3A_369, %add3A_399], %get3A_405 {add = true} : memref<40x128xf32, #tpu.memory_space<vmem>>[vector<16xi32>, vector<16xi32>], vector<16xf32>,
            %add3A_406 = arith.constant 64 : i32
            %add3A_407 = vector.broadcast %add3A_406 : i32 to vector<16xi32>
            %add3A_408 = arith.addi %iota3A, %add3A_407 : vector<16xi32>
            %mul3A_409 = arith.constant 128 : i32
            %mul3A_410 = arith.muli %rem3A_325, %mul3A_409 : i32
            %add3A_411 = arith.addi %mul3A_410, %while3A_360 : i32
            %get3A_412 = arith.index_cast %add3A_411 : i32 to index
            %get3A_413 = arith.constant 64 : index
            %get3A_414 = tpu.vector_load %arg11[%get3A_412, %get3A_413] {strides = array<i32>} : memref<256x128xf32, #tpu.memory_space<vmem>>, vector<16xf32>,
            tpu.vector_store_idx %arg12[%sub3A_369, %add3A_408], %get3A_414 {add = true} : memref<40x128xf32, #tpu.memory_space<vmem>>[vector<16xi32>, vector<16xi32>], vector<16xf32>,
            %add3A_415 = arith.constant 80 : i32
            %add3A_416 = vector.broadcast %add3A_415 : i32 to vector<16xi32>
            %add3A_417 = arith.addi %iota3A, %add3A_416 : vector<16xi32>
            %mul3A_418 = arith.constant 128 : i32
            %mul3A_419 = arith.muli %rem3A_325, %mul3A_418 : i32
            %add3A_420 = arith.addi %mul3A_419, %while3A_360 : i32
            %get3A_421 = arith.index_cast %add3A_420 : i32 to index
            %get3A_422 = arith.constant 80 : index
            %get3A_423 = tpu.vector_load %arg11[%get3A_421, %get3A_422] {strides = array<i32>} : memref<256x128xf32, #tpu.memory_space<vmem>>, vector<16xf32>,
            tpu.vector_store_idx %arg12[%sub3A_369, %add3A_417], %get3A_423 {add = true} : memref<40x128xf32, #tpu.memory_space<vmem>>[vector<16xi32>, vector<16xi32>], vector<16xf32>,
            %add3A_424 = arith.constant 96 : i32
            %add3A_425 = vector.broadcast %add3A_424 : i32 to vector<16xi32>
            %add3A_426 = arith.addi %iota3A, %add3A_425 : vector<16xi32>
            %mul3A_427 = arith.constant 128 : i32
            %mul3A_428 = arith.muli %rem3A_325, %mul3A_427 : i32
            %add3A_429 = arith.addi %mul3A_428, %while3A_360 : i32
            %get3A_430 = arith.index_cast %add3A_429 : i32 to index
            %get3A_431 = arith.constant 96 : index
            %get3A_432 = tpu.vector_load %arg11[%get3A_430, %get3A_431] {strides = array<i32>} : memref<256x128xf32, #tpu.memory_space<vmem>>, vector<16xf32>,
            tpu.vector_store_idx %arg12[%sub3A_369, %add3A_426], %get3A_432 {add = true} : memref<40x128xf32, #tpu.memory_space<vmem>>[vector<16xi32>, vector<16xi32>], vector<16xf32>,
            %add3A_433 = arith.constant 112 : i32
            %add3A_434 = vector.broadcast %add3A_433 : i32 to vector<16xi32>
            %add3A_435 = arith.addi %iota3A, %add3A_434 : vector<16xi32>
            %mul3A_436 = arith.constant 128 : i32
            %mul3A_437 = arith.muli %rem3A_325, %mul3A_436 : i32
            %add3A_438 = arith.addi %mul3A_437, %while3A_360 : i32
            %get3A_439 = arith.index_cast %add3A_438 : i32 to index
            %get3A_440 = arith.constant 112 : index
            %get3A_441 = tpu.vector_load %arg11[%get3A_439, %get3A_440] {strides = array<i32>} : memref<256x128xf32, #tpu.memory_space<vmem>>, vector<16xf32>,
            tpu.vector_store_idx %arg12[%sub3A_369, %add3A_435], %get3A_441 {add = true} : memref<40x128xf32, #tpu.memory_space<vmem>>[vector<16xi32>, vector<16xi32>], vector<16xf32>,
            tpu.vector_store_idx %arg13[%sub3A_369], %broadcast_in_dim3A_36 masked %eq3A_34 {add = true} : memref<48xf32, #tpu.memory_space<vmem>>[vector<16xi32>], vector<16xf32>, vector<16xi1>
            %while3A_442 = arith.constant 0 : i32
            scf.yield %while3A_442 : i32
          }
          %while3A_357 = arith.constant 1 : i32
          %while3A_358 = scf.for %while3A_360 = %while3A_354 to %while3A_350 step %while3A_357 iter_args(%while3A_361 = %while3A_356) -> (i32)  : i32 {
            %mul3A_362 = arith.constant 128 : i32
            %mul3A_363 = arith.muli %while3A_322, %mul3A_362 : i32
            %add3A_364 = arith.addi %mul3A_363, %while3A_360 : i32
            %broadcast_in_dim3A_365 = vector.broadcast %add3A_364 : i32 to vector<16xi32>
            %gather3A = tpu.vector_load_idx %arg9[%broadcast_in_dim3A_365] : memref<16384xi32, #tpu.memory_space<vmem>>[vector<16xi32>], vector<16xi32>,
            %shift_right_arithmetic3A = arith.constant 16 : i32
            %shift_right_arithmetic3A_366 = vector.broadcast %shift_right_arithmetic3A : i32 to vector<16xi32>
            %shift_right_arithmetic3A_367 = arith.shrsi %gather3A, %shift_right_arithmetic3A_366 : vector<16xi32>
            %sub3A_368 = vector.broadcast %mul3A_2 : i32 to vector<16xi32>
            %sub3A_369 = arith.subi %shift_right_arithmetic3A_367, %sub3A_368 : vector<16xi32>
            %add3A_370 = arith.constant 0 : i32
            %add3A_371 = vector.broadcast %add3A_370 : i32 to vector<16xi32>
            %add3A_372 = arith.addi %iota3A, %add3A_371 : vector<16xi32>
            %mul3A_373 = arith.constant 128 : i32
            %mul3A_374 = arith.muli %rem3A_325, %mul3A_373 : i32
            %add3A_375 = arith.addi %mul3A_374, %while3A_360 : i32
            %get3A_376 = arith.index_cast %add3A_375 : i32 to index
            %get3A_377 = arith.constant 0 : index
            %get3A_378 = tpu.vector_load %arg11[%get3A_376, %get3A_377] {strides = array<i32>} : memref<256x128xf32, #tpu.memory_space<vmem>>, vector<16xf32>,
            tpu.vector_store_idx %arg12[%sub3A_369, %add3A_372], %get3A_378 {add = true} : memref<40x128xf32, #tpu.memory_space<vmem>>[vector<16xi32>, vector<16xi32>], vector<16xf32>,
            %add3A_379 = arith.constant 16 : i32
            %add3A_380 = vector.broadcast %add3A_379 : i32 to vector<16xi32>
            %add3A_381 = arith.addi %iota3A, %add3A_380 : vector<16xi32>
            %mul3A_382 = arith.constant 128 : i32
            %mul3A_383 = arith.muli %rem3A_325, %mul3A_382 : i32
            %add3A_384 = arith.addi %mul3A_383, %while3A_360 : i32
            %get3A_385 = arith.index_cast %add3A_384 : i32 to index
            %get3A_386 = arith.constant 16 : index
            %get3A_387 = tpu.vector_load %arg11[%get3A_385, %get3A_386] {strides = array<i32>} : memref<256x128xf32, #tpu.memory_space<vmem>>, vector<16xf32>,
            tpu.vector_store_idx %arg12[%sub3A_369, %add3A_381], %get3A_387 {add = true} : memref<40x128xf32, #tpu.memory_space<vmem>>[vector<16xi32>, vector<16xi32>], vector<16xf32>,
            %add3A_388 = arith.constant 32 : i32
            %add3A_389 = vector.broadcast %add3A_388 : i32 to vector<16xi32>
            %add3A_390 = arith.addi %iota3A, %add3A_389 : vector<16xi32>
            %mul3A_391 = arith.constant 128 : i32
            %mul3A_392 = arith.muli %rem3A_325, %mul3A_391 : i32
            %add3A_393 = arith.addi %mul3A_392, %while3A_360 : i32
            %get3A_394 = arith.index_cast %add3A_393 : i32 to index
            %get3A_395 = arith.constant 32 : index
            %get3A_396 = tpu.vector_load %arg11[%get3A_394, %get3A_395] {strides = array<i32>} : memref<256x128xf32, #tpu.memory_space<vmem>>, vector<16xf32>,
            tpu.vector_store_idx %arg12[%sub3A_369, %add3A_390], %get3A_396 {add = true} : memref<40x128xf32, #tpu.memory_space<vmem>>[vector<16xi32>, vector<16xi32>], vector<16xf32>,
            %add3A_397 = arith.constant 48 : i32
            %add3A_398 = vector.broadcast %add3A_397 : i32 to vector<16xi32>
            %add3A_399 = arith.addi %iota3A, %add3A_398 : vector<16xi32>
            %mul3A_400 = arith.constant 128 : i32
            %mul3A_401 = arith.muli %rem3A_325, %mul3A_400 : i32
            %add3A_402 = arith.addi %mul3A_401, %while3A_360 : i32
            %get3A_403 = arith.index_cast %add3A_402 : i32 to index
            %get3A_404 = arith.constant 48 : index
            %get3A_405 = tpu.vector_load %arg11[%get3A_403, %get3A_404] {strides = array<i32>} : memref<256x128xf32, #tpu.memory_space<vmem>>, vector<16xf32>,
            tpu.vector_store_idx %arg12[%sub3A_369, %add3A_399], %get3A_405 {add = true} : memref<40x128xf32, #tpu.memory_space<vmem>>[vector<16xi32>, vector<16xi32>], vector<16xf32>,
            %add3A_406 = arith.constant 64 : i32
            %add3A_407 = vector.broadcast %add3A_406 : i32 to vector<16xi32>
            %add3A_408 = arith.addi %iota3A, %add3A_407 : vector<16xi32>
            %mul3A_409 = arith.constant 128 : i32
            %mul3A_410 = arith.muli %rem3A_325, %mul3A_409 : i32
            %add3A_411 = arith.addi %mul3A_410, %while3A_360 : i32
            %get3A_412 = arith.index_cast %add3A_411 : i32 to index
            %get3A_413 = arith.constant 64 : index
            %get3A_414 = tpu.vector_load %arg11[%get3A_412, %get3A_413] {strides = array<i32>} : memref<256x128xf32, #tpu.memory_space<vmem>>, vector<16xf32>,
            tpu.vector_store_idx %arg12[%sub3A_369, %add3A_408], %get3A_414 {add = true} : memref<40x128xf32, #tpu.memory_space<vmem>>[vector<16xi32>, vector<16xi32>], vector<16xf32>,
            %add3A_415 = arith.constant 80 : i32
            %add3A_416 = vector.broadcast %add3A_415 : i32 to vector<16xi32>
            %add3A_417 = arith.addi %iota3A, %add3A_416 : vector<16xi32>
            %mul3A_418 = arith.constant 128 : i32
            %mul3A_419 = arith.muli %rem3A_325, %mul3A_418 : i32
            %add3A_420 = arith.addi %mul3A_419, %while3A_360 : i32
            %get3A_421 = arith.index_cast %add3A_420 : i32 to index
            %get3A_422 = arith.constant 80 : index
            %get3A_423 = tpu.vector_load %arg11[%get3A_421, %get3A_422] {strides = array<i32>} : memref<256x128xf32, #tpu.memory_space<vmem>>, vector<16xf32>,
            tpu.vector_store_idx %arg12[%sub3A_369, %add3A_417], %get3A_423 {add = true} : memref<40x128xf32, #tpu.memory_space<vmem>>[vector<16xi32>, vector<16xi32>], vector<16xf32>,
            %add3A_424 = arith.constant 96 : i32
            %add3A_425 = vector.broadcast %add3A_424 : i32 to vector<16xi32>
            %add3A_426 = arith.addi %iota3A, %add3A_425 : vector<16xi32>
            %mul3A_427 = arith.constant 128 : i32
            %mul3A_428 = arith.muli %rem3A_325, %mul3A_427 : i32
            %add3A_429 = arith.addi %mul3A_428, %while3A_360 : i32
            %get3A_430 = arith.index_cast %add3A_429 : i32 to index
            %get3A_431 = arith.constant 96 : index
            %get3A_432 = tpu.vector_load %arg11[%get3A_430, %get3A_431] {strides = array<i32>} : memref<256x128xf32, #tpu.memory_space<vmem>>, vector<16xf32>,
            tpu.vector_store_idx %arg12[%sub3A_369, %add3A_426], %get3A_432 {add = true} : memref<40x128xf32, #tpu.memory_space<vmem>>[vector<16xi32>, vector<16xi32>], vector<16xf32>,
            %add3A_433 = arith.constant 112 : i32
            %add3A_434 = vector.broadcast %add3A_433 : i32 to vector<16xi32>
            %add3A_435 = arith.addi %iota3A, %add3A_434 : vector<16xi32>
            %mul3A_436 = arith.constant 128 : i32
            %mul3A_437 = arith.muli %rem3A_325, %mul3A_436 : i32
            %add3A_438 = arith.addi %mul3A_437, %while3A_360 : i32
            %get3A_439 = arith.index_cast %add3A_438 : i32 to index
            %get3A_440 = arith.constant 112 : index
            %get3A_441 = tpu.vector_load %arg11[%get3A_439, %get3A_440] {strides = array<i32>} : memref<256x128xf32, #tpu.memory_space<vmem>>, vector<16xf32>,
            tpu.vector_store_idx %arg12[%sub3A_369, %add3A_435], %get3A_441 {add = true} : memref<40x128xf32, #tpu.memory_space<vmem>>[vector<16xi32>, vector<16xi32>], vector<16xf32>,
            tpu.vector_store_idx %arg13[%sub3A_369], %broadcast_in_dim3A_36 masked %eq3A_34 {add = true} : memref<48xf32, #tpu.memory_space<vmem>>[vector<16xi32>], vector<16xf32>, vector<16xi1>
            %while3A_442 = arith.constant 0 : i32
            scf.yield %while3A_442 : i32
          }
          %while3A_359 = arith.constant 0 : i32
          scf.yield %while3A_359 : i32
        }
        %while3A_310 = arith.constant 1 : i32
        %while3A_311 = scf.for %while3A_322 = %while3A_307 to %while3A_303 step %while3A_310 iter_args(%while3A_323 = %while3A_309) -> (i32)  : i32 {
          %rem3A_324 = arith.constant 2 : i32
          %rem3A_325 = arith.remsi %while3A_322, %rem3A_324 : i32
          %mul3A_326 = arith.constant 128 : i32
          %mul3A_327 = arith.muli %rem3A_325, %mul3A_326 : i32
          %mul3A_328 = arith.constant 128 : i32
          %mul3A_329 = arith.muli %rem3A_325, %mul3A_328 : i32
          %dma_wait3A_330 = arith.constant 0 : i32
          %dma_wait3A_331 = tpu.memref_slice %arg11[%mul3A_329, %dma_wait3A_330] : memref<256x128xf32, #tpu.memory_space<vmem>> -> memref<128x128xf32, #tpu.memory_space<vmem>>
          %dma_wait3A_332 = tpu.memref_slice %arg10[%mul3A_327] : memref<256xi32, #tpu.memory_space<vmem>> -> memref<128xi32, #tpu.memory_space<vmem>>
          %dma_wait3A_333 = arith.constant 0 : i32
          %dma_wait3A_334 = arith.constant 0 : i32
          %dma_wait3A_335 = tpu.memref_slice %arg4[%dma_wait3A_333, %dma_wait3A_334] : memref<10000x128xf32, #tpu.memory_space<hbm>> -> memref<10000x128xf32, #tpu.memory_space<hbm>>
          tpu.wait_indirect_dma semaphore(%arg15 : memref<!tpu.dma_semaphore, #tpu.memory_space<semaphore_mem>>) src(%dma_wait3A_335 : memref<10000x128xf32, #tpu.memory_space<hbm>>) dst(%dma_wait3A_331 : memref<128x128xf32, #tpu.memory_space<vmem>>)
          %add3A_336 = arith.constant 1 : i32
          %add3A_337 = arith.addi %while3A_322, %add3A_336 : i32
          %lt3A_338 = arith.cmpi slt, %add3A_337, %select_n3A_280 : i32
          %convert_element_type3A_339 = arith.extui %lt3A_338 : i1 to i32
          %cond3A_340 = arith.constant 0 : i32
          %cond3A_341 = arith.cmpi ne, %convert_element_type3A_339, %cond3A_340 : i32
          scf.if %cond3A_341 {
            %add3A_360 = arith.constant 1 : i32
            %add3A_361 = arith.addi %while3A_322, %add3A_360 : i32
            %sub3A_362 = arith.constant 1 : i32
            %sub3A_363 = arith.subi %sub3A_362, %rem3A_325 : i32
            %scan3A_364 = arith.constant 0 : i32
            %scan3A_365 = arith.constant 0 : i32
            %scan3A_366 = arith.constant 8 : i32
            %scan3A_367 = arith.addi %scan3A_365, %scan3A_366 : i32
            %scan3A_368 = arith.constant 1 : i32
            %scan3A_369 = scf.for %scan3A_381 = %scan3A_365 to %scan3A_367 step %scan3A_368 iter_args(%scan3A_382 = %scan3A_364) -> (i32)  : i32 {
              %mul3A_383 = arith.constant 128 : i32
              %mul3A_384 = arith.muli %add3A_361, %mul3A_383 : i32
              %mul3A_385 = arith.constant 16 : i32
              %mul3A_386 = arith.muli %scan3A_381, %mul3A_385 : i32
              %add3A_387 = arith.addi %mul3A_384, %mul3A_386 : i32
              %get3A_388 = arith.index_cast %add3A_387 : i32 to index
              %get3A_389 = tpu.vector_load %arg9[%get3A_388] {strides = array<i32>} : memref<16384xi32, #tpu.memory_space<vmem>>, vector<16xi32>,
              %and3A_390 = arith.andi %get3A_389, %broadcast_in_dim3A_38 : vector<16xi32>
              %mul3A_391 = arith.constant 128 : i32
              %mul3A_392 = arith.muli %sub3A_363, %mul3A_391 : i32
              %mul3A_393 = arith.constant 16 : i32
              %mul3A_394 = arith.muli %scan3A_381, %mul3A_393 : i32
              %add3A_395 = arith.addi %mul3A_392, %mul3A_394 : i32
              %swap3A_396 = arith.index_cast %add3A_395 : i32 to index
              %swap3A_397 = tpu.vector_load %arg10[%swap3A_396] {strides = array<i32>} : memref<256xi32, #tpu.memory_space<vmem>>, vector<16xi32>,
              tpu.vector_store %arg10[%swap3A_396], %and3A_390 {strides = array<i32>} : memref<256xi32, #tpu.memory_space<vmem>>, vector<16xi32>,
              %scan3A_398 = arith.constant 0 : i32
              scf.yield %scan3A_398 : i32
            }
            %scan3A_370 = arith.constant 8 : i32
            %mul3A_371 = arith.constant 128 : i32
            %mul3A_372 = arith.muli %sub3A_363, %mul3A_371 : i32
            %mul3A_373 = arith.constant 128 : i32
            %mul3A_374 = arith.muli %sub3A_363, %mul3A_373 : i32
            %dma_start3A_375 = arith.constant 0 : i32
            %dma_start3A_376 = tpu.memref_slice %arg11[%mul3A_374, %dma_start3A_375] : memref<256x128xf32, #tpu.memory_space<vmem>> -> memref<128x128xf32, #tpu.memory_space<vmem>>
            %dma_start3A_377 = tpu.memref_slice %arg10[%mul3A_372] : memref<256xi32, #tpu.memory_space<vmem>> -> memref<128xi32, #tpu.memory_space<vmem>>
            %dma_start3A_378 = arith.constant 0 : i32
            %dma_start3A_379 = arith.constant 0 : i32
            %dma_start3A_380 = tpu.memref_slice %arg4[%dma_start3A_378, %dma_start3A_379] : memref<10000x128xf32, #tpu.memory_space<hbm>> -> memref<10000x128xf32, #tpu.memory_space<hbm>>
            tpu.enqueue_indirect_dma source(%dma_start3A_380 : memref<10000x128xf32, #tpu.memory_space<hbm>>) target(%dma_start3A_376 : memref<128x128xf32, #tpu.memory_space<vmem>>) offsets(%dma_start3A_377 : memref<128xi32, #tpu.memory_space<vmem>>) semaphore(%arg15 : memref<!tpu.dma_semaphore, #tpu.memory_space<semaphore_mem>>)
          } else {
          }
          %mul3A_342 = arith.constant 128 : i32
          %mul3A_343 = arith.muli %while3A_322, %mul3A_342 : i32
          %sub3A_344 = arith.subi %mul3A_282, %mul3A_343 : i32
          %min3A_345 = arith.constant 128 : i32
          %min3A_346 = arith.minsi %min3A_345, %sub3A_344 : i32
          %while3A_347 = arith.constant 0 : i32
          %while3A_348 = arith.constant 0 : i32
          %while3A_349 = arith.subi %min3A_346, %while3A_347 : i32
          %while3A_350 = arith.addi %while3A_347, %while3A_349 : i32
          %while3A_351 = arith.constant 1 : i32
          %while3A_352 = arith.divsi %while3A_349, %while3A_351 : i32
          %while3A_353 = arith.muli %while3A_352, %while3A_351 : i32
          %while3A_354 = arith.addi %while3A_347, %while3A_353 : i32
          %while3A_355 = arith.constant 1 : i32
          %while3A_356 = scf.for %while3A_360 = %while3A_347 to %while3A_354 step %while3A_355 iter_args(%while3A_361 = %while3A_348) -> (i32)  : i32 {
            %mul3A_362 = arith.constant 128 : i32
            %mul3A_363 = arith.muli %while3A_322, %mul3A_362 : i32
            %add3A_364 = arith.addi %mul3A_363, %while3A_360 : i32
            %broadcast_in_dim3A_365 = vector.broadcast %add3A_364 : i32 to vector<16xi32>
            %gather3A = tpu.vector_load_idx %arg9[%broadcast_in_dim3A_365] : memref<16384xi32, #tpu.memory_space<vmem>>[vector<16xi32>], vector<16xi32>,
            %shift_right_arithmetic3A = arith.constant 16 : i32
            %shift_right_arithmetic3A_366 = vector.broadcast %shift_right_arithmetic3A : i32 to vector<16xi32>
            %shift_right_arithmetic3A_367 = arith.shrsi %gather3A, %shift_right_arithmetic3A_366 : vector<16xi32>
            %sub3A_368 = vector.broadcast %mul3A_2 : i32 to vector<16xi32>
            %sub3A_369 = arith.subi %shift_right_arithmetic3A_367, %sub3A_368 : vector<16xi32>
            %add3A_370 = arith.constant 0 : i32
            %add3A_371 = vector.broadcast %add3A_370 : i32 to vector<16xi32>
            %add3A_372 = arith.addi %iota3A, %add3A_371 : vector<16xi32>
            %mul3A_373 = arith.constant 128 : i32
            %mul3A_374 = arith.muli %rem3A_325, %mul3A_373 : i32
            %add3A_375 = arith.addi %mul3A_374, %while3A_360 : i32
            %get3A_376 = arith.index_cast %add3A_375 : i32 to index
            %get3A_377 = arith.constant 0 : index
            %get3A_378 = tpu.vector_load %arg11[%get3A_376, %get3A_377] {strides = array<i32>} : memref<256x128xf32, #tpu.memory_space<vmem>>, vector<16xf32>,
            tpu.vector_store_idx %arg12[%sub3A_369, %add3A_372], %get3A_378 {add = true} : memref<40x128xf32, #tpu.memory_space<vmem>>[vector<16xi32>, vector<16xi32>], vector<16xf32>,
            %add3A_379 = arith.constant 16 : i32
            %add3A_380 = vector.broadcast %add3A_379 : i32 to vector<16xi32>
            %add3A_381 = arith.addi %iota3A, %add3A_380 : vector<16xi32>
            %mul3A_382 = arith.constant 128 : i32
            %mul3A_383 = arith.muli %rem3A_325, %mul3A_382 : i32
            %add3A_384 = arith.addi %mul3A_383, %while3A_360 : i32
            %get3A_385 = arith.index_cast %add3A_384 : i32 to index
            %get3A_386 = arith.constant 16 : index
            %get3A_387 = tpu.vector_load %arg11[%get3A_385, %get3A_386] {strides = array<i32>} : memref<256x128xf32, #tpu.memory_space<vmem>>, vector<16xf32>,
            tpu.vector_store_idx %arg12[%sub3A_369, %add3A_381], %get3A_387 {add = true} : memref<40x128xf32, #tpu.memory_space<vmem>>[vector<16xi32>, vector<16xi32>], vector<16xf32>,
            %add3A_388 = arith.constant 32 : i32
            %add3A_389 = vector.broadcast %add3A_388 : i32 to vector<16xi32>
            %add3A_390 = arith.addi %iota3A, %add3A_389 : vector<16xi32>
            %mul3A_391 = arith.constant 128 : i32
            %mul3A_392 = arith.muli %rem3A_325, %mul3A_391 : i32
            %add3A_393 = arith.addi %mul3A_392, %while3A_360 : i32
            %get3A_394 = arith.index_cast %add3A_393 : i32 to index
            %get3A_395 = arith.constant 32 : index
            %get3A_396 = tpu.vector_load %arg11[%get3A_394, %get3A_395] {strides = array<i32>} : memref<256x128xf32, #tpu.memory_space<vmem>>, vector<16xf32>,
            tpu.vector_store_idx %arg12[%sub3A_369, %add3A_390], %get3A_396 {add = true} : memref<40x128xf32, #tpu.memory_space<vmem>>[vector<16xi32>, vector<16xi32>], vector<16xf32>,
            %add3A_397 = arith.constant 48 : i32
            %add3A_398 = vector.broadcast %add3A_397 : i32 to vector<16xi32>
            %add3A_399 = arith.addi %iota3A, %add3A_398 : vector<16xi32>
            %mul3A_400 = arith.constant 128 : i32
            %mul3A_401 = arith.muli %rem3A_325, %mul3A_400 : i32
            %add3A_402 = arith.addi %mul3A_401, %while3A_360 : i32
            %get3A_403 = arith.index_cast %add3A_402 : i32 to index
            %get3A_404 = arith.constant 48 : index
            %get3A_405 = tpu.vector_load %arg11[%get3A_403, %get3A_404] {strides = array<i32>} : memref<256x128xf32, #tpu.memory_space<vmem>>, vector<16xf32>,
            tpu.vector_store_idx %arg12[%sub3A_369, %add3A_399], %get3A_405 {add = true} : memref<40x128xf32, #tpu.memory_space<vmem>>[vector<16xi32>, vector<16xi32>], vector<16xf32>,
            %add3A_406 = arith.constant 64 : i32
            %add3A_407 = vector.broadcast %add3A_406 : i32 to vector<16xi32>
            %add3A_408 = arith.addi %iota3A, %add3A_407 : vector<16xi32>
            %mul3A_409 = arith.constant 128 : i32
            %mul3A_410 = arith.muli %rem3A_325, %mul3A_409 : i32
            %add3A_411 = arith.addi %mul3A_410, %while3A_360 : i32
            %get3A_412 = arith.index_cast %add3A_411 : i32 to index
            %get3A_413 = arith.constant 64 : index
            %get3A_414 = tpu.vector_load %arg11[%get3A_412, %get3A_413] {strides = array<i32>} : memref<256x128xf32, #tpu.memory_space<vmem>>, vector<16xf32>,
            tpu.vector_store_idx %arg12[%sub3A_369, %add3A_408], %get3A_414 {add = true} : memref<40x128xf32, #tpu.memory_space<vmem>>[vector<16xi32>, vector<16xi32>], vector<16xf32>,
            %add3A_415 = arith.constant 80 : i32
            %add3A_416 = vector.broadcast %add3A_415 : i32 to vector<16xi32>
            %add3A_417 = arith.addi %iota3A, %add3A_416 : vector<16xi32>
            %mul3A_418 = arith.constant 128 : i32
            %mul3A_419 = arith.muli %rem3A_325, %mul3A_418 : i32
            %add3A_420 = arith.addi %mul3A_419, %while3A_360 : i32
            %get3A_421 = arith.index_cast %add3A_420 : i32 to index
            %get3A_422 = arith.constant 80 : index
            %get3A_423 = tpu.vector_load %arg11[%get3A_421, %get3A_422] {strides = array<i32>} : memref<256x128xf32, #tpu.memory_space<vmem>>, vector<16xf32>,
            tpu.vector_store_idx %arg12[%sub3A_369, %add3A_417], %get3A_423 {add = true} : memref<40x128xf32, #tpu.memory_space<vmem>>[vector<16xi32>, vector<16xi32>], vector<16xf32>,
            %add3A_424 = arith.constant 96 : i32
            %add3A_425 = vector.broadcast %add3A_424 : i32 to vector<16xi32>
            %add3A_426 = arith.addi %iota3A, %add3A_425 : vector<16xi32>
            %mul3A_427 = arith.constant 128 : i32
            %mul3A_428 = arith.muli %rem3A_325, %mul3A_427 : i32
            %add3A_429 = arith.addi %mul3A_428, %while3A_360 : i32
            %get3A_430 = arith.index_cast %add3A_429 : i32 to index
            %get3A_431 = arith.constant 96 : index
            %get3A_432 = tpu.vector_load %arg11[%get3A_430, %get3A_431] {strides = array<i32>} : memref<256x128xf32, #tpu.memory_space<vmem>>, vector<16xf32>,
            tpu.vector_store_idx %arg12[%sub3A_369, %add3A_426], %get3A_432 {add = true} : memref<40x128xf32, #tpu.memory_space<vmem>>[vector<16xi32>, vector<16xi32>], vector<16xf32>,
            %add3A_433 = arith.constant 112 : i32
            %add3A_434 = vector.broadcast %add3A_433 : i32 to vector<16xi32>
            %add3A_435 = arith.addi %iota3A, %add3A_434 : vector<16xi32>
            %mul3A_436 = arith.constant 128 : i32
            %mul3A_437 = arith.muli %rem3A_325, %mul3A_436 : i32
            %add3A_438 = arith.addi %mul3A_437, %while3A_360 : i32
            %get3A_439 = arith.index_cast %add3A_438 : i32 to index
            %get3A_440 = arith.constant 112 : index
            %get3A_441 = tpu.vector_load %arg11[%get3A_439, %get3A_440] {strides = array<i32>} : memref<256x128xf32, #tpu.memory_space<vmem>>, vector<16xf32>,
            tpu.vector_store_idx %arg12[%sub3A_369, %add3A_435], %get3A_441 {add = true} : memref<40x128xf32, #tpu.memory_space<vmem>>[vector<16xi32>, vector<16xi32>], vector<16xf32>,
            tpu.vector_store_idx %arg13[%sub3A_369], %broadcast_in_dim3A_36 masked %eq3A_34 {add = true} : memref<48xf32, #tpu.memory_space<vmem>>[vector<16xi32>], vector<16xf32>, vector<16xi1>
            %while3A_442 = arith.constant 0 : i32
            scf.yield %while3A_442 : i32
          }
          %while3A_357 = arith.constant 1 : i32
          %while3A_358 = scf.for %while3A_360 = %while3A_354 to %while3A_350 step %while3A_357 iter_args(%while3A_361 = %while3A_356) -> (i32)  : i32 {
            %mul3A_362 = arith.constant 128 : i32
            %mul3A_363 = arith.muli %while3A_322, %mul3A_362 : i32
            %add3A_364 = arith.addi %mul3A_363, %while3A_360 : i32
            %broadcast_in_dim3A_365 = vector.broadcast %add3A_364 : i32 to vector<16xi32>
            %gather3A = tpu.vector_load_idx %arg9[%broadcast_in_dim3A_365] : memref<16384xi32, #tpu.memory_space<vmem>>[vector<16xi32>], vector<16xi32>,
            %shift_right_arithmetic3A = arith.constant 16 : i32
            %shift_right_arithmetic3A_366 = vector.broadcast %shift_right_arithmetic3A : i32 to vector<16xi32>
            %shift_right_arithmetic3A_367 = arith.shrsi %gather3A, %shift_right_arithmetic3A_366 : vector<16xi32>
            %sub3A_368 = vector.broadcast %mul3A_2 : i32 to vector<16xi32>
            %sub3A_369 = arith.subi %shift_right_arithmetic3A_367, %sub3A_368 : vector<16xi32>
            %add3A_370 = arith.constant 0 : i32
            %add3A_371 = vector.broadcast %add3A_370 : i32 to vector<16xi32>
            %add3A_372 = arith.addi %iota3A, %add3A_371 : vector<16xi32>
            %mul3A_373 = arith.constant 128 : i32
            %mul3A_374 = arith.muli %rem3A_325, %mul3A_373 : i32
            %add3A_375 = arith.addi %mul3A_374, %while3A_360 : i32
            %get3A_376 = arith.index_cast %add3A_375 : i32 to index
            %get3A_377 = arith.constant 0 : index
            %get3A_378 = tpu.vector_load %arg11[%get3A_376, %get3A_377] {strides = array<i32>} : memref<256x128xf32, #tpu.memory_space<vmem>>, vector<16xf32>,
            tpu.vector_store_idx %arg12[%sub3A_369, %add3A_372], %get3A_378 {add = true} : memref<40x128xf32, #tpu.memory_space<vmem>>[vector<16xi32>, vector<16xi32>], vector<16xf32>,
            %add3A_379 = arith.constant 16 : i32
            %add3A_380 = vector.broadcast %add3A_379 : i32 to vector<16xi32>
            %add3A_381 = arith.addi %iota3A, %add3A_380 : vector<16xi32>
            %mul3A_382 = arith.constant 128 : i32
            %mul3A_383 = arith.muli %rem3A_325, %mul3A_382 : i32
            %add3A_384 = arith.addi %mul3A_383, %while3A_360 : i32
            %get3A_385 = arith.index_cast %add3A_384 : i32 to index
            %get3A_386 = arith.constant 16 : index
            %get3A_387 = tpu.vector_load %arg11[%get3A_385, %get3A_386] {strides = array<i32>} : memref<256x128xf32, #tpu.memory_space<vmem>>, vector<16xf32>,
            tpu.vector_store_idx %arg12[%sub3A_369, %add3A_381], %get3A_387 {add = true} : memref<40x128xf32, #tpu.memory_space<vmem>>[vector<16xi32>, vector<16xi32>], vector<16xf32>,
            %add3A_388 = arith.constant 32 : i32
            %add3A_389 = vector.broadcast %add3A_388 : i32 to vector<16xi32>
            %add3A_390 = arith.addi %iota3A, %add3A_389 : vector<16xi32>
            %mul3A_391 = arith.constant 128 : i32
            %mul3A_392 = arith.muli %rem3A_325, %mul3A_391 : i32
            %add3A_393 = arith.addi %mul3A_392, %while3A_360 : i32
            %get3A_394 = arith.index_cast %add3A_393 : i32 to index
            %get3A_395 = arith.constant 32 : index
            %get3A_396 = tpu.vector_load %arg11[%get3A_394, %get3A_395] {strides = array<i32>} : memref<256x128xf32, #tpu.memory_space<vmem>>, vector<16xf32>,
            tpu.vector_store_idx %arg12[%sub3A_369, %add3A_390], %get3A_396 {add = true} : memref<40x128xf32, #tpu.memory_space<vmem>>[vector<16xi32>, vector<16xi32>], vector<16xf32>,
            %add3A_397 = arith.constant 48 : i32
            %add3A_398 = vector.broadcast %add3A_397 : i32 to vector<16xi32>
            %add3A_399 = arith.addi %iota3A, %add3A_398 : vector<16xi32>
            %mul3A_400 = arith.constant 128 : i32
            %mul3A_401 = arith.muli %rem3A_325, %mul3A_400 : i32
            %add3A_402 = arith.addi %mul3A_401, %while3A_360 : i32
            %get3A_403 = arith.index_cast %add3A_402 : i32 to index
            %get3A_404 = arith.constant 48 : index
            %get3A_405 = tpu.vector_load %arg11[%get3A_403, %get3A_404] {strides = array<i32>} : memref<256x128xf32, #tpu.memory_space<vmem>>, vector<16xf32>,
            tpu.vector_store_idx %arg12[%sub3A_369, %add3A_399], %get3A_405 {add = true} : memref<40x128xf32, #tpu.memory_space<vmem>>[vector<16xi32>, vector<16xi32>], vector<16xf32>,
            %add3A_406 = arith.constant 64 : i32
            %add3A_407 = vector.broadcast %add3A_406 : i32 to vector<16xi32>
            %add3A_408 = arith.addi %iota3A, %add3A_407 : vector<16xi32>
            %mul3A_409 = arith.constant 128 : i32
            %mul3A_410 = arith.muli %rem3A_325, %mul3A_409 : i32
            %add3A_411 = arith.addi %mul3A_410, %while3A_360 : i32
            %get3A_412 = arith.index_cast %add3A_411 : i32 to index
            %get3A_413 = arith.constant 64 : index
            %get3A_414 = tpu.vector_load %arg11[%get3A_412, %get3A_413] {strides = array<i32>} : memref<256x128xf32, #tpu.memory_space<vmem>>, vector<16xf32>,
            tpu.vector_store_idx %arg12[%sub3A_369, %add3A_408], %get3A_414 {add = true} : memref<40x128xf32, #tpu.memory_space<vmem>>[vector<16xi32>, vector<16xi32>], vector<16xf32>,
            %add3A_415 = arith.constant 80 : i32
            %add3A_416 = vector.broadcast %add3A_415 : i32 to vector<16xi32>
            %add3A_417 = arith.addi %iota3A, %add3A_416 : vector<16xi32>
            %mul3A_418 = arith.constant 128 : i32
            %mul3A_419 = arith.muli %rem3A_325, %mul3A_418 : i32
            %add3A_420 = arith.addi %mul3A_419, %while3A_360 : i32
            %get3A_421 = arith.index_cast %add3A_420 : i32 to index
            %get3A_422 = arith.constant 80 : index
            %get3A_423 = tpu.vector_load %arg11[%get3A_421, %get3A_422] {strides = array<i32>} : memref<256x128xf32, #tpu.memory_space<vmem>>, vector<16xf32>,
            tpu.vector_store_idx %arg12[%sub3A_369, %add3A_417], %get3A_423 {add = true} : memref<40x128xf32, #tpu.memory_space<vmem>>[vector<16xi32>, vector<16xi32>], vector<16xf32>,
            %add3A_424 = arith.constant 96 : i32
            %add3A_425 = vector.broadcast %add3A_424 : i32 to vector<16xi32>
            %add3A_426 = arith.addi %iota3A, %add3A_425 : vector<16xi32>
            %mul3A_427 = arith.constant 128 : i32
            %mul3A_428 = arith.muli %rem3A_325, %mul3A_427 : i32
            %add3A_429 = arith.addi %mul3A_428, %while3A_360 : i32
            %get3A_430 = arith.index_cast %add3A_429 : i32 to index
            %get3A_431 = arith.constant 96 : index
            %get3A_432 = tpu.vector_load %arg11[%get3A_430, %get3A_431] {strides = array<i32>} : memref<256x128xf32, #tpu.memory_space<vmem>>, vector<16xf32>,
            tpu.vector_store_idx %arg12[%sub3A_369, %add3A_426], %get3A_432 {add = true} : memref<40x128xf32, #tpu.memory_space<vmem>>[vector<16xi32>, vector<16xi32>], vector<16xf32>,
            %add3A_433 = arith.constant 112 : i32
            %add3A_434 = vector.broadcast %add3A_433 : i32 to vector<16xi32>
            %add3A_435 = arith.addi %iota3A, %add3A_434 : vector<16xi32>
            %mul3A_436 = arith.constant 128 : i32
            %mul3A_437 = arith.muli %rem3A_325, %mul3A_436 : i32
            %add3A_438 = arith.addi %mul3A_437, %while3A_360 : i32
            %get3A_439 = arith.index_cast %add3A_438 : i32 to index
            %get3A_440 = arith.constant 112 : index
            %get3A_441 = tpu.vector_load %arg11[%get3A_439, %get3A_440] {strides = array<i32>} : memref<256x128xf32, #tpu.memory_space<vmem>>, vector<16xf32>,
            tpu.vector_store_idx %arg12[%sub3A_369, %add3A_435], %get3A_441 {add = true} : memref<40x128xf32, #tpu.memory_space<vmem>>[vector<16xi32>, vector<16xi32>], vector<16xf32>,
            tpu.vector_store_idx %arg13[%sub3A_369], %broadcast_in_dim3A_36 masked %eq3A_34 {add = true} : memref<48xf32, #tpu.memory_space<vmem>>[vector<16xi32>], vector<16xf32>, vector<16xi1>
            %while3A_442 = arith.constant 0 : i32
            scf.yield %while3A_442 : i32
          }
          %while3A_359 = arith.constant 0 : i32
          scf.yield %while3A_359 : i32
        }
        %scan3A_312 = arith.constant 0 : i32
        %scan3A_313 = arith.constant 0 : i32
        %scan3A_314 = arith.constant 8 : i32
        %scan3A_315 = arith.addi %scan3A_313, %scan3A_314 : i32
        %scan3A_316 = arith.constant 1 : i32
        %scan3A_317 = scf.for %scan3A_322 = %scan3A_313 to %scan3A_315 step %scan3A_316 iter_args(%scan3A_323 = %scan3A_312) -> (i32)  : i32 {
          %mul3A_324 = arith.constant 128 : i32
          %mul3A_325 = arith.muli %select_n3A_280, %mul3A_324 : i32
          %mul3A_326 = arith.constant 16 : i32
          %mul3A_327 = arith.muli %scan3A_322, %mul3A_326 : i32
          %add3A_328 = arith.addi %mul3A_325, %mul3A_327 : i32
          %get3A_329 = arith.index_cast %add3A_328 : i32 to index
          %get3A_330 = tpu.vector_load %arg9[%get3A_329] {strides = array<i32>} : memref<16384xi32, #tpu.memory_space<vmem>>, vector<16xi32>,
          %mul3A_331 = arith.constant 16 : i32
          %mul3A_332 = arith.muli %scan3A_322, %mul3A_331 : i32
          %swap3A_333 = arith.index_cast %mul3A_332 : i32 to index
          %swap3A_334 = tpu.vector_load %arg9[%swap3A_333] {strides = array<i32>} : memref<16384xi32, #tpu.memory_space<vmem>>, vector<16xi32>,
          tpu.vector_store %arg9[%swap3A_333], %get3A_330 {strides = array<i32>} : memref<16384xi32, #tpu.memory_space<vmem>>, vector<16xi32>,
          %scan3A_335 = arith.constant 0 : i32
          scf.yield %scan3A_335 : i32
        }
        %scan3A_318 = arith.constant 8 : i32
        %mul3A_319 = arith.constant 128 : i32
        %mul3A_320 = arith.muli %select_n3A_280, %mul3A_319 : i32
        %sub3A_321 = arith.subi %while3A_251, %mul3A_320 : i32
        scf.yield %sub3A_321 : i32
      } else {
        scf.yield %while3A_251 : i32
      }
      scf.yield %cond3A_256 : i32
    }
    %scan3A_57 = arith.constant 32 : i32
    %broadcast_in_dim3A_58 = arith.constant 0 : i32
    %broadcast_in_dim3A_59 = vector.broadcast %broadcast_in_dim3A_58 : i32 to vector<16xi32>
    %add3A_60 = arith.constant 0 : i32
    %add3A_61 = arith.addi %scan3A_56, %add3A_60 : i32
    %swap3A_62 = arith.index_cast %add3A_61 : i32 to index
    %swap3A_63 = tpu.vector_load %arg9[%swap3A_62] {strides = array<i32>} : memref<16384xi32, #tpu.memory_space<vmem>>, vector<16xi32>,
    tpu.vector_store %arg9[%swap3A_62], %broadcast_in_dim3A_59 {strides = array<i32>} : memref<16384xi32, #tpu.memory_space<vmem>>, vector<16xi32>,
    %broadcast_in_dim3A_64 = arith.constant 0 : i32
    %broadcast_in_dim3A_65 = vector.broadcast %broadcast_in_dim3A_64 : i32 to vector<16xi32>
    %add3A_66 = arith.constant 16 : i32
    %add3A_67 = arith.addi %scan3A_56, %add3A_66 : i32
    %swap3A_68 = arith.index_cast %add3A_67 : i32 to index
    %swap3A_69 = tpu.vector_load %arg9[%swap3A_68] {strides = array<i32>} : memref<16384xi32, #tpu.memory_space<vmem>>, vector<16xi32>,
    tpu.vector_store %arg9[%swap3A_68], %broadcast_in_dim3A_65 {strides = array<i32>} : memref<16384xi32, #tpu.memory_space<vmem>>, vector<16xi32>,
    %broadcast_in_dim3A_70 = arith.constant 0 : i32
    %broadcast_in_dim3A_71 = vector.broadcast %broadcast_in_dim3A_70 : i32 to vector<16xi32>
    %add3A_72 = arith.constant 32 : i32
    %add3A_73 = arith.addi %scan3A_56, %add3A_72 : i32
    %swap3A_74 = arith.index_cast %add3A_73 : i32 to index
    %swap3A_75 = tpu.vector_load %arg9[%swap3A_74] {strides = array<i32>} : memref<16384xi32, #tpu.memory_space<vmem>>, vector<16xi32>,
    tpu.vector_store %arg9[%swap3A_74], %broadcast_in_dim3A_71 {strides = array<i32>} : memref<16384xi32, #tpu.memory_space<vmem>>, vector<16xi32>,
    %broadcast_in_dim3A_76 = arith.constant 0 : i32
    %broadcast_in_dim3A_77 = vector.broadcast %broadcast_in_dim3A_76 : i32 to vector<16xi32>
    %add3A_78 = arith.constant 48 : i32
    %add3A_79 = arith.addi %scan3A_56, %add3A_78 : i32
    %swap3A_80 = arith.index_cast %add3A_79 : i32 to index
    %swap3A_81 = tpu.vector_load %arg9[%swap3A_80] {strides = array<i32>} : memref<16384xi32, #tpu.memory_space<vmem>>, vector<16xi32>,
    tpu.vector_store %arg9[%swap3A_80], %broadcast_in_dim3A_77 {strides = array<i32>} : memref<16384xi32, #tpu.memory_space<vmem>>, vector<16xi32>,
    %broadcast_in_dim3A_82 = arith.constant 0 : i32
    %broadcast_in_dim3A_83 = vector.broadcast %broadcast_in_dim3A_82 : i32 to vector<16xi32>
    %add3A_84 = arith.constant 64 : i32
    %add3A_85 = arith.addi %scan3A_56, %add3A_84 : i32
    %swap3A_86 = arith.index_cast %add3A_85 : i32 to index
    %swap3A_87 = tpu.vector_load %arg9[%swap3A_86] {strides = array<i32>} : memref<16384xi32, #tpu.memory_space<vmem>>, vector<16xi32>,
    tpu.vector_store %arg9[%swap3A_86], %broadcast_in_dim3A_83 {strides = array<i32>} : memref<16384xi32, #tpu.memory_space<vmem>>, vector<16xi32>,
    %broadcast_in_dim3A_88 = arith.constant 0 : i32
    %broadcast_in_dim3A_89 = vector.broadcast %broadcast_in_dim3A_88 : i32 to vector<16xi32>
    %add3A_90 = arith.constant 80 : i32
    %add3A_91 = arith.addi %scan3A_56, %add3A_90 : i32
    %swap3A_92 = arith.index_cast %add3A_91 : i32 to index
    %swap3A_93 = tpu.vector_load %arg9[%swap3A_92] {strides = array<i32>} : memref<16384xi32, #tpu.memory_space<vmem>>, vector<16xi32>,
    tpu.vector_store %arg9[%swap3A_92], %broadcast_in_dim3A_89 {strides = array<i32>} : memref<16384xi32, #tpu.memory_space<vmem>>, vector<16xi32>,
    %broadcast_in_dim3A_94 = arith.constant 0 : i32
    %broadcast_in_dim3A_95 = vector.broadcast %broadcast_in_dim3A_94 : i32 to vector<16xi32>
    %add3A_96 = arith.constant 96 : i32
    %add3A_97 = arith.addi %scan3A_56, %add3A_96 : i32
    %swap3A_98 = arith.index_cast %add3A_97 : i32 to index
    %swap3A_99 = tpu.vector_load %arg9[%swap3A_98] {strides = array<i32>} : memref<16384xi32, #tpu.memory_space<vmem>>, vector<16xi32>,
    tpu.vector_store %arg9[%swap3A_98], %broadcast_in_dim3A_95 {strides = array<i32>} : memref<16384xi32, #tpu.memory_space<vmem>>, vector<16xi32>,
    %broadcast_in_dim3A_100 = arith.constant 0 : i32
    %broadcast_in_dim3A_101 = vector.broadcast %broadcast_in_dim3A_100 : i32 to vector<16xi32>
    %add3A_102 = arith.constant 112 : i32
    %add3A_103 = arith.addi %scan3A_56, %add3A_102 : i32
    %swap3A_104 = arith.index_cast %add3A_103 : i32 to index
    %swap3A_105 = tpu.vector_load %arg9[%swap3A_104] {strides = array<i32>} : memref<16384xi32, #tpu.memory_space<vmem>>, vector<16xi32>,
    tpu.vector_store %arg9[%swap3A_104], %broadcast_in_dim3A_101 {strides = array<i32>} : memref<16384xi32, #tpu.memory_space<vmem>>, vector<16xi32>,
    %add3A_106 = arith.constant 128 : i32
    %add3A_107 = arith.addi %scan3A_56, %add3A_106 : i32
    %sub3A = arith.constant 1 : i32
    %sub3A_108 = arith.subi %add3A_107, %sub3A : i32
    %jit3A = arith.constant 128 : i32
    %div3A = arith.divsi %sub3A_108, %jit3A : i32
    %sign3A = arith.constant 0 : i32
    %sign3A_109 = arith.cmpi sgt, %sub3A_108, %sign3A : i32
    %sign3A_110 = arith.extui %sign3A_109 : i1 to i32
    %sign3A_111 = arith.constant 0 : i32
    %sign3A_112 = arith.cmpi slt, %sub3A_108, %sign3A_111 : i32
    %sign3A_113 = arith.extui %sign3A_112 : i1 to i32
    %sign3A_114 = arith.subi %sign3A_110, %sign3A_113 : i32
    %sign3A_115 = arith.constant 0 : i32
    %sign3A_116 = arith.cmpi sgt, %jit3A, %sign3A_115 : i32
    %sign3A_117 = arith.extui %sign3A_116 : i1 to i32
    %sign3A_118 = arith.constant 0 : i32
    %sign3A_119 = arith.cmpi slt, %jit3A, %sign3A_118 : i32
    %sign3A_120 = arith.extui %sign3A_119 : i1 to i32
    %sign3A_121 = arith.subi %sign3A_117, %sign3A_120 : i32
    %ne3A = arith.cmpi ne, %sign3A_114, %sign3A_121 : i32
    %rem3A = arith.remsi %sub3A_108, %jit3A : i32
    %ne3A_122 = arith.constant 0 : i32
    %ne3A_123 = arith.cmpi ne, %rem3A, %ne3A_122 : i32
    %and3A = arith.andi %ne3A, %ne3A_123 : i1
    %sub3A_124 = arith.constant 1 : i32
    %sub3A_125 = arith.subi %div3A, %sub3A_124 : i32
    %select_n3A = arith.select %and3A, %sub3A_125, %div3A : i32
    %scan3A_126 = arith.constant 0 : i32
    %scan3A_127 = arith.constant 0 : i32
    %scan3A_128 = arith.constant 8 : i32
    %scan3A_129 = arith.addi %scan3A_127, %scan3A_128 : i32
    %scan3A_130 = arith.constant 1 : i32
    %scan3A_131 = scf.for %scan3A_153 = %scan3A_127 to %scan3A_129 step %scan3A_130 iter_args(%scan3A_154 = %scan3A_126) -> (i32)  : i32 {
      %mul3A_155 = arith.constant 16 : i32
      %mul3A_156 = arith.muli %scan3A_153, %mul3A_155 : i32
      %add3A_157 = arith.constant 0 : i32
      %add3A_158 = arith.addi %add3A_157, %mul3A_156 : i32
      %get3A = arith.index_cast %add3A_158 : i32 to index
      %get3A_159 = tpu.vector_load %arg9[%get3A] {strides = array<i32>} : memref<16384xi32, #tpu.memory_space<vmem>>, vector<16xi32>,
      %and3A_160 = arith.andi %get3A_159, %broadcast_in_dim3A_38 : vector<16xi32>
      %mul3A_161 = arith.constant 16 : i32
      %mul3A_162 = arith.muli %scan3A_153, %mul3A_161 : i32
      %add3A_163 = arith.constant 0 : i32
      %add3A_164 = arith.addi %add3A_163, %mul3A_162 : i32
      %swap3A_165 = arith.index_cast %add3A_164 : i32 to index
      %swap3A_166 = tpu.vector_load %arg10[%swap3A_165] {strides = array<i32>} : memref<256xi32, #tpu.memory_space<vmem>>, vector<16xi32>,
      tpu.vector_store %arg10[%swap3A_165], %and3A_160 {strides = array<i32>} : memref<256xi32, #tpu.memory_space<vmem>>, vector<16xi32>,
      %scan3A_167 = arith.constant 0 : i32
      scf.yield %scan3A_167 : i32
    }
    %scan3A_132 = arith.constant 8 : i32
    %dma_start3A_133 = arith.constant 0 : i32
    %dma_start3A_134 = arith.constant 0 : i32
    %dma_start3A_135 = tpu.memref_slice %arg11[%dma_start3A_133, %dma_start3A_134] : memref<256x128xf32, #tpu.memory_space<vmem>> -> memref<128x128xf32, #tpu.memory_space<vmem>>
    %dma_start3A_136 = arith.constant 0 : i32
    %dma_start3A_137 = tpu.memref_slice %arg10[%dma_start3A_136] : memref<256xi32, #tpu.memory_space<vmem>> -> memref<128xi32, #tpu.memory_space<vmem>>
    %dma_start3A_138 = arith.constant 0 : i32
    %dma_start3A_139 = arith.constant 0 : i32
    %dma_start3A_140 = tpu.memref_slice %arg4[%dma_start3A_138, %dma_start3A_139] : memref<10000x128xf32, #tpu.memory_space<hbm>> -> memref<10000x128xf32, #tpu.memory_space<hbm>>
    tpu.enqueue_indirect_dma source(%dma_start3A_140 : memref<10000x128xf32, #tpu.memory_space<hbm>>) target(%dma_start3A_135 : memref<128x128xf32, #tpu.memory_space<vmem>>) offsets(%dma_start3A_137 : memref<128xi32, #tpu.memory_space<vmem>>) semaphore(%arg15 : memref<!tpu.dma_semaphore, #tpu.memory_space<semaphore_mem>>)
    %max3A = arith.constant 1 : i32
    %max3A_141 = arith.maxsi %select_n3A, %max3A : i32
    %while3A = arith.constant 0 : i32
    %while3A_142 = arith.constant 0 : i32
    %while3A_143 = arith.subi %max3A_141, %while3A : i32
    %while3A_144 = arith.addi %while3A, %while3A_143 : i32
    %while3A_145 = arith.constant 1 : i32
    %while3A_146 = arith.divsi %while3A_143, %while3A_145 : i32
    %while3A_147 = arith.muli %while3A_146, %while3A_145 : i32
    %while3A_148 = arith.addi %while3A, %while3A_147 : i32
    %while3A_149 = arith.constant 1 : i32
    %while3A_150 = scf.for %while3A_153 = %while3A to %while3A_148 step %while3A_149 iter_args(%while3A_154 = %while3A_142) -> (i32)  : i32 {
      %rem3A_155 = arith.constant 2 : i32
      %rem3A_156 = arith.remsi %while3A_153, %rem3A_155 : i32
      %mul3A_157 = arith.constant 128 : i32
      %mul3A_158 = arith.muli %rem3A_156, %mul3A_157 : i32
      %mul3A_159 = arith.constant 128 : i32
      %mul3A_160 = arith.muli %rem3A_156, %mul3A_159 : i32
      %dma_wait3A = arith.constant 0 : i32
      %dma_wait3A_161 = tpu.memref_slice %arg11[%mul3A_160, %dma_wait3A] : memref<256x128xf32, #tpu.memory_space<vmem>> -> memref<128x128xf32, #tpu.memory_space<vmem>>
      %dma_wait3A_162 = tpu.memref_slice %arg10[%mul3A_158] : memref<256xi32, #tpu.memory_space<vmem>> -> memref<128xi32, #tpu.memory_space<vmem>>
      %dma_wait3A_163 = arith.constant 0 : i32
      %dma_wait3A_164 = arith.constant 0 : i32
      %dma_wait3A_165 = tpu.memref_slice %arg4[%dma_wait3A_163, %dma_wait3A_164] : memref<10000x128xf32, #tpu.memory_space<hbm>> -> memref<10000x128xf32, #tpu.memory_space<hbm>>
      tpu.wait_indirect_dma semaphore(%arg15 : memref<!tpu.dma_semaphore, #tpu.memory_space<semaphore_mem>>) src(%dma_wait3A_165 : memref<10000x128xf32, #tpu.memory_space<hbm>>) dst(%dma_wait3A_161 : memref<128x128xf32, #tpu.memory_space<vmem>>)
      %add3A_166 = arith.constant 1 : i32
      %add3A_167 = arith.addi %while3A_153, %add3A_166 : i32
      %lt3A = arith.cmpi slt, %add3A_167, %select_n3A : i32
      %convert_element_type3A = arith.extui %lt3A : i1 to i32
      %cond3A = arith.constant 0 : i32
      %cond3A_168 = arith.cmpi ne, %convert_element_type3A, %cond3A : i32
      scf.if %cond3A_168 {
        %add3A_186 = arith.constant 1 : i32
        %add3A_187 = arith.addi %while3A_153, %add3A_186 : i32
        %sub3A_188 = arith.constant 1 : i32
        %sub3A_189 = arith.subi %sub3A_188, %rem3A_156 : i32
        %scan3A_190 = arith.constant 0 : i32
        %scan3A_191 = arith.constant 0 : i32
        %scan3A_192 = arith.constant 8 : i32
        %scan3A_193 = arith.addi %scan3A_191, %scan3A_192 : i32
        %scan3A_194 = arith.constant 1 : i32
        %scan3A_195 = scf.for %scan3A_207 = %scan3A_191 to %scan3A_193 step %scan3A_194 iter_args(%scan3A_208 = %scan3A_190) -> (i32)  : i32 {
          %mul3A_209 = arith.constant 128 : i32
          %mul3A_210 = arith.muli %add3A_187, %mul3A_209 : i32
          %mul3A_211 = arith.constant 16 : i32
          %mul3A_212 = arith.muli %scan3A_207, %mul3A_211 : i32
          %add3A_213 = arith.addi %mul3A_210, %mul3A_212 : i32
          %get3A = arith.index_cast %add3A_213 : i32 to index
          %get3A_214 = tpu.vector_load %arg9[%get3A] {strides = array<i32>} : memref<16384xi32, #tpu.memory_space<vmem>>, vector<16xi32>,
          %and3A_215 = arith.andi %get3A_214, %broadcast_in_dim3A_38 : vector<16xi32>
          %mul3A_216 = arith.constant 128 : i32
          %mul3A_217 = arith.muli %sub3A_189, %mul3A_216 : i32
          %mul3A_218 = arith.constant 16 : i32
          %mul3A_219 = arith.muli %scan3A_207, %mul3A_218 : i32
          %add3A_220 = arith.addi %mul3A_217, %mul3A_219 : i32
          %swap3A_221 = arith.index_cast %add3A_220 : i32 to index
          %swap3A_222 = tpu.vector_load %arg10[%swap3A_221] {strides = array<i32>} : memref<256xi32, #tpu.memory_space<vmem>>, vector<16xi32>,
          tpu.vector_store %arg10[%swap3A_221], %and3A_215 {strides = array<i32>} : memref<256xi32, #tpu.memory_space<vmem>>, vector<16xi32>,
          %scan3A_223 = arith.constant 0 : i32
          scf.yield %scan3A_223 : i32
        }
        %scan3A_196 = arith.constant 8 : i32
        %mul3A_197 = arith.constant 128 : i32
        %mul3A_198 = arith.muli %sub3A_189, %mul3A_197 : i32
        %mul3A_199 = arith.constant 128 : i32
        %mul3A_200 = arith.muli %sub3A_189, %mul3A_199 : i32
        %dma_start3A_201 = arith.constant 0 : i32
        %dma_start3A_202 = tpu.memref_slice %arg11[%mul3A_200, %dma_start3A_201] : memref<256x128xf32, #tpu.memory_space<vmem>> -> memref<128x128xf32, #tpu.memory_space<vmem>>
        %dma_start3A_203 = tpu.memref_slice %arg10[%mul3A_198] : memref<256xi32, #tpu.memory_space<vmem>> -> memref<128xi32, #tpu.memory_space<vmem>>
        %dma_start3A_204 = arith.constant 0 : i32
        %dma_start3A_205 = arith.constant 0 : i32
        %dma_start3A_206 = tpu.memref_slice %arg4[%dma_start3A_204, %dma_start3A_205] : memref<10000x128xf32, #tpu.memory_space<hbm>> -> memref<10000x128xf32, #tpu.memory_space<hbm>>
        tpu.enqueue_indirect_dma source(%dma_start3A_206 : memref<10000x128xf32, #tpu.memory_space<hbm>>) target(%dma_start3A_202 : memref<128x128xf32, #tpu.memory_space<vmem>>) offsets(%dma_start3A_203 : memref<128xi32, #tpu.memory_space<vmem>>) semaphore(%arg15 : memref<!tpu.dma_semaphore, #tpu.memory_space<semaphore_mem>>)
      } else {
      }
      %mul3A_169 = arith.constant 128 : i32
      %mul3A_170 = arith.muli %while3A_153, %mul3A_169 : i32
      %sub3A_171 = arith.subi %scan3A_56, %mul3A_170 : i32
      %min3A = arith.constant 128 : i32
      %min3A_172 = arith.minsi %min3A, %sub3A_171 : i32
      %while3A_173 = arith.constant 0 : i32
      %while3A_174 = arith.constant 0 : i32
      %while3A_175 = arith.subi %min3A_172, %while3A_173 : i32
      %while3A_176 = arith.addi %while3A_173, %while3A_175 : i32
      %while3A_177 = arith.constant 1 : i32
      %while3A_178 = arith.divsi %while3A_175, %while3A_177 : i32
      %while3A_179 = arith.muli %while3A_178, %while3A_177 : i32
      %while3A_180 = arith.addi %while3A_173, %while3A_179 : i32
      %while3A_181 = arith.constant 1 : i32
      %while3A_182 = scf.for %while3A_186 = %while3A_173 to %while3A_180 step %while3A_181 iter_args(%while3A_187 = %while3A_174) -> (i32)  : i32 {
        %mul3A_188 = arith.constant 128 : i32
        %mul3A_189 = arith.muli %while3A_153, %mul3A_188 : i32
        %add3A_190 = arith.addi %mul3A_189, %while3A_186 : i32
        %broadcast_in_dim3A_191 = vector.broadcast %add3A_190 : i32 to vector<16xi32>
        %gather3A = tpu.vector_load_idx %arg9[%broadcast_in_dim3A_191] : memref<16384xi32, #tpu.memory_space<vmem>>[vector<16xi32>], vector<16xi32>,
        %shift_right_arithmetic3A = arith.constant 16 : i32
        %shift_right_arithmetic3A_192 = vector.broadcast %shift_right_arithmetic3A : i32 to vector<16xi32>
        %shift_right_arithmetic3A_193 = arith.shrsi %gather3A, %shift_right_arithmetic3A_192 : vector<16xi32>
        %sub3A_194 = vector.broadcast %mul3A_2 : i32 to vector<16xi32>
        %sub3A_195 = arith.subi %shift_right_arithmetic3A_193, %sub3A_194 : vector<16xi32>
        %add3A_196 = arith.constant 0 : i32
        %add3A_197 = vector.broadcast %add3A_196 : i32 to vector<16xi32>
        %add3A_198 = arith.addi %iota3A, %add3A_197 : vector<16xi32>
        %mul3A_199 = arith.constant 128 : i32
        %mul3A_200 = arith.muli %rem3A_156, %mul3A_199 : i32
        %add3A_201 = arith.addi %mul3A_200, %while3A_186 : i32
        %get3A = arith.index_cast %add3A_201 : i32 to index
        %get3A_202 = arith.constant 0 : index
        %get3A_203 = tpu.vector_load %arg11[%get3A, %get3A_202] {strides = array<i32>} : memref<256x128xf32, #tpu.memory_space<vmem>>, vector<16xf32>,
        tpu.vector_store_idx %arg12[%sub3A_195, %add3A_198], %get3A_203 {add = true} : memref<40x128xf32, #tpu.memory_space<vmem>>[vector<16xi32>, vector<16xi32>], vector<16xf32>,
        %add3A_204 = arith.constant 16 : i32
        %add3A_205 = vector.broadcast %add3A_204 : i32 to vector<16xi32>
        %add3A_206 = arith.addi %iota3A, %add3A_205 : vector<16xi32>
        %mul3A_207 = arith.constant 128 : i32
        %mul3A_208 = arith.muli %rem3A_156, %mul3A_207 : i32
        %add3A_209 = arith.addi %mul3A_208, %while3A_186 : i32
        %get3A_210 = arith.index_cast %add3A_209 : i32 to index
        %get3A_211 = arith.constant 16 : index
        %get3A_212 = tpu.vector_load %arg11[%get3A_210, %get3A_211] {strides = array<i32>} : memref<256x128xf32, #tpu.memory_space<vmem>>, vector<16xf32>,
        tpu.vector_store_idx %arg12[%sub3A_195, %add3A_206], %get3A_212 {add = true} : memref<40x128xf32, #tpu.memory_space<vmem>>[vector<16xi32>, vector<16xi32>], vector<16xf32>,
        %add3A_213 = arith.constant 32 : i32
        %add3A_214 = vector.broadcast %add3A_213 : i32 to vector<16xi32>
        %add3A_215 = arith.addi %iota3A, %add3A_214 : vector<16xi32>
        %mul3A_216 = arith.constant 128 : i32
        %mul3A_217 = arith.muli %rem3A_156, %mul3A_216 : i32
        %add3A_218 = arith.addi %mul3A_217, %while3A_186 : i32
        %get3A_219 = arith.index_cast %add3A_218 : i32 to index
        %get3A_220 = arith.constant 32 : index
        %get3A_221 = tpu.vector_load %arg11[%get3A_219, %get3A_220] {strides = array<i32>} : memref<256x128xf32, #tpu.memory_space<vmem>>, vector<16xf32>,
        tpu.vector_store_idx %arg12[%sub3A_195, %add3A_215], %get3A_221 {add = true} : memref<40x128xf32, #tpu.memory_space<vmem>>[vector<16xi32>, vector<16xi32>], vector<16xf32>,
        %add3A_222 = arith.constant 48 : i32
        %add3A_223 = vector.broadcast %add3A_222 : i32 to vector<16xi32>
        %add3A_224 = arith.addi %iota3A, %add3A_223 : vector<16xi32>
        %mul3A_225 = arith.constant 128 : i32
        %mul3A_226 = arith.muli %rem3A_156, %mul3A_225 : i32
        %add3A_227 = arith.addi %mul3A_226, %while3A_186 : i32
        %get3A_228 = arith.index_cast %add3A_227 : i32 to index
        %get3A_229 = arith.constant 48 : index
        %get3A_230 = tpu.vector_load %arg11[%get3A_228, %get3A_229] {strides = array<i32>} : memref<256x128xf32, #tpu.memory_space<vmem>>, vector<16xf32>,
        tpu.vector_store_idx %arg12[%sub3A_195, %add3A_224], %get3A_230 {add = true} : memref<40x128xf32, #tpu.memory_space<vmem>>[vector<16xi32>, vector<16xi32>], vector<16xf32>,
        %add3A_231 = arith.constant 64 : i32
        %add3A_232 = vector.broadcast %add3A_231 : i32 to vector<16xi32>
        %add3A_233 = arith.addi %iota3A, %add3A_232 : vector<16xi32>
        %mul3A_234 = arith.constant 128 : i32
        %mul3A_235 = arith.muli %rem3A_156, %mul3A_234 : i32
        %add3A_236 = arith.addi %mul3A_235, %while3A_186 : i32
        %get3A_237 = arith.index_cast %add3A_236 : i32 to index
        %get3A_238 = arith.constant 64 : index
        %get3A_239 = tpu.vector_load %arg11[%get3A_237, %get3A_238] {strides = array<i32>} : memref<256x128xf32, #tpu.memory_space<vmem>>, vector<16xf32>,
        tpu.vector_store_idx %arg12[%sub3A_195, %add3A_233], %get3A_239 {add = true} : memref<40x128xf32, #tpu.memory_space<vmem>>[vector<16xi32>, vector<16xi32>], vector<16xf32>,
        %add3A_240 = arith.constant 80 : i32
        %add3A_241 = vector.broadcast %add3A_240 : i32 to vector<16xi32>
        %add3A_242 = arith.addi %iota3A, %add3A_241 : vector<16xi32>
        %mul3A_243 = arith.constant 128 : i32
        %mul3A_244 = arith.muli %rem3A_156, %mul3A_243 : i32
        %add3A_245 = arith.addi %mul3A_244, %while3A_186 : i32
        %get3A_246 = arith.index_cast %add3A_245 : i32 to index
        %get3A_247 = arith.constant 80 : index
        %get3A_248 = tpu.vector_load %arg11[%get3A_246, %get3A_247] {strides = array<i32>} : memref<256x128xf32, #tpu.memory_space<vmem>>, vector<16xf32>,
        tpu.vector_store_idx %arg12[%sub3A_195, %add3A_242], %get3A_248 {add = true} : memref<40x128xf32, #tpu.memory_space<vmem>>[vector<16xi32>, vector<16xi32>], vector<16xf32>,
        %add3A_249 = arith.constant 96 : i32
        %add3A_250 = vector.broadcast %add3A_249 : i32 to vector<16xi32>
        %add3A_251 = arith.addi %iota3A, %add3A_250 : vector<16xi32>
        %mul3A_252 = arith.constant 128 : i32
        %mul3A_253 = arith.muli %rem3A_156, %mul3A_252 : i32
        %add3A_254 = arith.addi %mul3A_253, %while3A_186 : i32
        %get3A_255 = arith.index_cast %add3A_254 : i32 to index
        %get3A_256 = arith.constant 96 : index
        %get3A_257 = tpu.vector_load %arg11[%get3A_255, %get3A_256] {strides = array<i32>} : memref<256x128xf32, #tpu.memory_space<vmem>>, vector<16xf32>,
        tpu.vector_store_idx %arg12[%sub3A_195, %add3A_251], %get3A_257 {add = true} : memref<40x128xf32, #tpu.memory_space<vmem>>[vector<16xi32>, vector<16xi32>], vector<16xf32>,
        %add3A_258 = arith.constant 112 : i32
        %add3A_259 = vector.broadcast %add3A_258 : i32 to vector<16xi32>
        %add3A_260 = arith.addi %iota3A, %add3A_259 : vector<16xi32>
        %mul3A_261 = arith.constant 128 : i32
        %mul3A_262 = arith.muli %rem3A_156, %mul3A_261 : i32
        %add3A_263 = arith.addi %mul3A_262, %while3A_186 : i32
        %get3A_264 = arith.index_cast %add3A_263 : i32 to index
        %get3A_265 = arith.constant 112 : index
        %get3A_266 = tpu.vector_load %arg11[%get3A_264, %get3A_265] {strides = array<i32>} : memref<256x128xf32, #tpu.memory_space<vmem>>, vector<16xf32>,
        tpu.vector_store_idx %arg12[%sub3A_195, %add3A_260], %get3A_266 {add = true} : memref<40x128xf32, #tpu.memory_space<vmem>>[vector<16xi32>, vector<16xi32>], vector<16xf32>,
        tpu.vector_store_idx %arg13[%sub3A_195], %broadcast_in_dim3A_36 masked %eq3A_34 {add = true} : memref<48xf32, #tpu.memory_space<vmem>>[vector<16xi32>], vector<16xf32>, vector<16xi1>
        %while3A_267 = arith.constant 0 : i32
        scf.yield %while3A_267 : i32
      }
      %while3A_183 = arith.constant 1 : i32
      %while3A_184 = scf.for %while3A_186 = %while3A_180 to %while3A_176 step %while3A_183 iter_args(%while3A_187 = %while3A_182) -> (i32)  : i32 {
        %mul3A_188 = arith.constant 128 : i32
        %mul3A_189 = arith.muli %while3A_153, %mul3A_188 : i32
        %add3A_190 = arith.addi %mul3A_189, %while3A_186 : i32
        %broadcast_in_dim3A_191 = vector.broadcast %add3A_190 : i32 to vector<16xi32>
        %gather3A = tpu.vector_load_idx %arg9[%broadcast_in_dim3A_191] : memref<16384xi32, #tpu.memory_space<vmem>>[vector<16xi32>], vector<16xi32>,
        %shift_right_arithmetic3A = arith.constant 16 : i32
        %shift_right_arithmetic3A_192 = vector.broadcast %shift_right_arithmetic3A : i32 to vector<16xi32>
        %shift_right_arithmetic3A_193 = arith.shrsi %gather3A, %shift_right_arithmetic3A_192 : vector<16xi32>
        %sub3A_194 = vector.broadcast %mul3A_2 : i32 to vector<16xi32>
        %sub3A_195 = arith.subi %shift_right_arithmetic3A_193, %sub3A_194 : vector<16xi32>
        %add3A_196 = arith.constant 0 : i32
        %add3A_197 = vector.broadcast %add3A_196 : i32 to vector<16xi32>
        %add3A_198 = arith.addi %iota3A, %add3A_197 : vector<16xi32>
        %mul3A_199 = arith.constant 128 : i32
        %mul3A_200 = arith.muli %rem3A_156, %mul3A_199 : i32
        %add3A_201 = arith.addi %mul3A_200, %while3A_186 : i32
        %get3A = arith.index_cast %add3A_201 : i32 to index
        %get3A_202 = arith.constant 0 : index
        %get3A_203 = tpu.vector_load %arg11[%get3A, %get3A_202] {strides = array<i32>} : memref<256x128xf32, #tpu.memory_space<vmem>>, vector<16xf32>,
        tpu.vector_store_idx %arg12[%sub3A_195, %add3A_198], %get3A_203 {add = true} : memref<40x128xf32, #tpu.memory_space<vmem>>[vector<16xi32>, vector<16xi32>], vector<16xf32>,
        %add3A_204 = arith.constant 16 : i32
        %add3A_205 = vector.broadcast %add3A_204 : i32 to vector<16xi32>
        %add3A_206 = arith.addi %iota3A, %add3A_205 : vector<16xi32>
        %mul3A_207 = arith.constant 128 : i32
        %mul3A_208 = arith.muli %rem3A_156, %mul3A_207 : i32
        %add3A_209 = arith.addi %mul3A_208, %while3A_186 : i32
        %get3A_210 = arith.index_cast %add3A_209 : i32 to index
        %get3A_211 = arith.constant 16 : index
        %get3A_212 = tpu.vector_load %arg11[%get3A_210, %get3A_211] {strides = array<i32>} : memref<256x128xf32, #tpu.memory_space<vmem>>, vector<16xf32>,
        tpu.vector_store_idx %arg12[%sub3A_195, %add3A_206], %get3A_212 {add = true} : memref<40x128xf32, #tpu.memory_space<vmem>>[vector<16xi32>, vector<16xi32>], vector<16xf32>,
        %add3A_213 = arith.constant 32 : i32
        %add3A_214 = vector.broadcast %add3A_213 : i32 to vector<16xi32>
        %add3A_215 = arith.addi %iota3A, %add3A_214 : vector<16xi32>
        %mul3A_216 = arith.constant 128 : i32
        %mul3A_217 = arith.muli %rem3A_156, %mul3A_216 : i32
        %add3A_218 = arith.addi %mul3A_217, %while3A_186 : i32
        %get3A_219 = arith.index_cast %add3A_218 : i32 to index
        %get3A_220 = arith.constant 32 : index
        %get3A_221 = tpu.vector_load %arg11[%get3A_219, %get3A_220] {strides = array<i32>} : memref<256x128xf32, #tpu.memory_space<vmem>>, vector<16xf32>,
        tpu.vector_store_idx %arg12[%sub3A_195, %add3A_215], %get3A_221 {add = true} : memref<40x128xf32, #tpu.memory_space<vmem>>[vector<16xi32>, vector<16xi32>], vector<16xf32>,
        %add3A_222 = arith.constant 48 : i32
        %add3A_223 = vector.broadcast %add3A_222 : i32 to vector<16xi32>
        %add3A_224 = arith.addi %iota3A, %add3A_223 : vector<16xi32>
        %mul3A_225 = arith.constant 128 : i32
        %mul3A_226 = arith.muli %rem3A_156, %mul3A_225 : i32
        %add3A_227 = arith.addi %mul3A_226, %while3A_186 : i32
        %get3A_228 = arith.index_cast %add3A_227 : i32 to index
        %get3A_229 = arith.constant 48 : index
        %get3A_230 = tpu.vector_load %arg11[%get3A_228, %get3A_229] {strides = array<i32>} : memref<256x128xf32, #tpu.memory_space<vmem>>, vector<16xf32>,
        tpu.vector_store_idx %arg12[%sub3A_195, %add3A_224], %get3A_230 {add = true} : memref<40x128xf32, #tpu.memory_space<vmem>>[vector<16xi32>, vector<16xi32>], vector<16xf32>,
        %add3A_231 = arith.constant 64 : i32
        %add3A_232 = vector.broadcast %add3A_231 : i32 to vector<16xi32>
        %add3A_233 = arith.addi %iota3A, %add3A_232 : vector<16xi32>
        %mul3A_234 = arith.constant 128 : i32
        %mul3A_235 = arith.muli %rem3A_156, %mul3A_234 : i32
        %add3A_236 = arith.addi %mul3A_235, %while3A_186 : i32
        %get3A_237 = arith.index_cast %add3A_236 : i32 to index
        %get3A_238 = arith.constant 64 : index
        %get3A_239 = tpu.vector_load %arg11[%get3A_237, %get3A_238] {strides = array<i32>} : memref<256x128xf32, #tpu.memory_space<vmem>>, vector<16xf32>,
        tpu.vector_store_idx %arg12[%sub3A_195, %add3A_233], %get3A_239 {add = true} : memref<40x128xf32, #tpu.memory_space<vmem>>[vector<16xi32>, vector<16xi32>], vector<16xf32>,
        %add3A_240 = arith.constant 80 : i32
        %add3A_241 = vector.broadcast %add3A_240 : i32 to vector<16xi32>
        %add3A_242 = arith.addi %iota3A, %add3A_241 : vector<16xi32>
        %mul3A_243 = arith.constant 128 : i32
        %mul3A_244 = arith.muli %rem3A_156, %mul3A_243 : i32
        %add3A_245 = arith.addi %mul3A_244, %while3A_186 : i32
        %get3A_246 = arith.index_cast %add3A_245 : i32 to index
        %get3A_247 = arith.constant 80 : index
        %get3A_248 = tpu.vector_load %arg11[%get3A_246, %get3A_247] {strides = array<i32>} : memref<256x128xf32, #tpu.memory_space<vmem>>, vector<16xf32>,
        tpu.vector_store_idx %arg12[%sub3A_195, %add3A_242], %get3A_248 {add = true} : memref<40x128xf32, #tpu.memory_space<vmem>>[vector<16xi32>, vector<16xi32>], vector<16xf32>,
        %add3A_249 = arith.constant 96 : i32
        %add3A_250 = vector.broadcast %add3A_249 : i32 to vector<16xi32>
        %add3A_251 = arith.addi %iota3A, %add3A_250 : vector<16xi32>
        %mul3A_252 = arith.constant 128 : i32
        %mul3A_253 = arith.muli %rem3A_156, %mul3A_252 : i32
        %add3A_254 = arith.addi %mul3A_253, %while3A_186 : i32
        %get3A_255 = arith.index_cast %add3A_254 : i32 to index
        %get3A_256 = arith.constant 96 : index
        %get3A_257 = tpu.vector_load %arg11[%get3A_255, %get3A_256] {strides = array<i32>} : memref<256x128xf32, #tpu.memory_space<vmem>>, vector<16xf32>,
        tpu.vector_store_idx %arg12[%sub3A_195, %add3A_251], %get3A_257 {add = true} : memref<40x128xf32, #tpu.memory_space<vmem>>[vector<16xi32>, vector<16xi32>], vector<16xf32>,
        %add3A_258 = arith.constant 112 : i32
        %add3A_259 = vector.broadcast %add3A_258 : i32 to vector<16xi32>
        %add3A_260 = arith.addi %iota3A, %add3A_259 : vector<16xi32>
        %mul3A_261 = arith.constant 128 : i32
        %mul3A_262 = arith.muli %rem3A_156, %mul3A_261 : i32
        %add3A_263 = arith.addi %mul3A_262, %while3A_186 : i32
        %get3A_264 = arith.index_cast %add3A_263 : i32 to index
        %get3A_265 = arith.constant 112 : index
        %get3A_266 = tpu.vector_load %arg11[%get3A_264, %get3A_265] {strides = array<i32>} : memref<256x128xf32, #tpu.memory_space<vmem>>, vector<16xf32>,
        tpu.vector_store_idx %arg12[%sub3A_195, %add3A_260], %get3A_266 {add = true} : memref<40x128xf32, #tpu.memory_space<vmem>>[vector<16xi32>, vector<16xi32>], vector<16xf32>,
        tpu.vector_store_idx %arg13[%sub3A_195], %broadcast_in_dim3A_36 masked %eq3A_34 {add = true} : memref<48xf32, #tpu.memory_space<vmem>>[vector<16xi32>], vector<16xf32>, vector<16xi1>
        %while3A_267 = arith.constant 0 : i32
        scf.yield %while3A_267 : i32
      }
      %while3A_185 = arith.constant 0 : i32
      scf.yield %while3A_185 : i32
    }
    %while3A_151 = arith.constant 1 : i32
    %while3A_152 = scf.for %while3A_153 = %while3A_148 to %while3A_144 step %while3A_151 iter_args(%while3A_154 = %while3A_150) -> (i32)  : i32 {
      %rem3A_155 = arith.constant 2 : i32
      %rem3A_156 = arith.remsi %while3A_153, %rem3A_155 : i32
      %mul3A_157 = arith.constant 128 : i32
      %mul3A_158 = arith.muli %rem3A_156, %mul3A_157 : i32
      %mul3A_159 = arith.constant 128 : i32
      %mul3A_160 = arith.muli %rem3A_156, %mul3A_159 : i32
      %dma_wait3A = arith.constant 0 : i32
      %dma_wait3A_161 = tpu.memref_slice %arg11[%mul3A_160, %dma_wait3A] : memref<256x128xf32, #tpu.memory_space<vmem>> -> memref<128x128xf32, #tpu.memory_space<vmem>>
      %dma_wait3A_162 = tpu.memref_slice %arg10[%mul3A_158] : memref<256xi32, #tpu.memory_space<vmem>> -> memref<128xi32, #tpu.memory_space<vmem>>
      %dma_wait3A_163 = arith.constant 0 : i32
      %dma_wait3A_164 = arith.constant 0 : i32
      %dma_wait3A_165 = tpu.memref_slice %arg4[%dma_wait3A_163, %dma_wait3A_164] : memref<10000x128xf32, #tpu.memory_space<hbm>> -> memref<10000x128xf32, #tpu.memory_space<hbm>>
      tpu.wait_indirect_dma semaphore(%arg15 : memref<!tpu.dma_semaphore, #tpu.memory_space<semaphore_mem>>) src(%dma_wait3A_165 : memref<10000x128xf32, #tpu.memory_space<hbm>>) dst(%dma_wait3A_161 : memref<128x128xf32, #tpu.memory_space<vmem>>)
      %add3A_166 = arith.constant 1 : i32
      %add3A_167 = arith.addi %while3A_153, %add3A_166 : i32
      %lt3A = arith.cmpi slt, %add3A_167, %select_n3A : i32
      %convert_element_type3A = arith.extui %lt3A : i1 to i32
      %cond3A = arith.constant 0 : i32
      %cond3A_168 = arith.cmpi ne, %convert_element_type3A, %cond3A : i32
      scf.if %cond3A_168 {
        %add3A_186 = arith.constant 1 : i32
        %add3A_187 = arith.addi %while3A_153, %add3A_186 : i32
        %sub3A_188 = arith.constant 1 : i32
        %sub3A_189 = arith.subi %sub3A_188, %rem3A_156 : i32
        %scan3A_190 = arith.constant 0 : i32
        %scan3A_191 = arith.constant 0 : i32
        %scan3A_192 = arith.constant 8 : i32
        %scan3A_193 = arith.addi %scan3A_191, %scan3A_192 : i32
        %scan3A_194 = arith.constant 1 : i32
        %scan3A_195 = scf.for %scan3A_207 = %scan3A_191 to %scan3A_193 step %scan3A_194 iter_args(%scan3A_208 = %scan3A_190) -> (i32)  : i32 {
          %mul3A_209 = arith.constant 128 : i32
          %mul3A_210 = arith.muli %add3A_187, %mul3A_209 : i32
          %mul3A_211 = arith.constant 16 : i32
          %mul3A_212 = arith.muli %scan3A_207, %mul3A_211 : i32
          %add3A_213 = arith.addi %mul3A_210, %mul3A_212 : i32
          %get3A = arith.index_cast %add3A_213 : i32 to index
          %get3A_214 = tpu.vector_load %arg9[%get3A] {strides = array<i32>} : memref<16384xi32, #tpu.memory_space<vmem>>, vector<16xi32>,
          %and3A_215 = arith.andi %get3A_214, %broadcast_in_dim3A_38 : vector<16xi32>
          %mul3A_216 = arith.constant 128 : i32
          %mul3A_217 = arith.muli %sub3A_189, %mul3A_216 : i32
          %mul3A_218 = arith.constant 16 : i32
          %mul3A_219 = arith.muli %scan3A_207, %mul3A_218 : i32
          %add3A_220 = arith.addi %mul3A_217, %mul3A_219 : i32
          %swap3A_221 = arith.index_cast %add3A_220 : i32 to index
          %swap3A_222 = tpu.vector_load %arg10[%swap3A_221] {strides = array<i32>} : memref<256xi32, #tpu.memory_space<vmem>>, vector<16xi32>,
          tpu.vector_store %arg10[%swap3A_221], %and3A_215 {strides = array<i32>} : memref<256xi32, #tpu.memory_space<vmem>>, vector<16xi32>,
          %scan3A_223 = arith.constant 0 : i32
          scf.yield %scan3A_223 : i32
        }
        %scan3A_196 = arith.constant 8 : i32
        %mul3A_197 = arith.constant 128 : i32
        %mul3A_198 = arith.muli %sub3A_189, %mul3A_197 : i32
        %mul3A_199 = arith.constant 128 : i32
        %mul3A_200 = arith.muli %sub3A_189, %mul3A_199 : i32
        %dma_start3A_201 = arith.constant 0 : i32
        %dma_start3A_202 = tpu.memref_slice %arg11[%mul3A_200, %dma_start3A_201] : memref<256x128xf32, #tpu.memory_space<vmem>> -> memref<128x128xf32, #tpu.memory_space<vmem>>
        %dma_start3A_203 = tpu.memref_slice %arg10[%mul3A_198] : memref<256xi32, #tpu.memory_space<vmem>> -> memref<128xi32, #tpu.memory_space<vmem>>
        %dma_start3A_204 = arith.constant 0 : i32
        %dma_start3A_205 = arith.constant 0 : i32
        %dma_start3A_206 = tpu.memref_slice %arg4[%dma_start3A_204, %dma_start3A_205] : memref<10000x128xf32, #tpu.memory_space<hbm>> -> memref<10000x128xf32, #tpu.memory_space<hbm>>
        tpu.enqueue_indirect_dma source(%dma_start3A_206 : memref<10000x128xf32, #tpu.memory_space<hbm>>) target(%dma_start3A_202 : memref<128x128xf32, #tpu.memory_space<vmem>>) offsets(%dma_start3A_203 : memref<128xi32, #tpu.memory_space<vmem>>) semaphore(%arg15 : memref<!tpu.dma_semaphore, #tpu.memory_space<semaphore_mem>>)
      } else {
      }
      %mul3A_169 = arith.constant 128 : i32
      %mul3A_170 = arith.muli %while3A_153, %mul3A_169 : i32
      %sub3A_171 = arith.subi %scan3A_56, %mul3A_170 : i32
      %min3A = arith.constant 128 : i32
      %min3A_172 = arith.minsi %min3A, %sub3A_171 : i32
      %while3A_173 = arith.constant 0 : i32
      %while3A_174 = arith.constant 0 : i32
      %while3A_175 = arith.subi %min3A_172, %while3A_173 : i32
      %while3A_176 = arith.addi %while3A_173, %while3A_175 : i32
      %while3A_177 = arith.constant 1 : i32
      %while3A_178 = arith.divsi %while3A_175, %while3A_177 : i32
      %while3A_179 = arith.muli %while3A_178, %while3A_177 : i32
      %while3A_180 = arith.addi %while3A_173, %while3A_179 : i32
      %while3A_181 = arith.constant 1 : i32
      %while3A_182 = scf.for %while3A_186 = %while3A_173 to %while3A_180 step %while3A_181 iter_args(%while3A_187 = %while3A_174) -> (i32)  : i32 {
        %mul3A_188 = arith.constant 128 : i32
        %mul3A_189 = arith.muli %while3A_153, %mul3A_188 : i32
        %add3A_190 = arith.addi %mul3A_189, %while3A_186 : i32
        %broadcast_in_dim3A_191 = vector.broadcast %add3A_190 : i32 to vector<16xi32>
        %gather3A = tpu.vector_load_idx %arg9[%broadcast_in_dim3A_191] : memref<16384xi32, #tpu.memory_space<vmem>>[vector<16xi32>], vector<16xi32>,
        %shift_right_arithmetic3A = arith.constant 16 : i32
        %shift_right_arithmetic3A_192 = vector.broadcast %shift_right_arithmetic3A : i32 to vector<16xi32>
        %shift_right_arithmetic3A_193 = arith.shrsi %gather3A, %shift_right_arithmetic3A_192 : vector<16xi32>
        %sub3A_194 = vector.broadcast %mul3A_2 : i32 to vector<16xi32>
        %sub3A_195 = arith.subi %shift_right_arithmetic3A_193, %sub3A_194 : vector<16xi32>
        %add3A_196 = arith.constant 0 : i32
        %add3A_197 = vector.broadcast %add3A_196 : i32 to vector<16xi32>
        %add3A_198 = arith.addi %iota3A, %add3A_197 : vector<16xi32>
        %mul3A_199 = arith.constant 128 : i32
        %mul3A_200 = arith.muli %rem3A_156, %mul3A_199 : i32
        %add3A_201 = arith.addi %mul3A_200, %while3A_186 : i32
        %get3A = arith.index_cast %add3A_201 : i32 to index
        %get3A_202 = arith.constant 0 : index
        %get3A_203 = tpu.vector_load %arg11[%get3A, %get3A_202] {strides = array<i32>} : memref<256x128xf32, #tpu.memory_space<vmem>>, vector<16xf32>,
        tpu.vector_store_idx %arg12[%sub3A_195, %add3A_198], %get3A_203 {add = true} : memref<40x128xf32, #tpu.memory_space<vmem>>[vector<16xi32>, vector<16xi32>], vector<16xf32>,
        %add3A_204 = arith.constant 16 : i32
        %add3A_205 = vector.broadcast %add3A_204 : i32 to vector<16xi32>
        %add3A_206 = arith.addi %iota3A, %add3A_205 : vector<16xi32>
        %mul3A_207 = arith.constant 128 : i32
        %mul3A_208 = arith.muli %rem3A_156, %mul3A_207 : i32
        %add3A_209 = arith.addi %mul3A_208, %while3A_186 : i32
        %get3A_210 = arith.index_cast %add3A_209 : i32 to index
        %get3A_211 = arith.constant 16 : index
        %get3A_212 = tpu.vector_load %arg11[%get3A_210, %get3A_211] {strides = array<i32>} : memref<256x128xf32, #tpu.memory_space<vmem>>, vector<16xf32>,
        tpu.vector_store_idx %arg12[%sub3A_195, %add3A_206], %get3A_212 {add = true} : memref<40x128xf32, #tpu.memory_space<vmem>>[vector<16xi32>, vector<16xi32>], vector<16xf32>,
        %add3A_213 = arith.constant 32 : i32
        %add3A_214 = vector.broadcast %add3A_213 : i32 to vector<16xi32>
        %add3A_215 = arith.addi %iota3A, %add3A_214 : vector<16xi32>
        %mul3A_216 = arith.constant 128 : i32
        %mul3A_217 = arith.muli %rem3A_156, %mul3A_216 : i32
        %add3A_218 = arith.addi %mul3A_217, %while3A_186 : i32
        %get3A_219 = arith.index_cast %add3A_218 : i32 to index
        %get3A_220 = arith.constant 32 : index
        %get3A_221 = tpu.vector_load %arg11[%get3A_219, %get3A_220] {strides = array<i32>} : memref<256x128xf32, #tpu.memory_space<vmem>>, vector<16xf32>,
        tpu.vector_store_idx %arg12[%sub3A_195, %add3A_215], %get3A_221 {add = true} : memref<40x128xf32, #tpu.memory_space<vmem>>[vector<16xi32>, vector<16xi32>], vector<16xf32>,
        %add3A_222 = arith.constant 48 : i32
        %add3A_223 = vector.broadcast %add3A_222 : i32 to vector<16xi32>
        %add3A_224 = arith.addi %iota3A, %add3A_223 : vector<16xi32>
        %mul3A_225 = arith.constant 128 : i32
        %mul3A_226 = arith.muli %rem3A_156, %mul3A_225 : i32
        %add3A_227 = arith.addi %mul3A_226, %while3A_186 : i32
        %get3A_228 = arith.index_cast %add3A_227 : i32 to index
        %get3A_229 = arith.constant 48 : index
        %get3A_230 = tpu.vector_load %arg11[%get3A_228, %get3A_229] {strides = array<i32>} : memref<256x128xf32, #tpu.memory_space<vmem>>, vector<16xf32>,
        tpu.vector_store_idx %arg12[%sub3A_195, %add3A_224], %get3A_230 {add = true} : memref<40x128xf32, #tpu.memory_space<vmem>>[vector<16xi32>, vector<16xi32>], vector<16xf32>,
        %add3A_231 = arith.constant 64 : i32
        %add3A_232 = vector.broadcast %add3A_231 : i32 to vector<16xi32>
        %add3A_233 = arith.addi %iota3A, %add3A_232 : vector<16xi32>
        %mul3A_234 = arith.constant 128 : i32
        %mul3A_235 = arith.muli %rem3A_156, %mul3A_234 : i32
        %add3A_236 = arith.addi %mul3A_235, %while3A_186 : i32
        %get3A_237 = arith.index_cast %add3A_236 : i32 to index
        %get3A_238 = arith.constant 64 : index
        %get3A_239 = tpu.vector_load %arg11[%get3A_237, %get3A_238] {strides = array<i32>} : memref<256x128xf32, #tpu.memory_space<vmem>>, vector<16xf32>,
        tpu.vector_store_idx %arg12[%sub3A_195, %add3A_233], %get3A_239 {add = true} : memref<40x128xf32, #tpu.memory_space<vmem>>[vector<16xi32>, vector<16xi32>], vector<16xf32>,
        %add3A_240 = arith.constant 80 : i32
        %add3A_241 = vector.broadcast %add3A_240 : i32 to vector<16xi32>
        %add3A_242 = arith.addi %iota3A, %add3A_241 : vector<16xi32>
        %mul3A_243 = arith.constant 128 : i32
        %mul3A_244 = arith.muli %rem3A_156, %mul3A_243 : i32
        %add3A_245 = arith.addi %mul3A_244, %while3A_186 : i32
        %get3A_246 = arith.index_cast %add3A_245 : i32 to index
        %get3A_247 = arith.constant 80 : index
        %get3A_248 = tpu.vector_load %arg11[%get3A_246, %get3A_247] {strides = array<i32>} : memref<256x128xf32, #tpu.memory_space<vmem>>, vector<16xf32>,
        tpu.vector_store_idx %arg12[%sub3A_195, %add3A_242], %get3A_248 {add = true} : memref<40x128xf32, #tpu.memory_space<vmem>>[vector<16xi32>, vector<16xi32>], vector<16xf32>,
        %add3A_249 = arith.constant 96 : i32
        %add3A_250 = vector.broadcast %add3A_249 : i32 to vector<16xi32>
        %add3A_251 = arith.addi %iota3A, %add3A_250 : vector<16xi32>
        %mul3A_252 = arith.constant 128 : i32
        %mul3A_253 = arith.muli %rem3A_156, %mul3A_252 : i32
        %add3A_254 = arith.addi %mul3A_253, %while3A_186 : i32
        %get3A_255 = arith.index_cast %add3A_254 : i32 to index
        %get3A_256 = arith.constant 96 : index
        %get3A_257 = tpu.vector_load %arg11[%get3A_255, %get3A_256] {strides = array<i32>} : memref<256x128xf32, #tpu.memory_space<vmem>>, vector<16xf32>,
        tpu.vector_store_idx %arg12[%sub3A_195, %add3A_251], %get3A_257 {add = true} : memref<40x128xf32, #tpu.memory_space<vmem>>[vector<16xi32>, vector<16xi32>], vector<16xf32>,
        %add3A_258 = arith.constant 112 : i32
        %add3A_259 = vector.broadcast %add3A_258 : i32 to vector<16xi32>
        %add3A_260 = arith.addi %iota3A, %add3A_259 : vector<16xi32>
        %mul3A_261 = arith.constant 128 : i32
        %mul3A_262 = arith.muli %rem3A_156, %mul3A_261 : i32
        %add3A_263 = arith.addi %mul3A_262, %while3A_186 : i32
        %get3A_264 = arith.index_cast %add3A_263 : i32 to index
        %get3A_265 = arith.constant 112 : index
        %get3A_266 = tpu.vector_load %arg11[%get3A_264, %get3A_265] {strides = array<i32>} : memref<256x128xf32, #tpu.memory_space<vmem>>, vector<16xf32>,
        tpu.vector_store_idx %arg12[%sub3A_195, %add3A_260], %get3A_266 {add = true} : memref<40x128xf32, #tpu.memory_space<vmem>>[vector<16xi32>, vector<16xi32>], vector<16xf32>,
        tpu.vector_store_idx %arg13[%sub3A_195], %broadcast_in_dim3A_36 masked %eq3A_34 {add = true} : memref<48xf32, #tpu.memory_space<vmem>>[vector<16xi32>], vector<16xf32>, vector<16xi1>
        %while3A_267 = arith.constant 0 : i32
        scf.yield %while3A_267 : i32
      }
      %while3A_183 = arith.constant 1 : i32
      %while3A_184 = scf.for %while3A_186 = %while3A_180 to %while3A_176 step %while3A_183 iter_args(%while3A_187 = %while3A_182) -> (i32)  : i32 {
        %mul3A_188 = arith.constant 128 : i32
        %mul3A_189 = arith.muli %while3A_153, %mul3A_188 : i32
        %add3A_190 = arith.addi %mul3A_189, %while3A_186 : i32
        %broadcast_in_dim3A_191 = vector.broadcast %add3A_190 : i32 to vector<16xi32>
        %gather3A = tpu.vector_load_idx %arg9[%broadcast_in_dim3A_191] : memref<16384xi32, #tpu.memory_space<vmem>>[vector<16xi32>], vector<16xi32>,
        %shift_right_arithmetic3A = arith.constant 16 : i32
        %shift_right_arithmetic3A_192 = vector.broadcast %shift_right_arithmetic3A : i32 to vector<16xi32>
        %shift_right_arithmetic3A_193 = arith.shrsi %gather3A, %shift_right_arithmetic3A_192 : vector<16xi32>
        %sub3A_194 = vector.broadcast %mul3A_2 : i32 to vector<16xi32>
        %sub3A_195 = arith.subi %shift_right_arithmetic3A_193, %sub3A_194 : vector<16xi32>
        %add3A_196 = arith.constant 0 : i32
        %add3A_197 = vector.broadcast %add3A_196 : i32 to vector<16xi32>
        %add3A_198 = arith.addi %iota3A, %add3A_197 : vector<16xi32>
        %mul3A_199 = arith.constant 128 : i32
        %mul3A_200 = arith.muli %rem3A_156, %mul3A_199 : i32
        %add3A_201 = arith.addi %mul3A_200, %while3A_186 : i32
        %get3A = arith.index_cast %add3A_201 : i32 to index
        %get3A_202 = arith.constant 0 : index
        %get3A_203 = tpu.vector_load %arg11[%get3A, %get3A_202] {strides = array<i32>} : memref<256x128xf32, #tpu.memory_space<vmem>>, vector<16xf32>,
        tpu.vector_store_idx %arg12[%sub3A_195, %add3A_198], %get3A_203 {add = true} : memref<40x128xf32, #tpu.memory_space<vmem>>[vector<16xi32>, vector<16xi32>], vector<16xf32>,
        %add3A_204 = arith.constant 16 : i32
        %add3A_205 = vector.broadcast %add3A_204 : i32 to vector<16xi32>
        %add3A_206 = arith.addi %iota3A, %add3A_205 : vector<16xi32>
        %mul3A_207 = arith.constant 128 : i32
        %mul3A_208 = arith.muli %rem3A_156, %mul3A_207 : i32
        %add3A_209 = arith.addi %mul3A_208, %while3A_186 : i32
        %get3A_210 = arith.index_cast %add3A_209 : i32 to index
        %get3A_211 = arith.constant 16 : index
        %get3A_212 = tpu.vector_load %arg11[%get3A_210, %get3A_211] {strides = array<i32>} : memref<256x128xf32, #tpu.memory_space<vmem>>, vector<16xf32>,
        tpu.vector_store_idx %arg12[%sub3A_195, %add3A_206], %get3A_212 {add = true} : memref<40x128xf32, #tpu.memory_space<vmem>>[vector<16xi32>, vector<16xi32>], vector<16xf32>,
        %add3A_213 = arith.constant 32 : i32
        %add3A_214 = vector.broadcast %add3A_213 : i32 to vector<16xi32>
        %add3A_215 = arith.addi %iota3A, %add3A_214 : vector<16xi32>
        %mul3A_216 = arith.constant 128 : i32
        %mul3A_217 = arith.muli %rem3A_156, %mul3A_216 : i32
        %add3A_218 = arith.addi %mul3A_217, %while3A_186 : i32
        %get3A_219 = arith.index_cast %add3A_218 : i32 to index
        %get3A_220 = arith.constant 32 : index
        %get3A_221 = tpu.vector_load %arg11[%get3A_219, %get3A_220] {strides = array<i32>} : memref<256x128xf32, #tpu.memory_space<vmem>>, vector<16xf32>,
        tpu.vector_store_idx %arg12[%sub3A_195, %add3A_215], %get3A_221 {add = true} : memref<40x128xf32, #tpu.memory_space<vmem>>[vector<16xi32>, vector<16xi32>], vector<16xf32>,
        %add3A_222 = arith.constant 48 : i32
        %add3A_223 = vector.broadcast %add3A_222 : i32 to vector<16xi32>
        %add3A_224 = arith.addi %iota3A, %add3A_223 : vector<16xi32>
        %mul3A_225 = arith.constant 128 : i32
        %mul3A_226 = arith.muli %rem3A_156, %mul3A_225 : i32
        %add3A_227 = arith.addi %mul3A_226, %while3A_186 : i32
        %get3A_228 = arith.index_cast %add3A_227 : i32 to index
        %get3A_229 = arith.constant 48 : index
        %get3A_230 = tpu.vector_load %arg11[%get3A_228, %get3A_229] {strides = array<i32>} : memref<256x128xf32, #tpu.memory_space<vmem>>, vector<16xf32>,
        tpu.vector_store_idx %arg12[%sub3A_195, %add3A_224], %get3A_230 {add = true} : memref<40x128xf32, #tpu.memory_space<vmem>>[vector<16xi32>, vector<16xi32>], vector<16xf32>,
        %add3A_231 = arith.constant 64 : i32
        %add3A_232 = vector.broadcast %add3A_231 : i32 to vector<16xi32>
        %add3A_233 = arith.addi %iota3A, %add3A_232 : vector<16xi32>
        %mul3A_234 = arith.constant 128 : i32
        %mul3A_235 = arith.muli %rem3A_156, %mul3A_234 : i32
        %add3A_236 = arith.addi %mul3A_235, %while3A_186 : i32
        %get3A_237 = arith.index_cast %add3A_236 : i32 to index
        %get3A_238 = arith.constant 64 : index
        %get3A_239 = tpu.vector_load %arg11[%get3A_237, %get3A_238] {strides = array<i32>} : memref<256x128xf32, #tpu.memory_space<vmem>>, vector<16xf32>,
        tpu.vector_store_idx %arg12[%sub3A_195, %add3A_233], %get3A_239 {add = true} : memref<40x128xf32, #tpu.memory_space<vmem>>[vector<16xi32>, vector<16xi32>], vector<16xf32>,
        %add3A_240 = arith.constant 80 : i32
        %add3A_241 = vector.broadcast %add3A_240 : i32 to vector<16xi32>
        %add3A_242 = arith.addi %iota3A, %add3A_241 : vector<16xi32>
        %mul3A_243 = arith.constant 128 : i32
        %mul3A_244 = arith.muli %rem3A_156, %mul3A_243 : i32
        %add3A_245 = arith.addi %mul3A_244, %while3A_186 : i32
        %get3A_246 = arith.index_cast %add3A_245 : i32 to index
        %get3A_247 = arith.constant 80 : index
        %get3A_248 = tpu.vector_load %arg11[%get3A_246, %get3A_247] {strides = array<i32>} : memref<256x128xf32, #tpu.memory_space<vmem>>, vector<16xf32>,
        tpu.vector_store_idx %arg12[%sub3A_195, %add3A_242], %get3A_248 {add = true} : memref<40x128xf32, #tpu.memory_space<vmem>>[vector<16xi32>, vector<16xi32>], vector<16xf32>,
        %add3A_249 = arith.constant 96 : i32
        %add3A_250 = vector.broadcast %add3A_249 : i32 to vector<16xi32>
        %add3A_251 = arith.addi %iota3A, %add3A_250 : vector<16xi32>
        %mul3A_252 = arith.constant 128 : i32
        %mul3A_253 = arith.muli %rem3A_156, %mul3A_252 : i32
        %add3A_254 = arith.addi %mul3A_253, %while3A_186 : i32
        %get3A_255 = arith.index_cast %add3A_254 : i32 to index
        %get3A_256 = arith.constant 96 : index
        %get3A_257 = tpu.vector_load %arg11[%get3A_255, %get3A_256] {strides = array<i32>} : memref<256x128xf32, #tpu.memory_space<vmem>>, vector<16xf32>,
        tpu.vector_store_idx %arg12[%sub3A_195, %add3A_251], %get3A_257 {add = true} : memref<40x128xf32, #tpu.memory_space<vmem>>[vector<16xi32>, vector<16xi32>], vector<16xf32>,
        %add3A_258 = arith.constant 112 : i32
        %add3A_259 = vector.broadcast %add3A_258 : i32 to vector<16xi32>
        %add3A_260 = arith.addi %iota3A, %add3A_259 : vector<16xi32>
        %mul3A_261 = arith.constant 128 : i32
        %mul3A_262 = arith.muli %rem3A_156, %mul3A_261 : i32
        %add3A_263 = arith.addi %mul3A_262, %while3A_186 : i32
        %get3A_264 = arith.index_cast %add3A_263 : i32 to index
        %get3A_265 = arith.constant 112 : index
        %get3A_266 = tpu.vector_load %arg11[%get3A_264, %get3A_265] {strides = array<i32>} : memref<256x128xf32, #tpu.memory_space<vmem>>, vector<16xf32>,
        tpu.vector_store_idx %arg12[%sub3A_195, %add3A_260], %get3A_266 {add = true} : memref<40x128xf32, #tpu.memory_space<vmem>>[vector<16xi32>, vector<16xi32>], vector<16xf32>,
        tpu.vector_store_idx %arg13[%sub3A_195], %broadcast_in_dim3A_36 masked %eq3A_34 {add = true} : memref<48xf32, #tpu.memory_space<vmem>>[vector<16xi32>], vector<16xf32>, vector<16xi1>
        %while3A_267 = arith.constant 0 : i32
        scf.yield %while3A_267 : i32
      }
      %while3A_185 = arith.constant 0 : i32
      scf.yield %while3A_185 : i32
    }
    "tpu.region"() ({
      %run_scoped3A = tpu.sem_alloc : memref<!tpu.dma_semaphore, #tpu.memory_space<semaphore_mem>>
      %dma_start3A_153 = arith.constant 0 : i32
      %dma_start3A_154 = tpu.memref_slice %arg5[%mul3A_2, %dma_start3A_153] : memref<1280x128xf32, #tpu.memory_space<hbm>> -> memref<40x128xf32, #tpu.memory_space<hbm>>
      %dma_start3A_155 = arith.constant 0 : i32
      %dma_start3A_156 = tpu.memref_slice %arg5[%mul3A_2, %dma_start3A_155] : memref<1280x128xf32, #tpu.memory_space<hbm>> -> memref<40x128xf32, #tpu.memory_space<hbm>>
      tpu.enqueue_dma source(%arg12 : memref<40x128xf32, #tpu.memory_space<vmem>>) target(%dma_start3A_156 : memref<40x128xf32, #tpu.memory_space<hbm>>) target_semaphore(%run_scoped3A : memref<!tpu.dma_semaphore, #tpu.memory_space<semaphore_mem>>)
      %dma_wait3A = arith.constant 0 : i32
      %dma_wait3A_157 = tpu.memref_slice %arg5[%mul3A_2, %dma_wait3A] : memref<1280x128xf32, #tpu.memory_space<hbm>> -> memref<40x128xf32, #tpu.memory_space<hbm>>
      %dma_wait3A_158 = arith.constant 0 : i32
      %dma_wait3A_159 = tpu.memref_slice %arg5[%mul3A_2, %dma_wait3A_158] : memref<1280x128xf32, #tpu.memory_space<hbm>> -> memref<40x128xf32, #tpu.memory_space<hbm>>
      tpu.wait_dma2 semaphore(%run_scoped3A : memref<!tpu.dma_semaphore, #tpu.memory_space<semaphore_mem>>) src(%arg12 : memref<40x128xf32, #tpu.memory_space<vmem>>) dst(%dma_wait3A_159 : memref<40x128xf32, #tpu.memory_space<hbm>>)
      tpu.yield
    }) : () -> ()
    "tpu.region"() ({
      %run_scoped3A = tpu.sem_alloc : memref<!tpu.dma_semaphore, #tpu.memory_space<semaphore_mem>>
      %dma_start3A_153 = arith.constant 0 : i32
      %dma_start3A_154 = tpu.memref_slice %arg13[%dma_start3A_153] : memref<48xf32, #tpu.memory_space<vmem>> -> memref<40xf32, #tpu.memory_space<vmem>>
      %dma_start3A_155 = tpu.memref_slice %arg6[%mul3A_2] : memref<1280xf32, #tpu.memory_space<hbm>> -> memref<40xf32, #tpu.memory_space<hbm>>
      %dma_start3A_156 = tpu.memref_slice %arg6[%mul3A_2] : memref<1280xf32, #tpu.memory_space<hbm>> -> memref<40xf32, #tpu.memory_space<hbm>>
      %dma_start3A_157 = arith.constant 0 : i32
      %dma_start3A_158 = tpu.memref_slice %arg13[%dma_start3A_157] : memref<48xf32, #tpu.memory_space<vmem>> -> memref<40xf32, #tpu.memory_space<vmem>>
      tpu.enqueue_dma source(%dma_start3A_158 : memref<40xf32, #tpu.memory_space<vmem>>) target(%dma_start3A_156 : memref<40xf32, #tpu.memory_space<hbm>>) target_semaphore(%run_scoped3A : memref<!tpu.dma_semaphore, #tpu.memory_space<semaphore_mem>>)
      %dma_wait3A = arith.constant 0 : i32
      %dma_wait3A_159 = tpu.memref_slice %arg13[%dma_wait3A] : memref<48xf32, #tpu.memory_space<vmem>> -> memref<40xf32, #tpu.memory_space<vmem>>
      %dma_wait3A_160 = tpu.memref_slice %arg6[%mul3A_2] : memref<1280xf32, #tpu.memory_space<hbm>> -> memref<40xf32, #tpu.memory_space<hbm>>
      %dma_wait3A_161 = tpu.memref_slice %arg6[%mul3A_2] : memref<1280xf32, #tpu.memory_space<hbm>> -> memref<40xf32, #tpu.memory_space<hbm>>
      %dma_wait3A_162 = arith.constant 0 : i32
      %dma_wait3A_163 = tpu.memref_slice %arg13[%dma_wait3A_162] : memref<48xf32, #tpu.memory_space<vmem>> -> memref<40xf32, #tpu.memory_space<vmem>>
      tpu.wait_dma2 semaphore(%run_scoped3A : memref<!tpu.dma_semaphore, #tpu.memory_space<semaphore_mem>>) src(%dma_wait3A_163 : memref<40xf32, #tpu.memory_space<vmem>>) dst(%dma_wait3A_161 : memref<40xf32, #tpu.memory_space<hbm>>)
      tpu.yield
    }) : () -> ()
    return
  }
}

#map = affine_map<(d0, d1) -> (0)>
module attributes {stable_mosaic.version = 14 : i64} {
  func.func @_phase1a_body(%arg0: i32, %arg1: i32, %arg2: memref<320000xi32, #tpu.memory_space<hbm>>, %arg3: memref<320000xi32, #tpu.memory_space<hbm>>, %arg4: memref<1024xi32, #tpu.memory_space<hbm>>, %arg5: memref<328192xi32, #tpu.memory_space<hbm>>, %arg6: memref<512xi32, #tpu.memory_space<hbm>>, %arg7: memref<1024xi32, #tpu.memory_space<hbm>>, %arg8: memref<10000xi32, #tpu.memory_space<vmem>>, %arg9: memref<10000xi32, #tpu.memory_space<vmem>>, %arg10: memref<10000xi32, #tpu.memory_space<vmem>>, %arg11: memref<1024xi32, #tpu.memory_space<vmem>>, %arg12: memref<10256xi32, #tpu.memory_space<vmem>>, %arg13: memref<32xi32, #tpu.memory_space<vmem>>, %arg14: memref<16xi32, #tpu.memory_space<vmem>>, %arg15: memref<!tpu.dma_semaphore, #tpu.memory_space<semaphore_mem>>) attributes {dimension_semantics = [#tpu.dimension_semantics<core_parallel>, #tpu.dimension_semantics<subcore_parallel>], iteration_bounds = array<i64: 2, 16>, scalar_prefetch = 0 : i64, scratch_operands = 8 : i64, tpu.core_type = #tpu.core_type<sc_vector_subcore>, window_params = [{transform_indices = #map}, {transform_indices = #map}, {transform_indices = #map}, {transform_indices = #map}, {transform_indices = #map}, {transform_indices = #map}]} {
    %mul3A = arith.constant 16 : i32
    %mul3A_0 = arith.muli %arg0, %mul3A : i32
    %add3A = arith.addi %mul3A_0, %arg1 : i32
    %mul3A_1 = arith.constant 10000 : i32
    %mul3A_2 = arith.muli %add3A, %mul3A_1 : i32
    %dma_start3A = tpu.memref_slice %arg2[%mul3A_2] : memref<320000xi32, #tpu.memory_space<hbm>> -> memref<10000xi32, #tpu.memory_space<hbm>>
    %dma_start3A_3 = tpu.memref_slice %arg2[%mul3A_2] : memref<320000xi32, #tpu.memory_space<hbm>> -> memref<10000xi32, #tpu.memory_space<hbm>>
    tpu.enqueue_dma source(%dma_start3A_3 : memref<10000xi32, #tpu.memory_space<hbm>>) target(%arg8 : memref<10000xi32, #tpu.memory_space<vmem>>) target_semaphore(%arg15 : memref<!tpu.dma_semaphore, #tpu.memory_space<semaphore_mem>>)
    %mul3A_4 = arith.constant 10000 : i32
    %mul3A_5 = arith.muli %add3A, %mul3A_4 : i32
    %dma_start3A_6 = tpu.memref_slice %arg3[%mul3A_5] : memref<320000xi32, #tpu.memory_space<hbm>> -> memref<10000xi32, #tpu.memory_space<hbm>>
    %dma_start3A_7 = tpu.memref_slice %arg3[%mul3A_5] : memref<320000xi32, #tpu.memory_space<hbm>> -> memref<10000xi32, #tpu.memory_space<hbm>>
    tpu.enqueue_dma source(%dma_start3A_7 : memref<10000xi32, #tpu.memory_space<hbm>>) target(%arg9 : memref<10000xi32, #tpu.memory_space<vmem>>) target_semaphore(%arg15 : memref<!tpu.dma_semaphore, #tpu.memory_space<semaphore_mem>>)
    "tpu.region"() ({
      %run_scoped3A = tpu.sem_alloc : memref<!tpu.dma_semaphore, #tpu.memory_space<semaphore_mem>>
      tpu.enqueue_dma source(%arg4 : memref<1024xi32, #tpu.memory_space<hbm>>) target(%arg11 : memref<1024xi32, #tpu.memory_space<vmem>>) target_semaphore(%run_scoped3A : memref<!tpu.dma_semaphore, #tpu.memory_space<semaphore_mem>>)
      tpu.wait_dma2 semaphore(%run_scoped3A : memref<!tpu.dma_semaphore, #tpu.memory_space<semaphore_mem>>) src(%arg4 : memref<1024xi32, #tpu.memory_space<hbm>>) dst(%arg11 : memref<1024xi32, #tpu.memory_space<vmem>>)
      tpu.yield
    }) : () -> ()
    %broadcast_in_dim3A = arith.constant -1 : i32
    %broadcast_in_dim3A_8 = vector.broadcast %broadcast_in_dim3A : i32 to vector<16xi32>
    %scan3A = arith.constant 0 : i32
    %scan3A_9 = arith.constant 0 : i32
    %scan3A_10 = arith.constant 625 : i32
    %scan3A_11 = arith.addi %scan3A_9, %scan3A_10 : i32
    %scan3A_12 = arith.constant 1 : i32
    %scan3A_13 = scf.for %scan3A_62 = %scan3A_9 to %scan3A_11 step %scan3A_12 iter_args(%scan3A_63 = %scan3A) -> (i32)  : i32 {
      %mul3A_64 = arith.constant 16 : i32
      %mul3A_65 = arith.muli %scan3A_62, %mul3A_64 : i32
      %swap3A_66 = arith.index_cast %mul3A_65 : i32 to index
      %swap3A_67 = tpu.vector_load %arg10[%swap3A_66] {strides = array<i32>} : memref<10000xi32, #tpu.memory_space<vmem>>, vector<16xi32>,
      tpu.vector_store %arg10[%swap3A_66], %broadcast_in_dim3A_8 {strides = array<i32>} : memref<10000xi32, #tpu.memory_space<vmem>>, vector<16xi32>,
      %scan3A_68 = arith.constant 0 : i32
      scf.yield %scan3A_68 : i32
    }
    %scan3A_14 = arith.constant 625 : i32
    %iota3A = tpu.iota {dimensions = array<i32: 0>} : vector<16xi32>
    %scan3A_15 = arith.constant 0 : i32
    %scan3A_16 = arith.constant 0 : i32
    %scan3A_17 = arith.constant 64 : i32
    %scan3A_18 = arith.addi %scan3A_16, %scan3A_17 : i32
    %scan3A_19 = arith.constant 1 : i32
    %scan3A_20 = scf.for %scan3A_62 = %scan3A_16 to %scan3A_18 step %scan3A_19 iter_args(%scan3A_63 = %scan3A_15) -> (i32)  : i32 {
      %mul3A_64 = arith.constant 16 : i32
      %mul3A_65 = arith.muli %scan3A_62, %mul3A_64 : i32
      %get3A_66 = arith.index_cast %mul3A_65 : i32 to index
      %get3A_67 = tpu.vector_load %arg11[%get3A_66] {strides = array<i32>} : memref<1024xi32, #tpu.memory_space<vmem>>, vector<16xi32>,
      %mul3A_68 = arith.constant 16 : i32
      %mul3A_69 = arith.muli %scan3A_62, %mul3A_68 : i32
      %add3A_70 = vector.broadcast %mul3A_69 : i32 to vector<16xi32>
      %add3A_71 = arith.addi %iota3A, %add3A_70 : vector<16xi32>
      tpu.vector_store_idx %arg10[%get3A_67], %add3A_71 : memref<10000xi32, #tpu.memory_space<vmem>>[vector<16xi32>], vector<16xi32>,
      %scan3A_72 = arith.constant 0 : i32
      scf.yield %scan3A_72 : i32
    }
    %scan3A_21 = arith.constant 64 : i32
    %mul3A_22 = arith.constant 32 : i32
    %mul3A_23 = arith.muli %add3A, %mul3A_22 : i32
    %get3A = arith.index_cast %mul3A_23 : i32 to index
    %get3A_24 = tpu.vector_load %arg11[%get3A] {strides = array<i32>} : memref<1024xi32, #tpu.memory_space<vmem>>, vector<16xi32>,
    %gather3A = tpu.vector_load_idx %arg10[%get3A_24] : memref<10000xi32, #tpu.memory_space<vmem>>[vector<16xi32>], vector<16xi32>,
    %swap3A = arith.constant 0 : index
    %swap3A_25 = tpu.vector_load %arg13[%swap3A] {strides = array<i32>} : memref<32xi32, #tpu.memory_space<vmem>>, vector<16xi32>,
    tpu.vector_store %arg13[%swap3A], %gather3A {strides = array<i32>} : memref<32xi32, #tpu.memory_space<vmem>>, vector<16xi32>,
    %mul3A_26 = arith.constant 32 : i32
    %mul3A_27 = arith.muli %add3A, %mul3A_26 : i32
    %add3A_28 = arith.constant 16 : i32
    %add3A_29 = arith.addi %mul3A_27, %add3A_28 : i32
    %get3A_30 = arith.index_cast %add3A_29 : i32 to index
    %get3A_31 = tpu.vector_load %arg11[%get3A_30] {strides = array<i32>} : memref<1024xi32, #tpu.memory_space<vmem>>, vector<16xi32>,
    %gather3A_32 = tpu.vector_load_idx %arg10[%get3A_31] : memref<10000xi32, #tpu.memory_space<vmem>>[vector<16xi32>], vector<16xi32>,
    %swap3A_33 = arith.constant 16 : index
    %swap3A_34 = tpu.vector_load %arg13[%swap3A_33] {strides = array<i32>} : memref<32xi32, #tpu.memory_space<vmem>>, vector<16xi32>,
    tpu.vector_store %arg13[%swap3A_33], %gather3A_32 {strides = array<i32>} : memref<32xi32, #tpu.memory_space<vmem>>, vector<16xi32>,
    %mul3A_35 = arith.constant 32 : i32
    %mul3A_36 = arith.muli %add3A, %mul3A_35 : i32
    %dma_start3A_37 = tpu.memref_slice %arg7[%mul3A_36] : memref<1024xi32, #tpu.memory_space<hbm>> -> memref<32xi32, #tpu.memory_space<hbm>>
    %dma_start3A_38 = tpu.memref_slice %arg7[%mul3A_36] : memref<1024xi32, #tpu.memory_space<hbm>> -> memref<32xi32, #tpu.memory_space<hbm>>
    tpu.enqueue_dma source(%arg13 : memref<32xi32, #tpu.memory_space<vmem>>) target(%dma_start3A_38 : memref<32xi32, #tpu.memory_space<hbm>>) target_semaphore(%arg15 : memref<!tpu.dma_semaphore, #tpu.memory_space<semaphore_mem>>)
    %dma_wait3A = tpu.memref_slice %arg2[%mul3A_2] : memref<320000xi32, #tpu.memory_space<hbm>> -> memref<10000xi32, #tpu.memory_space<hbm>>
    %dma_wait3A_39 = tpu.memref_slice %arg2[%mul3A_2] : memref<320000xi32, #tpu.memory_space<hbm>> -> memref<10000xi32, #tpu.memory_space<hbm>>
    tpu.wait_dma2 semaphore(%arg15 : memref<!tpu.dma_semaphore, #tpu.memory_space<semaphore_mem>>) src(%dma_wait3A_39 : memref<10000xi32, #tpu.memory_space<hbm>>) dst(%arg8 : memref<10000xi32, #tpu.memory_space<vmem>>)
    %dma_wait3A_40 = tpu.memref_slice %arg3[%mul3A_5] : memref<320000xi32, #tpu.memory_space<hbm>> -> memref<10000xi32, #tpu.memory_space<hbm>>
    %dma_wait3A_41 = tpu.memref_slice %arg3[%mul3A_5] : memref<320000xi32, #tpu.memory_space<hbm>> -> memref<10000xi32, #tpu.memory_space<hbm>>
    tpu.wait_dma2 semaphore(%arg15 : memref<!tpu.dma_semaphore, #tpu.memory_space<semaphore_mem>>) src(%dma_wait3A_41 : memref<10000xi32, #tpu.memory_space<hbm>>) dst(%arg9 : memref<10000xi32, #tpu.memory_space<vmem>>)
    %scan3A_42 = arith.constant 0 : i32
    %scan3A_43 = arith.constant 0 : i32
    %scan3A_44 = arith.constant 625 : i32
    %scan3A_45 = arith.addi %scan3A_43, %scan3A_44 : i32
    %scan3A_46 = arith.constant 1 : i32
    %scan3A_47 = scf.for %scan3A_62 = %scan3A_43 to %scan3A_45 step %scan3A_46 iter_args(%scan3A_63 = %scan3A_42) -> (i32)  : i32 {
      %mul3A_64 = arith.constant 16 : i32
      %mul3A_65 = arith.muli %scan3A_62, %mul3A_64 : i32
      %get3A_66 = arith.index_cast %mul3A_65 : i32 to index
      %get3A_67 = tpu.vector_load %arg8[%get3A_66] {strides = array<i32>} : memref<10000xi32, #tpu.memory_space<vmem>>, vector<16xi32>,
      %mul3A_68 = arith.constant 16 : i32
      %mul3A_69 = arith.muli %scan3A_62, %mul3A_68 : i32
      %get3A_70 = arith.index_cast %mul3A_69 : i32 to index
      %get3A_71 = tpu.vector_load %arg9[%get3A_70] {strides = array<i32>} : memref<10000xi32, #tpu.memory_space<vmem>>, vector<16xi32>,
      %gather3A_72 = tpu.vector_load_idx %arg10[%get3A_71] : memref<10000xi32, #tpu.memory_space<vmem>>[vector<16xi32>], vector<16xi32>,
      %ge3A = arith.constant 0 : i32
      %ge3A_73 = vector.broadcast %ge3A : i32 to vector<16xi32>
      %ge3A_74 = arith.cmpi sge, %gather3A_72, %ge3A_73 : vector<16xi32>
      %shift_left3A = arith.constant 16 : i32
      %shift_left3A_75 = vector.broadcast %shift_left3A : i32 to vector<16xi32>
      %shift_left3A_76 = arith.shli %gather3A_72, %shift_left3A_75 : vector<16xi32>
      %or3A = arith.ori %shift_left3A_76, %get3A_67 : vector<16xi32>
      %swap3A_77 = arith.index_cast %scan3A_63 : i32 to index
      %swap3A_78 = tpu.vector_load %arg12[%swap3A_77] masked %ge3A_74 {strides = array<i32>} : memref<10256xi32, #tpu.memory_space<vmem>>, vector<16xi32>, vector<16xi1>
      tpu.vector_store %arg12[%swap3A_77], %or3A masked %ge3A_74 {strides = array<i32>} : memref<10256xi32, #tpu.memory_space<vmem>>, vector<16xi32>, vector<16xi1>
      %all_reduce_population_count3A = tpu.all_reduce %ge3A_74 {dim = 0 : i64, kind = #tpu.reduction_kind<sum>} : vector<16xi1> -> vector<16xi32>
      %slice3A = vector.extract_strided_slice %all_reduce_population_count3A {offsets = [0], sizes = [1], strides = [1]} : vector<16xi32> to vector<1xi32>
      %squeeze3A = vector.extract %slice3A[0] : i32 from vector<1xi32>
      %add3A_79 = arith.addi %scan3A_63, %squeeze3A : i32
      scf.yield %add3A_79 : i32
    }
    %scan3A_48 = arith.constant 625 : i32
    %broadcast_in_dim3A_49 = arith.constant 1073741824 : i32
    %broadcast_in_dim3A_50 = vector.broadcast %broadcast_in_dim3A_49 : i32 to vector<16xi32>
    %swap3A_51 = arith.index_cast %scan3A_47 : i32 to index
    %swap3A_52 = tpu.vector_load %arg12[%swap3A_51] {strides = array<i32>} : memref<10256xi32, #tpu.memory_space<vmem>>, vector<16xi32>,
    tpu.vector_store %arg12[%swap3A_51], %broadcast_in_dim3A_50 {strides = array<i32>} : memref<10256xi32, #tpu.memory_space<vmem>>, vector<16xi32>,
    %broadcast_in_dim3A_53 = vector.broadcast %scan3A_47 : i32 to vector<16xi32>
    %swap3A_54 = arith.constant 0 : index
    %swap3A_55 = tpu.vector_load %arg14[%swap3A_54] {strides = array<i32>} : memref<16xi32, #tpu.memory_space<vmem>>, vector<16xi32>,
    tpu.vector_store %arg14[%swap3A_54], %broadcast_in_dim3A_53 {strides = array<i32>} : memref<16xi32, #tpu.memory_space<vmem>>, vector<16xi32>,
    %mul3A_56 = arith.constant 16 : i32
    %mul3A_57 = arith.muli %add3A, %mul3A_56 : i32
    "tpu.region"() ({
      %run_scoped3A = tpu.sem_alloc : memref<!tpu.dma_semaphore, #tpu.memory_space<semaphore_mem>>
      %dma_start3A_62 = tpu.memref_slice %arg6[%mul3A_57] : memref<512xi32, #tpu.memory_space<hbm>> -> memref<16xi32, #tpu.memory_space<hbm>>
      %dma_start3A_63 = tpu.memref_slice %arg6[%mul3A_57] : memref<512xi32, #tpu.memory_space<hbm>> -> memref<16xi32, #tpu.memory_space<hbm>>
      tpu.enqueue_dma source(%arg14 : memref<16xi32, #tpu.memory_space<vmem>>) target(%dma_start3A_63 : memref<16xi32, #tpu.memory_space<hbm>>) target_semaphore(%run_scoped3A : memref<!tpu.dma_semaphore, #tpu.memory_space<semaphore_mem>>)
      %dma_wait3A_64 = tpu.memref_slice %arg6[%mul3A_57] : memref<512xi32, #tpu.memory_space<hbm>> -> memref<16xi32, #tpu.memory_space<hbm>>
      %dma_wait3A_65 = tpu.memref_slice %arg6[%mul3A_57] : memref<512xi32, #tpu.memory_space<hbm>> -> memref<16xi32, #tpu.memory_space<hbm>>
      tpu.wait_dma2 semaphore(%run_scoped3A : memref<!tpu.dma_semaphore, #tpu.memory_space<semaphore_mem>>) src(%arg14 : memref<16xi32, #tpu.memory_space<vmem>>) dst(%dma_wait3A_65 : memref<16xi32, #tpu.memory_space<hbm>>)
      tpu.yield
    }) : () -> ()
    %mul3A_58 = arith.constant 10256 : i32
    %mul3A_59 = arith.muli %add3A, %mul3A_58 : i32
    "tpu.region"() ({
      %run_scoped3A = tpu.sem_alloc : memref<!tpu.dma_semaphore, #tpu.memory_space<semaphore_mem>>
      %dma_start3A_62 = tpu.memref_slice %arg5[%mul3A_59] : memref<328192xi32, #tpu.memory_space<hbm>> -> memref<10256xi32, #tpu.memory_space<hbm>>
      %dma_start3A_63 = tpu.memref_slice %arg5[%mul3A_59] : memref<328192xi32, #tpu.memory_space<hbm>> -> memref<10256xi32, #tpu.memory_space<hbm>>
      tpu.enqueue_dma source(%arg12 : memref<10256xi32, #tpu.memory_space<vmem>>) target(%dma_start3A_63 : memref<10256xi32, #tpu.memory_space<hbm>>) target_semaphore(%run_scoped3A : memref<!tpu.dma_semaphore, #tpu.memory_space<semaphore_mem>>)
      %dma_wait3A_64 = tpu.memref_slice %arg5[%mul3A_59] : memref<328192xi32, #tpu.memory_space<hbm>> -> memref<10256xi32, #tpu.memory_space<hbm>>
      %dma_wait3A_65 = tpu.memref_slice %arg5[%mul3A_59] : memref<328192xi32, #tpu.memory_space<hbm>> -> memref<10256xi32, #tpu.memory_space<hbm>>
      tpu.wait_dma2 semaphore(%run_scoped3A : memref<!tpu.dma_semaphore, #tpu.memory_space<semaphore_mem>>) src(%arg12 : memref<10256xi32, #tpu.memory_space<vmem>>) dst(%dma_wait3A_65 : memref<10256xi32, #tpu.memory_space<hbm>>)
      tpu.yield
    }) : () -> ()
    %dma_wait3A_60 = tpu.memref_slice %arg7[%mul3A_36] : memref<1024xi32, #tpu.memory_space<hbm>> -> memref<32xi32, #tpu.memory_space<hbm>>
    %dma_wait3A_61 = tpu.memref_slice %arg7[%mul3A_36] : memref<1024xi32, #tpu.memory_space<hbm>> -> memref<32xi32, #tpu.memory_space<hbm>>
    tpu.wait_dma2 semaphore(%arg15 : memref<!tpu.dma_semaphore, #tpu.memory_space<semaphore_mem>>) src(%arg13 : memref<32xi32, #tpu.memory_space<vmem>>) dst(%dma_wait3A_61 : memref<32xi32, #tpu.memory_space<hbm>>)
    return
  }
}

#map = affine_map<(d0, d1) -> (0, 0)>
#map1 = affine_map<(d0, d1) -> (0)>
module attributes {stable_mosaic.version = 14 : i64} {
  func.func @_phase2_body(%arg0: i32, %arg1: i32, %arg2: memref<1280x128xf32, #tpu.memory_space<hbm>>, %arg3: memref<1280xf32, #tpu.memory_space<hbm>>, %arg4: memref<1024xi32, #tpu.memory_space<hbm>>, %arg5: memref<1024xi32, #tpu.memory_space<hbm>>, %arg6: memref<10000x128xf32, #tpu.memory_space<hbm>>, %arg7: memref<1024x128xf32, #tpu.memory_space<hbm>>, %arg8: memref<32xi32, #tpu.memory_space<vmem>>, %arg9: memref<32xi32, #tpu.memory_space<vmem>>, %arg10: memref<32x128xf32, #tpu.memory_space<vmem>>, %arg11: memref<32x128xf32, #tpu.memory_space<vmem>>, %arg12: memref<1280xf32, #tpu.memory_space<vmem>>, %arg13: memref<32xf32, #tpu.memory_space<vmem>>, %arg14: memref<32x128xf32, #tpu.memory_space<vmem>>, %arg15: memref<!tpu.dma_semaphore, #tpu.memory_space<semaphore_mem>>) attributes {dimension_semantics = [#tpu.dimension_semantics<core_parallel>, #tpu.dimension_semantics<subcore_parallel>], iteration_bounds = array<i64: 2, 16>, scalar_prefetch = 0 : i64, scratch_operands = 8 : i64, tpu.core_type = #tpu.core_type<sc_vector_subcore>, window_params = [{transform_indices = #map}, {transform_indices = #map1}, {transform_indices = #map1}, {transform_indices = #map1}, {transform_indices = #map}, {transform_indices = #map}]} {
    %mul3A = arith.constant 16 : i32
    %mul3A_0 = arith.muli %arg0, %mul3A : i32
    %add3A = arith.addi %mul3A_0, %arg1 : i32
    %mul3A_1 = arith.constant 32 : i32
    %mul3A_2 = arith.muli %add3A, %mul3A_1 : i32
    "tpu.region"() ({
      %run_scoped3A = tpu.sem_alloc : memref<!tpu.dma_semaphore, #tpu.memory_space<semaphore_mem>>
      %dma_start3A_37 = tpu.memref_slice %arg4[%mul3A_2] : memref<1024xi32, #tpu.memory_space<hbm>> -> memref<32xi32, #tpu.memory_space<hbm>>
      %dma_start3A_38 = tpu.memref_slice %arg4[%mul3A_2] : memref<1024xi32, #tpu.memory_space<hbm>> -> memref<32xi32, #tpu.memory_space<hbm>>
      tpu.enqueue_dma source(%dma_start3A_38 : memref<32xi32, #tpu.memory_space<hbm>>) target(%arg8 : memref<32xi32, #tpu.memory_space<vmem>>) target_semaphore(%run_scoped3A : memref<!tpu.dma_semaphore, #tpu.memory_space<semaphore_mem>>)
      %dma_wait3A_39 = tpu.memref_slice %arg4[%mul3A_2] : memref<1024xi32, #tpu.memory_space<hbm>> -> memref<32xi32, #tpu.memory_space<hbm>>
      %dma_wait3A_40 = tpu.memref_slice %arg4[%mul3A_2] : memref<1024xi32, #tpu.memory_space<hbm>> -> memref<32xi32, #tpu.memory_space<hbm>>
      tpu.wait_dma2 semaphore(%run_scoped3A : memref<!tpu.dma_semaphore, #tpu.memory_space<semaphore_mem>>) src(%dma_wait3A_40 : memref<32xi32, #tpu.memory_space<hbm>>) dst(%arg8 : memref<32xi32, #tpu.memory_space<vmem>>)
      tpu.yield
    }) : () -> ()
    "tpu.region"() ({
      %run_scoped3A = tpu.sem_alloc : memref<!tpu.dma_semaphore, #tpu.memory_space<semaphore_mem>>
      %dma_start3A_37 = tpu.memref_slice %arg5[%mul3A_2] : memref<1024xi32, #tpu.memory_space<hbm>> -> memref<32xi32, #tpu.memory_space<hbm>>
      %dma_start3A_38 = tpu.memref_slice %arg5[%mul3A_2] : memref<1024xi32, #tpu.memory_space<hbm>> -> memref<32xi32, #tpu.memory_space<hbm>>
      tpu.enqueue_dma source(%dma_start3A_38 : memref<32xi32, #tpu.memory_space<hbm>>) target(%arg9 : memref<32xi32, #tpu.memory_space<vmem>>) target_semaphore(%run_scoped3A : memref<!tpu.dma_semaphore, #tpu.memory_space<semaphore_mem>>)
      %dma_wait3A_39 = tpu.memref_slice %arg5[%mul3A_2] : memref<1024xi32, #tpu.memory_space<hbm>> -> memref<32xi32, #tpu.memory_space<hbm>>
      %dma_wait3A_40 = tpu.memref_slice %arg5[%mul3A_2] : memref<1024xi32, #tpu.memory_space<hbm>> -> memref<32xi32, #tpu.memory_space<hbm>>
      tpu.wait_dma2 semaphore(%run_scoped3A : memref<!tpu.dma_semaphore, #tpu.memory_space<semaphore_mem>>) src(%dma_wait3A_40 : memref<32xi32, #tpu.memory_space<hbm>>) dst(%arg9 : memref<32xi32, #tpu.memory_space<vmem>>)
      tpu.yield
    }) : () -> ()
    %dma_start3A = arith.constant 0 : i32
    %dma_start3A_3 = arith.constant 0 : i32
    %dma_start3A_4 = tpu.memref_slice %arg2[%dma_start3A, %dma_start3A_3] : memref<1280x128xf32, #tpu.memory_space<hbm>> -> memref<1280x128xf32, #tpu.memory_space<hbm>>
    tpu.enqueue_indirect_dma source(%dma_start3A_4 : memref<1280x128xf32, #tpu.memory_space<hbm>>) target(%arg10 : memref<32x128xf32, #tpu.memory_space<vmem>>) offsets(%arg8 : memref<32xi32, #tpu.memory_space<vmem>>) semaphore(%arg15 : memref<!tpu.dma_semaphore, #tpu.memory_space<semaphore_mem>>)
    %dma_start3A_5 = arith.constant 0 : i32
    %dma_start3A_6 = arith.constant 0 : i32
    %dma_start3A_7 = tpu.memref_slice %arg6[%dma_start3A_5, %dma_start3A_6] : memref<10000x128xf32, #tpu.memory_space<hbm>> -> memref<10000x128xf32, #tpu.memory_space<hbm>>
    tpu.enqueue_indirect_dma source(%dma_start3A_7 : memref<10000x128xf32, #tpu.memory_space<hbm>>) target(%arg11 : memref<32x128xf32, #tpu.memory_space<vmem>>) offsets(%arg9 : memref<32xi32, #tpu.memory_space<vmem>>) semaphore(%arg15 : memref<!tpu.dma_semaphore, #tpu.memory_space<semaphore_mem>>)
    tpu.enqueue_dma source(%arg3 : memref<1280xf32, #tpu.memory_space<hbm>>) target(%arg12 : memref<1280xf32, #tpu.memory_space<vmem>>) target_semaphore(%arg15 : memref<!tpu.dma_semaphore, #tpu.memory_space<semaphore_mem>>)
    %dma_wait3A = arith.constant 0 : i32
    %dma_wait3A_8 = arith.constant 0 : i32
    %dma_wait3A_9 = tpu.memref_slice %arg2[%dma_wait3A, %dma_wait3A_8] : memref<1280x128xf32, #tpu.memory_space<hbm>> -> memref<1280x128xf32, #tpu.memory_space<hbm>>
    tpu.wait_indirect_dma semaphore(%arg15 : memref<!tpu.dma_semaphore, #tpu.memory_space<semaphore_mem>>) src(%dma_wait3A_9 : memref<1280x128xf32, #tpu.memory_space<hbm>>) dst(%arg10 : memref<32x128xf32, #tpu.memory_space<vmem>>)
    %dma_wait3A_10 = arith.constant 0 : i32
    %dma_wait3A_11 = arith.constant 0 : i32
    %dma_wait3A_12 = tpu.memref_slice %arg6[%dma_wait3A_10, %dma_wait3A_11] : memref<10000x128xf32, #tpu.memory_space<hbm>> -> memref<10000x128xf32, #tpu.memory_space<hbm>>
    tpu.wait_indirect_dma semaphore(%arg15 : memref<!tpu.dma_semaphore, #tpu.memory_space<semaphore_mem>>) src(%dma_wait3A_12 : memref<10000x128xf32, #tpu.memory_space<hbm>>) dst(%arg11 : memref<32x128xf32, #tpu.memory_space<vmem>>)
    tpu.wait_dma2 semaphore(%arg15 : memref<!tpu.dma_semaphore, #tpu.memory_space<semaphore_mem>>) src(%arg3 : memref<1280xf32, #tpu.memory_space<hbm>>) dst(%arg12 : memref<1280xf32, #tpu.memory_space<vmem>>)
    %get3A = arith.constant 0 : index
    %get3A_13 = tpu.vector_load %arg8[%get3A] {strides = array<i32>} : memref<32xi32, #tpu.memory_space<vmem>>, vector<16xi32>,
    %gather3A = tpu.vector_load_idx %arg12[%get3A_13] : memref<1280xf32, #tpu.memory_space<vmem>>[vector<16xi32>], vector<16xf32>,
    %add3A_14 = arith.constant 1.000000e+00 : f32
    %add3A_15 = vector.broadcast %add3A_14 : f32 to vector<16xf32>
    %add3A_16 = arith.addf %add3A_15, %gather3A : vector<16xf32>
    %div3A = arith.constant 1.000000e+00 : f32
    %div3A_17 = vector.broadcast %div3A : f32 to vector<16xf32>
    %div3A_18 = arith.divf %div3A_17, %add3A_16 : vector<16xf32>
    %swap3A = arith.constant 0 : index
    %swap3A_19 = tpu.vector_load %arg13[%swap3A] {strides = array<i32>} : memref<32xf32, #tpu.memory_space<vmem>>, vector<16xf32>,
    tpu.vector_store %arg13[%swap3A], %div3A_18 {strides = array<i32>} : memref<32xf32, #tpu.memory_space<vmem>>, vector<16xf32>,
    %get3A_20 = arith.constant 16 : index
    %get3A_21 = tpu.vector_load %arg8[%get3A_20] {strides = array<i32>} : memref<32xi32, #tpu.memory_space<vmem>>, vector<16xi32>,
    %gather3A_22 = tpu.vector_load_idx %arg12[%get3A_21] : memref<1280xf32, #tpu.memory_space<vmem>>[vector<16xi32>], vector<16xf32>,
    %add3A_23 = arith.constant 1.000000e+00 : f32
    %add3A_24 = vector.broadcast %add3A_23 : f32 to vector<16xf32>
    %add3A_25 = arith.addf %add3A_24, %gather3A_22 : vector<16xf32>
    %div3A_26 = arith.constant 1.000000e+00 : f32
    %div3A_27 = vector.broadcast %div3A_26 : f32 to vector<16xf32>
    %div3A_28 = arith.divf %div3A_27, %add3A_25 : vector<16xf32>
    %swap3A_29 = arith.constant 16 : index
    %swap3A_30 = tpu.vector_load %arg13[%swap3A_29] {strides = array<i32>} : memref<32xf32, #tpu.memory_space<vmem>>, vector<16xf32>,
    tpu.vector_store %arg13[%swap3A_29], %div3A_28 {strides = array<i32>} : memref<32xf32, #tpu.memory_space<vmem>>, vector<16xf32>,
    %scan3A = arith.constant 0 : i32
    %scan3A_31 = arith.constant 0 : i32
    %scan3A_32 = arith.constant 32 : i32
    %scan3A_33 = arith.addi %scan3A_31, %scan3A_32 : i32
    %scan3A_34 = arith.constant 1 : i32
    %scan3A_35 = scf.for %scan3A_37 = %scan3A_31 to %scan3A_33 step %scan3A_34 iter_args(%scan3A_38 = %scan3A) -> (i32)  : i32 {
      %broadcast_in_dim3A = vector.broadcast %scan3A_37 : i32 to vector<16xi32>
      %gather3A_39 = tpu.vector_load_idx %arg13[%broadcast_in_dim3A] : memref<32xf32, #tpu.memory_space<vmem>>[vector<16xi32>], vector<16xf32>,
      %scan3A_40 = arith.constant 0 : i32
      %scan3A_41 = arith.constant 0 : i32
      %scan3A_42 = arith.constant 8 : i32
      %scan3A_43 = arith.addi %scan3A_41, %scan3A_42 : i32
      %scan3A_44 = arith.constant 1 : i32
      %scan3A_45 = scf.for %scan3A_47 = %scan3A_41 to %scan3A_43 step %scan3A_44 iter_args(%scan3A_48 = %scan3A_40) -> (i32)  : i32 {
        %mul3A_49 = arith.constant 16 : i32
        %mul3A_50 = arith.muli %scan3A_47, %mul3A_49 : i32
        %get3A_51 = arith.index_cast %scan3A_37 : i32 to index
        %get3A_52 = arith.index_cast %mul3A_50 : i32 to index
        %get3A_53 = tpu.vector_load %arg10[%get3A_51, %get3A_52] {strides = array<i32>} : memref<32x128xf32, #tpu.memory_space<vmem>>, vector<16xf32>,
        %get3A_54 = arith.index_cast %scan3A_37 : i32 to index
        %get3A_55 = arith.index_cast %mul3A_50 : i32 to index
        %get3A_56 = tpu.vector_load %arg11[%get3A_54, %get3A_55] {strides = array<i32>} : memref<32x128xf32, #tpu.memory_space<vmem>>, vector<16xf32>,
        %add3A_57 = arith.addf %get3A_53, %get3A_56 : vector<16xf32>
        %mul3A_58 = arith.mulf %add3A_57, %gather3A_39 : vector<16xf32>
        %swap3A_59 = arith.index_cast %scan3A_37 : i32 to index
        %swap3A_60 = arith.index_cast %mul3A_50 : i32 to index
        %swap3A_61 = tpu.vector_load %arg14[%swap3A_59, %swap3A_60] {strides = array<i32>} : memref<32x128xf32, #tpu.memory_space<vmem>>, vector<16xf32>,
        tpu.vector_store %arg14[%swap3A_59, %swap3A_60], %mul3A_58 {strides = array<i32>} : memref<32x128xf32, #tpu.memory_space<vmem>>, vector<16xf32>,
        %scan3A_62 = arith.constant 0 : i32
        scf.yield %scan3A_62 : i32
      }
      %scan3A_46 = arith.constant 8 : i32
      scf.yield %scan3A_45 : i32
    }
    %scan3A_36 = arith.constant 32 : i32
    "tpu.region"() ({
      %run_scoped3A = tpu.sem_alloc : memref<!tpu.dma_semaphore, #tpu.memory_space<semaphore_mem>>
      %dma_start3A_37 = arith.constant 0 : i32
      %dma_start3A_38 = tpu.memref_slice %arg7[%mul3A_2, %dma_start3A_37] : memref<1024x128xf32, #tpu.memory_space<hbm>> -> memref<32x128xf32, #tpu.memory_space<hbm>>
      %dma_start3A_39 = arith.constant 0 : i32
      %dma_start3A_40 = tpu.memref_slice %arg7[%mul3A_2, %dma_start3A_39] : memref<1024x128xf32, #tpu.memory_space<hbm>> -> memref<32x128xf32, #tpu.memory_space<hbm>>
      tpu.enqueue_dma source(%arg14 : memref<32x128xf32, #tpu.memory_space<vmem>>) target(%dma_start3A_40 : memref<32x128xf32, #tpu.memory_space<hbm>>) target_semaphore(%run_scoped3A : memref<!tpu.dma_semaphore, #tpu.memory_space<semaphore_mem>>)
      %dma_wait3A_41 = arith.constant 0 : i32
      %dma_wait3A_42 = tpu.memref_slice %arg7[%mul3A_2, %dma_wait3A_41] : memref<1024x128xf32, #tpu.memory_space<hbm>> -> memref<32x128xf32, #tpu.memory_space<hbm>>
      %dma_wait3A_43 = arith.constant 0 : i32
      %dma_wait3A_44 = tpu.memref_slice %arg7[%mul3A_2, %dma_wait3A_43] : memref<1024x128xf32, #tpu.memory_space<hbm>> -> memref<32x128xf32, #tpu.memory_space<hbm>>
      tpu.wait_dma2 semaphore(%run_scoped3A : memref<!tpu.dma_semaphore, #tpu.memory_space<semaphore_mem>>) src(%arg14 : memref<32x128xf32, #tpu.memory_space<vmem>>) dst(%dma_wait3A_44 : memref<32x128xf32, #tpu.memory_space<hbm>>)
      tpu.yield
    }) : () -> ()
    return
  }
}

module attributes {stable_mosaic.version = 14 : i64} {
  func.func @_tc_body(%arg0: memref<1024x128xf32, #tpu.memory_space<vmem>>, %arg1: memref<128x128xf32, #tpu.memory_space<vmem>>, %arg2: memref<1x128xf32, #tpu.memory_space<vmem>>, %arg3: memref<1024x128xf32, #tpu.memory_space<vmem>>) attributes {dimension_semantics = [], scalar_prefetch = 0 : i64, scratch_operands = 0 : i64, tpu.core_type = #tpu.core_type<tc>} {
    %get3A = arith.constant 0 : index
    %get3A_0 = arith.constant 0 : index
    %get3A_1 = vector.load %arg0[%get3A, %get3A_0] : memref<1024x128xf32, #tpu.memory_space<vmem>>, vector<1024x128xf32>
    %get3A_2 = arith.constant 0 : index
    %get3A_3 = arith.constant 0 : index
    %get3A_4 = vector.load %arg1[%get3A_2, %get3A_3] : memref<128x128xf32, #tpu.memory_space<vmem>>, vector<128x128xf32>
    %transpose3A = tpu.transpose %get3A_4, [1, 0] : vector<128x128xf32> -> vector<128x128xf32>
    %dot_general3A = arith.constant dense<0.000000e+00> : vector<1024x128xf32>
    %dot_general3A_5 = tpu.matmul %get3A_1, %transpose3A, %dot_general3A {dimension_numbers = #tpu.dot_dimension_numbers<[1], [0], [0], [1], [0, 0, 1, 1], [], []>, transpose_lhs_hint = false} : vector<1024x128xf32>, vector<128x128xf32>, vector<1024x128xf32> -> vector<1024x128xf32>
    %get3A_6 = arith.constant 0 : index
    %get3A_7 = arith.constant 0 : index
    %get3A_8 = vector.load %arg2[%get3A_6, %get3A_7] : memref<1x128xf32, #tpu.memory_space<vmem>>, vector<1x128xf32>
    %add3A = vector.broadcast %get3A_8 : vector<1x128xf32> to vector<1024x128xf32>
    %add3A_9 = arith.addf %dot_general3A_5, %add3A : vector<1024x128xf32>
    %tanh3A = math.tanh %add3A_9 : vector<1024x128xf32>
    %swap3A = arith.constant 0 : index
    %swap3A_10 = arith.constant 0 : index
    %swap3A_11 = vector.load %arg3[%swap3A, %swap3A_10] : memref<1024x128xf32, #tpu.memory_space<vmem>>, vector<1024x128xf32>
    tpu.vector_store %arg3[%swap3A, %swap3A_10], %tanh3A {strides = array<i32>} : memref<1024x128xf32, #tpu.memory_space<vmem>>, vector<1024x128xf32>,
    return
  }
}

</mosaic_0001>

<sc_bundles>
// kernel: kernel.12.cloned.1.call-start
scs
__scs_entry_jumppad:
0x0: {  	(pc) =	sbr.rel $0x88, $3  }
0x1: {  	(tag) =	ssettag $0x0;
	lr =	simm.s32 $0x1  }
0x2: {  	[smem:$0x3F9C] =	sst lr;
	_ =	strace $0xD0000000  }
0x3: {  	_ = 	snop  }
0x4: {  	_ = 	snop  }
0x5: {  	_ = 	snop  }
0x6: {  	_ = 	snop  }
0x7: {  	_ = 	snop  }
__scs_overlays_trampoline_lowered:
0x8: {  	[smem:$0x3FAB] =	sst s0  }
0x9: {  	[smem:$0x3FAC] =	sst s1  }
0xa: {  	[smem:$0x3FAD] =	sst s2  }
0xb: {  	[smem:$0x3FAE] =	sst s3  }
0xc: {  	[smem:$0x3FAF] =	sst s4  }
0xd: {  	[smem:$0x3FB0] =	sst s5  }
0xe: {  	[smem:$0x3FB1] =	sst s6  }
0xf: {  	[smem:$0x3FB2] =	sst s7  }
0x10: {  	[smem:$0x3FB3] =	sst s8  }
0x11: {  	[smem:$0x3FB4] =	sst s9;
	s0 =	simm.s32 @!p0 $0x0  }
0x12: {  	s1 =	sld [smem:$0x3F9A];
	s0 =	simm.s32 @p0 $0x1  }
0x13: {  	[smem:$0x3FB5] =	sst s0;
	s0 =	simm.s32 @!p1 $0x0  }
0x14: {  	s2 =	sld [smem:$0x3F99];
	s0 =	simm.s32 @p1 $0x1  }
0x15: {  	[smem:$0x3FB6] =	sst s0;
	s0 =	simm.s32 @!p2 $0x0  }
0x16: {  	s3 =	sld [smem:$0x3FDB];
	s0 =	simm.s32 @p2 $0x1  }
0x17: {  	s4 =	simm.s32 $0x1BF5;
	[smem:$0x3FB8] =	sst s0  }
0x18: {  	s0 =	sld [smem:$0x3F9B];
	_ =	swait.ge [sflag:s4], $0x0  }
0x19: {  	s7 =	sld [smem:$0x3F9C]  }
0x1a: {  	s8 =	sadd.s32 $0xFFFFE003, lr  }
0x1b: {  	s9 =	sadd.s32 $0xFFFFFEF7, lr;
	s5 =	simm.s32 $0xFFFFFFFF;
	p2 =	slt.u32 s8, $0xFFFFF086  }
0x1c: {  	p1 =	slt.u32 s9, $0xF7A;
	s5 =	simm.s32 @!p2 $0x0  }
0x1d: {  	s5 =	simm.s32 @p1 $0x1;
	p0 =	seq.s32 s7, s2  }
0x1e: {  	s7 =	smul.u32 @!p0 $0xF7A, s2;
	p2 =	seq.s32 @!p0 s5, $0x0  }
0x1f: {  	s9 =	smul.u32 $0xF7A, s1;
	s8 =	simm.s32 @!p0 $0x1BF5;
	p2 =	por !p2, p0  }
0x20: {  	[sflag:s8] =	ssyncset.s32 @!p0 $0xFFFFF086;
	s6 =	sadd.s32 @!p0 s3, s7;
	s7 =	simm.s32 @!p0 $0x108  }
0x21: {  	s3 =	sadd.s32 s3, s9;
	s6 =	sadd.s32 @!p0 $0x88, s6;
	s7 =	simm.s32 @p2 $0x1082  }
0x22: {  	[simem:s7], [sflag:s8] =	dma.local @!p0 [hbm:s6], $0xF7A  }
0x23: {  	s9 =	sor.u32 $0xD0000000, s2;
	s6 =	simm.s32 $0x108;
	_ =	swait.ge @!p0 [sflag:s8], $0x0  }
0x24: {  	s3 =	sadd.s32 $0x88, s3;
	s6 =	simm.s32 @!p1 $0x1082;
	[sflag:s4] =	ssyncset.s32 $0xFFFFF086  }
0x25: {  	[simem:s6], [sflag:s4] =	dma.local [hbm:s3], $0xF7A  }
0x26: {  	[smem:$0x3F9C] =	sst s1;
	(tag) =	ssettag s2;
	_ =	strace s9  }
0x27: {  	s1 =	sld [smem:$0x3FAC]  }
0x28: {  	s2 =	sld [smem:$0x3FAD]  }
0x29: {  	s4 =	sld [smem:$0x3FAF]  }
0x2a: {  	p0 =	seq.s32 s5, $0x0;
	s5 =	sld [smem:$0x3FB0]  }
0x2b: {  	s6 =	sld [smem:$0x3FB1]  }
0x2c: {  	s7 =	sld [smem:$0x3FB2]  }
0x2d: {  	s3 =	simm.s32 $0x108;
	s8 =	sld [smem:$0x3FB3]  }
0x2e: {  	s3 =	simm.s32 @!p0 $0x1082;
	s9 =	sld [smem:$0x3FB4]  }
0x2f: {  	lr =	sadd.s32 s0, s3;
	s0 =	sld [smem:$0x3FAB]  }
0x30: {  	s3 =	sld [smem:$0x3FAE]  }
0x31: {  	[smem:$0x3FB7] =	sst s10  }
0x32: {  	s10 =	sld [smem:$0x3FB5];
	_ =	sdelay $0x3  }
0x33: {  	p0 =	seq.s32 s10, $0x1;
	s10 =	sld [smem:$0x3FB7];
	_ =	sdelay $0x3  }
0x34: {  	[smem:$0x3FB7] =	sst s10  }
0x35: {  	s10 =	sld [smem:$0x3FB6];
	_ =	sdelay $0x3  }
0x36: {  	p1 =	seq.s32 s10, $0x1;
	s10 =	sld [smem:$0x3FB7];
	_ =	sdelay $0x3  }
0x37: {  	[smem:$0x3FB7] =	sst s10  }
0x38: {  	s10 =	sld [smem:$0x3FB8]  }
0x39: {  	_ = 	snop;
	(pc) =	sbr.ind lr, $3  }
0x3a: {  	_ = 	snop  }
0x3b: {  	_ = 	snop  }
0x3c: {  	p2 =	seq.s32 s10, $0x1;
	s10 =	sld [smem:$0x3FB7]  }
0x3d: {  	_ =	shalt  }
0x3e: {  	_ =	shalt  }
0x3f: {  	_ =	shalt  }
0x40: {  	_ =	shalt  }
0x41: {  	_ =	shalt  }
0x42: {  	_ =	shalt  }
0x43: {  	_ =	shalt  }
0x44: {  	_ =	shalt  }
0x45: {  	_ =	shalt  }
0x46: {  	_ =	shalt  }
0x47: {  	_ =	shalt  }
0x48: {  	_ =	shalt  }
0x49: {  	_ =	shalt  }
0x4a: {  	_ =	shalt  }
0x4b: {  	_ =	shalt  }
0x4c: {  	_ =	shalt  }
0x4d: {  	_ =	shalt  }
0x4e: {  	_ =	shalt  }
0x4f: {  	_ =	shalt  }
0x50: {  	_ =	shalt  }
0x51: {  	_ =	shalt  }
0x52: {  	_ =	shalt  }
0x53: {  	_ =	shalt  }
0x54: {  	_ =	shalt  }
0x55: {  	_ =	shalt  }
0x56: {  	_ =	shalt  }
0x57: {  	_ =	shalt  }
0x58: {  	_ =	shalt  }
0x59: {  	_ =	shalt  }
0x5a: {  	_ =	shalt  }
0x5b: {  	_ =	shalt  }
0x5c: {  	_ =	shalt  }
0x5d: {  	_ =	shalt  }
0x5e: {  	_ =	shalt  }
0x5f: {  	_ =	shalt  }
0x60: {  	_ =	shalt  }
0x61: {  	_ =	shalt  }
0x62: {  	_ =	shalt  }
0x63: {  	_ =	shalt  }
0x64: {  	_ =	shalt  }
0x65: {  	_ =	shalt  }
0x66: {  	_ =	shalt  }
0x67: {  	_ =	shalt  }
0x68: {  	_ =	shalt  }
0x69: {  	_ =	shalt  }
0x6a: {  	_ =	shalt  }
0x6b: {  	_ =	shalt  }
0x6c: {  	_ =	shalt  }
0x6d: {  	_ =	shalt  }
0x6e: {  	_ =	shalt  }
0x6f: {  	_ =	shalt  }
0x70: {  	_ =	shalt  }
0x71: {  	_ =	shalt  }
0x72: {  	_ =	shalt  }
0x73: {  	_ =	shalt  }
0x74: {  	_ =	shalt  }
0x75: {  	_ =	shalt  }
0x76: {  	_ =	shalt  }
0x77: {  	_ =	shalt  }
0x78: {  	_ =	shalt  }
0x79: {  	_ =	shalt  }
0x7a: {  	_ =	shalt  }
0x7b: {  	_ =	shalt  }
0x7c: {  	_ =	shalt  }
0x7d: {  	_ =	shalt  }
0x7e: {  	_ =	shalt  }
0x7f: {  	_ =	shalt  }
0x80: {  	_ =	shalt  }
0x81: {  	_ =	shalt  }
0x82: {  	_ =	shalt  }
0x83: {  	_ =	shalt  }
0x84: {  	_ =	shalt  }
0x85: {  	_ =	shalt  }
0x86: {  	_ =	shalt  }
0x87: {  	_ =	shalt  }
.Lfunc_end0:
.L_simem_size_0:
called_computation.2_lowered:
.L_overlay_start_0:
0x88: {  	s2 =	sld [smem:$0x3FD9]  }
0x89: {  	s3 =	sld [smem:$0x3FFE];
	_ =	sdelay $0x1  }
0x8a: {  	s1 =	srdreg.scid  }
0x8b: {  	s0 =	sand.u32 $0x1, s1  }
0x8c: {  	s17 =	sshll.u32 s0, $0xA;
	s2 =	sadd.s32 s3, s2  }
0x8d: {  	s2 =	sadd.s32 s2, s17  }
0x8e: {  	[smem:$0x3FC3] =	sst s2  }
0x8f: {  	_ = 	snop  }
0x90: {  	s2 =	sld [smem:$0x3FC9]  }
0x91: {  	s18 =	sld [smem:$0x3FC7]  }
0x92: {  	s4 =	sld [smem:$0x3FD0];
	(tm) =	ssettm $0x1  }
0x93: {  	s5 =	sld [smem:$0x3FFB];
	_ =	sdelay $0x3  }
0x94: {  	_ =	strace s5  }
0x95: {  	s5 =	sld [smem:$0x3FFC];
	_ =	sdelay $0x3  }
0x96: {  	_ =	strace s5  }
0x97: {  	s5 =	sld [smem:$0x3FFD];
	_ =	sdelay $0x3  }
0x98: {  	_ =	strace s5  }
0x99: {  	_ =	strace $0x8FFFFFFF  }
0x9a: {  	s19 =	sld [smem:$0x3FDB];
	_ =	sdelay $0x1  }
0x9b: {  	s6 =	simm.s32 $_scs_section_size  }
0x9c: {  	s7 =	simm.s32 $_size__tile_overlayer_lowered;
	s8 =	simm.s32 $_tile_overlayer_lowered  }
0x9d: {  	s22 =	simm.s32 $0x1BFF;
	s21 =	sshll.u32 s8, $0x1;
	s5 =	sadd.s32 s6, s19  }
0x9e: {  	s9 =	simm.s32 $0x0;
	s20 =	sshll.u32 s7, $0x1;
	s7 =	sadd.s32 s21, s5  }
0x9f: {  	[timem:s9], [sflag:s22] =	dma.local [hbm:s7], s20  }
0xa0: {  	_ =	swait.ge [sflag:s22], s20  }
0xa1: {  	s6 =	ssub.s32 $0x0, s20;
	[sflag:s22] =	ssyncset.done $0x0  }
0xa2: {  	[sflag:s22] =	ssyncadd.s32 s6;
	_ =	sdelay $0x1  }
0xa3: {  	s23 =	simm.s32 $0x1B8B  }
0xa4: {  	_ =	swait.ge [sflag:s23], $0x1  }
0xa5: {  	[sflag:s23] =	ssyncset.done $0x0  }
0xa6: {  	s25 =	simm.s32 $0x1B8E;
	s24 =	sld [smem:$0x3FFE];
	[sflag:s23] =	ssyncadd.s32 $0xFFFFFFFF  }
0xa7: {  	s26 =	simm.s32 $execute0_lowered;
	[smem:$0x3FD2] =	sst s25  }
0xa8: {  	s7 =	sshll.u32 s26, $0x1;
	_ =	strace $0x8000004C;
	[dreg:$0x1] =	wrdreg $0xFFFFFFFF  }
0xa9: {  	s28 =	simm.s32 $_size_execute0_lowered;
	s5 =	sadd.s32 s5, s7;
	[dreg:$0x0] =	wrdreg $0x0  }
0xaa: {  	s7 =	sshll.u32 s28, $0x1;
	[dreg:$0x2] =	wrdreg s5  }
0xab: {  	[dreg:$0x3] =	wrdreg s7  }
0xac: {  	[dreg:$0x4] =	wrdreg $0xC0  }
0xad: {  	_ =	task [dreg:s9], $0x5FFFF  }
0xae: {  	[dreg:$0x1] =	wrdreg $0xFFFFFFFF  }
0xaf: {  	[dreg:$0x0] =	wrdreg $0x60  }
0xb0: {  	[dreg:$0x2] =	wrdreg s24  }
0xb1: {  	[dreg:$0x3] =	wrdreg s18  }
0xb2: {  	[dreg:$0x4] =	wrdreg s2  }
0xb3: {  	[dreg:$0x5] =	wrdreg s4  }
0xb4: {  	[dreg:$0x6] =	wrdreg $0x9  }
0xb5: {  	_ =	task.clear_ibuf [dreg:s9], $0x7FFFF;
	_ =	strace $0x9000004C  }
0xb6: {  	s29 =	simm.s32 $0x9;
	_ =	strace $0x8000004E  }
0xb7: {  	_ =	swait.ge [sflag:s29], $0x1  }
0xb8: {  	[sflag:s29] =	ssyncadd.s32 $0xFFFFFFFF  }
0xb9: {  	_ =	strace $0x9000004E  }
0xba: {  	_ =	sfence  }
0xbb: {  	s30 =	sld [smem:$0x0];
	_ =	sdelay $0x2  }
0xbc: {  	s31 =	sshll.u32 s1, $0xD;
	s1 =	sshrl.u32 s1, $0x2  }
0xbd: {  	s3 =	sand.u32 $0x4000, s31;
	s1 =	sadd.s32 s1, s30  }
0xbe: {  	s0 =	sor.u32 s3, s0;
	s1 =	sshll.u32 s1, $0x11  }
0xbf: {  	s0 =	sor.u32 s1, s0  }
0xc0: {  	s0 =	sadd.s32 $0x8F2B, s0  }
0xc1: {  	[sflag:s0] =	ssyncadd.remote.s32 $0x1  }
0xc2: {  	_ =	sfence.sel $0xFFFF  }
0xc3: {  	[dreg:$0x0] =	wrdreg $0xFFFFFFFF;
	(pc) =	sbr.abs _section_cstart, $3  }
0xc4: {  	[dreg:$0x1] =	wrdreg $0xFFFFFFFF  }
0xc5: {  	_ =	task.clear_ibuf [dreg:s9], $0x2FFFF;
	_ =	strace $0x9FFFFFFF  }
0xc6: {  	(tm) =	ssettm $0x7FFFFFFF  }
0xc7: {  	_ =	shalt  }
tec
execute0_lowered:
.L_overlay_start_1:
0x0: {  	(tag) =	ssettag $0x1  }
0x1: {  	s6 =	rddreg [dreg:$0x0]  }
0x2: {  	s7 =	rddreg [dreg:$0x1]  }
0x3: {  	s1 =	rddreg [dreg:$0x2]  }
0x4: {  	s8 =	rddreg [dreg:$0x3]  }
0x5: {  	s0 =	rddreg [dreg:$0x4];
	s4 =	srdreg.scid  }
0x6: {  	s3 =	simm.s32 $0x0;
	s2 =	stileid.u32;
	s13 =	simm.s32 $0x100  }
0x7: {  	s14 =	simm.s32 $0x1100;
	s15 =	simm.s32 $0x2100;
	s16 =	simm.s32 $0x1  }
0x8: {  	s17 =	simm.s32 $0x2600;
	s18 =	simm.s32 $0x2680;
	s19 =	simm.s32 $0x0  }
0x9: {  	s4 =	sand.u32 $0x1, s4;
	[smem:$0x7FF] =	sst s3;
	s9 =	sshll.u32 s2, $0x5  }
0xa: {  	s5 =	sshll.u32 s4, $0x9;
	_ =	strace $0x8000004D;
	s10 =	ssub.s32 $0x2, s4  }
0xb: {  	s4 =	sadd.s32 $0x1200, s6;
	s9 =	sor.u32 s9, s5;
	s12 =	sshrl.u32 s10, $0x1  }
0xc: {  	s5 =	sadd.s32 $0x6200, s6;
	s11 =	sshrl.u32 s9, $0x3;
	s10 =	ssub.s32 s10, s12  }
0xd: {  	s9 =	sshll.u32 s9, $0x4;
	s12 =	simm.s32 $0x20;
	s6 =	sadd.s32 s11, s6  }
0xe: {  	s7 =	sadd.s32 s7, s11;
	s8 =	sadd.s32 s8, s9;
	s9 =	smax.u32 s10, $0x1  }
0xf: {  	s10 =	simm.s32 $0x2;
	s11 =	simm.s32 $0x80;
	s6 =	sadd.s32 $0x1F000, s6  }
.LBB2_1:
0x10: {  	[tilespmem:s3], [sflag:$0x2] =	stream.linear.gather [hbm4b:s6+s3], $0x20, $0x38;
	[tilespmem:$0x3680] =	vst v63  }
0x11: {  	_ =	swait.ge [sflag:s10], $0x20  }
0x12: {  	[sflag:s10] =	ssyncset.done $0x0  }
0x13: {  	[sflag:s10] =	ssyncadd.s32 $0xFFFFFFE0  }
0x14: {  	[tilespmem:s11], [sflag:$0x2] =	stream.linear.gather [hbm4b:s7+s3], $0x20, $0x38;
	[tilespmem:$0x3680] =	vst v63  }
0x15: {  	_ =	swait.ge [sflag:s10], $0x20  }
0x16: {  	[sflag:s10] =	ssyncset.done $0x0  }
0x17: {  	[sflag:s10] =	ssyncadd.s32 $0xFFFFFFE0  }
0x18: {  	[tilespmem:s13], [sflag:$0x1] =	stream.indirect.gather [hbm4b:s4+s12], $0x80, s3, s12, $0xb8;
	[tilespmem:$0x3680] =	vst v63  }
0x19: {  	_ = 	snop  }
0x1a: {  	[tilespmem:s14], [sflag:$0x1] =	stream.indirect.gather [hbm4b:s1+s12], $0x80, s11, s12, $0xb8;
	[tilespmem:$0x3680] =	vst v63  }
0x1b: {  	_ = 	snop  }
0x1c: {  	[tilespmem:s15], [sflag:$0x1] =	stream.linear.gather [hbm4b:s5+s3], $0x500, $0x38;
	[tilespmem:$0x3680] =	vst v63  }
0x1d: {  	_ =	swait.ge [sflag:s16], $0x1000  }
0x1e: {  	[sflag:s16] =	ssyncset.done $0x0  }
0x1f: {  	[sflag:s16] =	ssyncadd.s32 $0xFFFFF000  }
0x20: {  	_ =	swait.ge [sflag:s16], $0x1000  }
0x21: {  	[sflag:s16] =	ssyncset.done $0x0  }
0x22: {  	[sflag:s16] =	ssyncadd.s32 $0xFFFFF000  }
0x23: {  	_ =	swait.ge [sflag:s16], $0x500  }
0x24: {  	[sflag:s16] =	ssyncset.done $0x0  }
0x25: {  	[sflag:s16] =	ssyncadd.s32 $0xFFFFFB00  }
0x26: {  	v0 =	vld [tilespmem:$0x0];
	_ =	sdelay $0x7  }
0x27: {  	v0 =	vld.idx.msk [tilespmem:v0+s15+$0x0], $0xffff;
	_ =	sdelay $0x4  }
0x28: {  	v0 =	vadd.f32 $1.000000000e+00, v0;
	_ =	sdelay $0x1  }
0x29: {  	(erf) = vrcp.f32 v0;
	_ =	sdelay $0x2  }
0x2a: {  	v0 =	vld [tilespmem:$0x10];
	_ =	sdelay $0x5  }
0x2b: {  	v1 =	vpop (erf)  }
0x2c: {  	[tilespmem:$0x2600] =	vst v1  }
0x2d: {  	v0 =	vld.idx.msk [tilespmem:v0+s15+$0x0], $0xffff;
	_ =	sdelay $0x4  }
0x2e: {  	v0 =	vadd.f32 $1.000000000e+00, v0;
	_ =	sdelay $0x1  }
0x2f: {  	(erf) = vrcp.f32 v0;
	_ =	sdelay $0x8  }
0x30: {  	v1 =	vmov s3;
	v0 =	vpop (erf)  }
0x31: {  	s20 =	simm.s32 $0x1140;
	[tilespmem:$0x2610] =	vst v0  }
0x32: {  	s21 =	simm.s32 $0x140;
	v2 =	vld [tilespmem:s20+$0xFFFFFFC0]  }
0x33: {  	v3 =	vld [tilespmem:s21+$0xFFFFFFC0];
	_ =	sdelay $0x1  }
0x34: {  	v0 =	vld.idx.msk [tilespmem:v1+s17+$0x0], $0xffff;
	_ =	sdelay $0x2  }
0x35: {  	v1 =	vadd.f32 v2, v3;
	_ =	sdelay $0x1  }
0x36: {  	v1 =	vmul.f32 v1, v0  }
0x37: {  	s22 =	simm.s32 $0x26C0  }
0x38: {  	[tilespmem:s22+$0xFFFFFFC0] =	vst v1  }
0x39: {  	v1 =	vld [tilespmem:s21+$0xFFFFFFD0]  }
0x3a: {  	v2 =	vld [tilespmem:s20+$0xFFFFFFD0];
	_ =	sdelay $0x4  }
0x3b: {  	v1 =	vadd.f32 v2, v1;
	_ =	sdelay $0x1  }
0x3c: {  	v1 =	vmul.f32 v1, v0;
	_ =	sdelay $0x1  }
0x3d: {  	[tilespmem:s22+$0xFFFFFFD0] =	vst v1  }
0x3e: {  	v1 =	vld [tilespmem:s21+$0xFFFFFFE0]  }
0x3f: {  	v2 =	vld [tilespmem:s20+$0xFFFFFFE0];
	_ =	sdelay $0x4  }
0x40: {  	v1 =	vadd.f32 v2, v1;
	_ =	sdelay $0x1  }
0x41: {  	v1 =	vmul.f32 v1, v0;
	_ =	sdelay $0x1  }
0x42: {  	[tilespmem:s22+$0xFFFFFFE0] =	vst v1  }
0x43: {  	v1 =	vld [tilespmem:s21+$0xFFFFFFF0]  }
0x44: {  	v2 =	vld [tilespmem:s20+$0xFFFFFFF0];
	_ =	sdelay $0x4  }
0x45: {  	v1 =	vadd.f32 v2, v1;
	_ =	sdelay $0x1  }
0x46: {  	v1 =	vmul.f32 v1, v0;
	_ =	sdelay $0x1  }
0x47: {  	[tilespmem:s22+$0xFFFFFFF0] =	vst v1  }
0x48: {  	v1 =	vld [tilespmem:s21+$0x0]  }
0x49: {  	v2 =	vld [tilespmem:s20+$0x0];
	_ =	sdelay $0x4  }
0x4a: {  	v1 =	vadd.f32 v2, v1;
	_ =	sdelay $0x1  }
0x4b: {  	v1 =	vmul.f32 v1, v0;
	_ =	sdelay $0x1  }
0x4c: {  	[tilespmem:s22+$0x0] =	vst v1  }
0x4d: {  	v1 =	vld [tilespmem:s21+$0x10]  }
0x4e: {  	v2 =	vld [tilespmem:s20+$0x10];
	_ =	sdelay $0x4  }
0x4f: {  	v1 =	vadd.f32 v2, v1;
	_ =	sdelay $0x1  }
0x50: {  	v1 =	vmul.f32 v1, v0;
	_ =	sdelay $0x1  }
0x51: {  	[tilespmem:s22+$0x10] =	vst v1  }
0x52: {  	v1 =	vld [tilespmem:s21+$0x20]  }
0x53: {  	v2 =	vld [tilespmem:s20+$0x20];
	_ =	sdelay $0x4  }
0x54: {  	v1 =	vadd.f32 v2, v1;
	_ =	sdelay $0x1  }
0x55: {  	v1 =	vmul.f32 v1, v0;
	_ =	sdelay $0x1  }
0x56: {  	[tilespmem:s22+$0x20] =	vst v1  }
0x57: {  	v1 =	vld [tilespmem:s21+$0x30]  }
0x58: {  	s24 =	simm.s32 $0x1;
	s23 =	simm.s32 $0x26C0;
	v2 =	vld [tilespmem:s20+$0x30]  }
.LBB2_2:
0x59: {  	_ = 	snop  }
0x5a: {  	s20 =	sadd.s32 $0x80, s20;
	s22 =	sadd.s32 $0x80, s22;
	s21 =	sadd.s32 $0x80, s21  }
0x5b: {  	p0 =	sne.s32 s24, $0x1F;
	s25 =	smov.u32 s24;
	s24 =	sadd.s32 $0x1, s24  }
0x5c: {  	_ = 	snop  }
0x5d: {  	v1 =	vadd.f32 v2, v1;
	_ =	sdelay $0x1  }
0x5e: {  	v2 =	vmov s25;
	v0 =	vmul.f32 v1, v0;
	_ =	sdelay $0x1  }
0x5f: {  	[tilespmem:s23+$0x30] =	vst v0;
	s23 =	smov.u32 s22  }
0x60: {  	v1 =	vld [tilespmem:s20+$0xFFFFFFC0]  }
0x61: {  	v3 =	vld [tilespmem:s21+$0xFFFFFFC0]  }
0x62: {  	v0 =	vld.idx.msk [tilespmem:v2+s17+$0x0], $0xffff;
	_ =	sdelay $0x3  }
0x63: {  	v1 =	vadd.f32 v1, v3;
	_ =	sdelay $0x1  }
0x64: {  	v1 =	vmul.f32 v1, v0;
	_ =	sdelay $0x1  }
0x65: {  	[tilespmem:s22+$0xFFFFFFC0] =	vst v1  }
0x66: {  	v1 =	vld [tilespmem:s21+$0xFFFFFFD0]  }
0x67: {  	v2 =	vld [tilespmem:s20+$0xFFFFFFD0];
	_ =	sdelay $0x4  }
0x68: {  	v1 =	vadd.f32 v2, v1;
	_ =	sdelay $0x1  }
0x69: {  	v1 =	vmul.f32 v1, v0;
	_ =	sdelay $0x1  }
0x6a: {  	[tilespmem:s22+$0xFFFFFFD0] =	vst v1  }
0x6b: {  	v1 =	vld [tilespmem:s21+$0xFFFFFFE0]  }
0x6c: {  	v2 =	vld [tilespmem:s20+$0xFFFFFFE0];
	_ =	sdelay $0x4  }
0x6d: {  	v1 =	vadd.f32 v2, v1;
	_ =	sdelay $0x1  }
0x6e: {  	v1 =	vmul.f32 v1, v0;
	_ =	sdelay $0x1  }
0x6f: {  	[tilespmem:s22+$0xFFFFFFE0] =	vst v1  }
0x70: {  	v1 =	vld [tilespmem:s21+$0xFFFFFFF0]  }
0x71: {  	v2 =	vld [tilespmem:s20+$0xFFFFFFF0];
	_ =	sdelay $0x4  }
0x72: {  	v1 =	vadd.f32 v2, v1;
	_ =	sdelay $0x1  }
0x73: {  	v1 =	vmul.f32 v1, v0;
	_ =	sdelay $0x1  }
0x74: {  	[tilespmem:s22+$0xFFFFFFF0] =	vst v1  }
0x75: {  	v1 =	vld [tilespmem:s21+$0x0]  }
0x76: {  	v2 =	vld [tilespmem:s20+$0x0];
	_ =	sdelay $0x4  }
0x77: {  	v1 =	vadd.f32 v2, v1;
	_ =	sdelay $0x1  }
0x78: {  	v1 =	vmul.f32 v1, v0;
	_ =	sdelay $0x1  }
0x79: {  	[tilespmem:s22+$0x0] =	vst v1  }
0x7a: {  	v1 =	vld [tilespmem:s21+$0x10]  }
0x7b: {  	v2 =	vld [tilespmem:s20+$0x10];
	_ =	sdelay $0x4  }
0x7c: {  	v1 =	vadd.f32 v2, v1;
	_ =	sdelay $0x1  }
0x7d: {  	v1 =	vmul.f32 v1, v0;
	_ =	sdelay $0x1  }
0x7e: {  	[tilespmem:s22+$0x10] =	vst v1  }
0x7f: {  	v1 =	vld [tilespmem:s21+$0x20]  }
0x80: {  	v2 =	vld [tilespmem:s20+$0x20];
	_ =	sdelay $0x4  }
0x81: {  	v1 =	vadd.f32 v2, v1;
	_ =	sdelay $0x1  }
.Ltmp0:
0x82: {  	v1 =	vmul.f32 v1, v0;
	(pc) =	sbr.rel @p0 .LBB2_2-.Ltmp0, $4  }
0x83: {  	_ = 	snop  }
0x84: {  	[tilespmem:s22+$0x20] =	vst v1  }
0x85: {  	v1 =	vld [tilespmem:s21+$0x30]  }
0x86: {  	v2 =	vld [tilespmem:s20+$0x30]  }
0x87: {  	_ =	sdelay $0x3  }
0x88: {  	v1 =	vadd.f32 v2, v1;
	_ =	sdelay $0x1  }
0x89: {  	s19 =	sadd.s32 $0x1, s19;
	v0 =	vmul.f32 v1, v0  }
0x8a: {  	p0 =	sne.s32 s19, s9  }
.Ltmp1:
0x8b: {  	[tilespmem:s23+$0x30] =	vst v0;
	(pc) =	sbr.rel @p0 .LBB2_1-.Ltmp1, $4  }
0x8c: {  	[hbm4b:s8+s3] =	stream.linear.scatter [tilespmem:s18], [sflag:$0x2], $0x1000, $0x38;
	[tilespmem:$0x3680] =	vst v63  }
0x8d: {  	_ =	swait.ge [sflag:s10], $0x1000  }
0x8e: {  	[sflag:s10] =	ssyncset.done $0x0  }
0x8f: {  	[sflag:s10] =	ssyncadd.s32 $0xFFFFF000  }
0x90: {  	_ =	sfence.sel $0x180000  }
0x91: {  	[bflag:$0x0] =	sbarrier.arrive $0xFFFF  }
0x92: {  	p0 =	sne.s32 s2, $0x0;
	_ =	strace $0x9000004D  }
0x93: {  	s0 =	sadd.s32 @!p0 $0x100000, s0;
	[bflag:$0x2] =	sbarrier.arrive $0xFFFF  }
0x94: {  	[sflag:s0] =	ssyncadd.tile.s32 @!p0 $0x1;
	_ =	shalt  }
.Lfunc_end2:
_tile_overlayer_lowered:
.L_overlay_start_2:
0x95: {  	(tag) =	ssettag $0x2  }
0x96: {  	s0 =	rddreg [dreg:$0x0];
	s2 =	stileid.u32  }
0x97: {  	s1 =	rddreg [dreg:$0x1];
	p0 =	sne.s32 s2, $0x0  }
0x98: {  	s3 =	rddreg [dreg:$0x2];
	[bflag:$0x3] =	sbarrier.arrive $0xFFFF;
	s2 =	simm.s32 @!p0 $0x1C02  }
0x99: {  	[timem:s3], [sflag:s2] =	dma.local @!p0 [hbm:s0], s1  }
0x9a: {  	s0 =	simm.s32 @!p0 $0x2  }
0x9b: {  	_ =	swait.ge @!p0 [sflag:s0], s1  }
0x9c: {  	s1 =	ssub.s32 @!p0 $0x0, s1;
	[sflag:s0] =	ssyncset.done @!p0 $0x0  }
0x9d: {  	[sflag:s0] =	ssyncadd.s32 @!p0 s1  }
0x9e: {  	[bflag:$0x3] =	sbarrier.arrive $0xFFFF  }
0x9f: {  	_ =	shalt  }

// kernel: kernel.6.cloned.1.call-start
scs
__scs_entry_jumppad:
0x0: {  	(pc) =	sbr.rel $0x88, $3  }
0x1: {  	(tag) =	ssettag $0x0;
	lr =	simm.s32 $0x1  }
0x2: {  	[smem:$0x3F9C] =	sst lr;
	_ =	strace $0xD0000000  }
0x3: {  	_ = 	snop  }
0x4: {  	_ = 	snop  }
0x5: {  	_ = 	snop  }
0x6: {  	_ = 	snop  }
0x7: {  	_ = 	snop  }
__scs_overlays_trampoline_lowered:
0x8: {  	[smem:$0x3FAB] =	sst s0  }
0x9: {  	[smem:$0x3FAC] =	sst s1  }
0xa: {  	[smem:$0x3FAD] =	sst s2  }
0xb: {  	[smem:$0x3FAE] =	sst s3  }
0xc: {  	[smem:$0x3FAF] =	sst s4  }
0xd: {  	[smem:$0x3FB0] =	sst s5  }
0xe: {  	[smem:$0x3FB1] =	sst s6  }
0xf: {  	[smem:$0x3FB2] =	sst s7  }
0x10: {  	[smem:$0x3FB3] =	sst s8  }
0x11: {  	[smem:$0x3FB4] =	sst s9;
	s0 =	simm.s32 @!p0 $0x0  }
0x12: {  	s1 =	sld [smem:$0x3F9A];
	s0 =	simm.s32 @p0 $0x1  }
0x13: {  	[smem:$0x3FB5] =	sst s0;
	s0 =	simm.s32 @!p1 $0x0  }
0x14: {  	s2 =	sld [smem:$0x3F99];
	s0 =	simm.s32 @p1 $0x1  }
0x15: {  	[smem:$0x3FB6] =	sst s0;
	s0 =	simm.s32 @!p2 $0x0  }
0x16: {  	s3 =	sld [smem:$0x3FDB];
	s0 =	simm.s32 @p2 $0x1  }
0x17: {  	s4 =	simm.s32 $0x1BF5;
	[smem:$0x3FB8] =	sst s0  }
0x18: {  	s0 =	sld [smem:$0x3F9B];
	_ =	swait.ge [sflag:s4], $0x0  }
0x19: {  	s7 =	sld [smem:$0x3F9C]  }
0x1a: {  	s8 =	sadd.s32 $0xFFFFE003, lr  }
0x1b: {  	s9 =	sadd.s32 $0xFFFFFEF7, lr;
	s5 =	simm.s32 $0xFFFFFFFF;
	p2 =	slt.u32 s8, $0xFFFFF086  }
0x1c: {  	p1 =	slt.u32 s9, $0xF7A;
	s5 =	simm.s32 @!p2 $0x0  }
0x1d: {  	s5 =	simm.s32 @p1 $0x1;
	p0 =	seq.s32 s7, s2  }
0x1e: {  	s7 =	smul.u32 @!p0 $0xF7A, s2;
	p2 =	seq.s32 @!p0 s5, $0x0  }
0x1f: {  	s9 =	smul.u32 $0xF7A, s1;
	s8 =	simm.s32 @!p0 $0x1BF5;
	p2 =	por !p2, p0  }
0x20: {  	[sflag:s8] =	ssyncset.s32 @!p0 $0xFFFFF086;
	s6 =	sadd.s32 @!p0 s3, s7;
	s7 =	simm.s32 @!p0 $0x108  }
0x21: {  	s3 =	sadd.s32 s3, s9;
	s6 =	sadd.s32 @!p0 $0x88, s6;
	s7 =	simm.s32 @p2 $0x1082  }
0x22: {  	[simem:s7], [sflag:s8] =	dma.local @!p0 [hbm:s6], $0xF7A  }
0x23: {  	s9 =	sor.u32 $0xD0000000, s2;
	s6 =	simm.s32 $0x108;
	_ =	swait.ge @!p0 [sflag:s8], $0x0  }
0x24: {  	s3 =	sadd.s32 $0x88, s3;
	s6 =	simm.s32 @!p1 $0x1082;
	[sflag:s4] =	ssyncset.s32 $0xFFFFF086  }
0x25: {  	[simem:s6], [sflag:s4] =	dma.local [hbm:s3], $0xF7A  }
0x26: {  	[smem:$0x3F9C] =	sst s1;
	(tag) =	ssettag s2;
	_ =	strace s9  }
0x27: {  	s1 =	sld [smem:$0x3FAC]  }
0x28: {  	s2 =	sld [smem:$0x3FAD]  }
0x29: {  	s4 =	sld [smem:$0x3FAF]  }
0x2a: {  	p0 =	seq.s32 s5, $0x0;
	s5 =	sld [smem:$0x3FB0]  }
0x2b: {  	s6 =	sld [smem:$0x3FB1]  }
0x2c: {  	s7 =	sld [smem:$0x3FB2]  }
0x2d: {  	s3 =	simm.s32 $0x108;
	s8 =	sld [smem:$0x3FB3]  }
0x2e: {  	s3 =	simm.s32 @!p0 $0x1082;
	s9 =	sld [smem:$0x3FB4]  }
0x2f: {  	lr =	sadd.s32 s0, s3;
	s0 =	sld [smem:$0x3FAB]  }
0x30: {  	s3 =	sld [smem:$0x3FAE]  }
0x31: {  	[smem:$0x3FB7] =	sst s10  }
0x32: {  	s10 =	sld [smem:$0x3FB5];
	_ =	sdelay $0x3  }
0x33: {  	p0 =	seq.s32 s10, $0x1;
	s10 =	sld [smem:$0x3FB7];
	_ =	sdelay $0x3  }
0x34: {  	[smem:$0x3FB7] =	sst s10  }
0x35: {  	s10 =	sld [smem:$0x3FB6];
	_ =	sdelay $0x3  }
0x36: {  	p1 =	seq.s32 s10, $0x1;
	s10 =	sld [smem:$0x3FB7];
	_ =	sdelay $0x3  }
0x37: {  	[smem:$0x3FB7] =	sst s10  }
0x38: {  	s10 =	sld [smem:$0x3FB8]  }
0x39: {  	_ = 	snop;
	(pc) =	sbr.ind lr, $3  }
0x3a: {  	_ = 	snop  }
0x3b: {  	_ = 	snop  }
0x3c: {  	p2 =	seq.s32 s10, $0x1;
	s10 =	sld [smem:$0x3FB7]  }
0x3d: {  	_ =	shalt  }
0x3e: {  	_ =	shalt  }
0x3f: {  	_ =	shalt  }
0x40: {  	_ =	shalt  }
0x41: {  	_ =	shalt  }
0x42: {  	_ =	shalt  }
0x43: {  	_ =	shalt  }
0x44: {  	_ =	shalt  }
0x45: {  	_ =	shalt  }
0x46: {  	_ =	shalt  }
0x47: {  	_ =	shalt  }
0x48: {  	_ =	shalt  }
0x49: {  	_ =	shalt  }
0x4a: {  	_ =	shalt  }
0x4b: {  	_ =	shalt  }
0x4c: {  	_ =	shalt  }
0x4d: {  	_ =	shalt  }
0x4e: {  	_ =	shalt  }
0x4f: {  	_ =	shalt  }
0x50: {  	_ =	shalt  }
0x51: {  	_ =	shalt  }
0x52: {  	_ =	shalt  }
0x53: {  	_ =	shalt  }
0x54: {  	_ =	shalt  }
0x55: {  	_ =	shalt  }
0x56: {  	_ =	shalt  }
0x57: {  	_ =	shalt  }
0x58: {  	_ =	shalt  }
0x59: {  	_ =	shalt  }
0x5a: {  	_ =	shalt  }
0x5b: {  	_ =	shalt  }
0x5c: {  	_ =	shalt  }
0x5d: {  	_ =	shalt  }
0x5e: {  	_ =	shalt  }
0x5f: {  	_ =	shalt  }
0x60: {  	_ =	shalt  }
0x61: {  	_ =	shalt  }
0x62: {  	_ =	shalt  }
0x63: {  	_ =	shalt  }
0x64: {  	_ =	shalt  }
0x65: {  	_ =	shalt  }
0x66: {  	_ =	shalt  }
0x67: {  	_ =	shalt  }
0x68: {  	_ =	shalt  }
0x69: {  	_ =	shalt  }
0x6a: {  	_ =	shalt  }
0x6b: {  	_ =	shalt  }
0x6c: {  	_ =	shalt  }
0x6d: {  	_ =	shalt  }
0x6e: {  	_ =	shalt  }
0x6f: {  	_ =	shalt  }
0x70: {  	_ =	shalt  }
0x71: {  	_ =	shalt  }
0x72: {  	_ =	shalt  }
0x73: {  	_ =	shalt  }
0x74: {  	_ =	shalt  }
0x75: {  	_ =	shalt  }
0x76: {  	_ =	shalt  }
0x77: {  	_ =	shalt  }
0x78: {  	_ =	shalt  }
0x79: {  	_ =	shalt  }
0x7a: {  	_ =	shalt  }
0x7b: {  	_ =	shalt  }
0x7c: {  	_ =	shalt  }
0x7d: {  	_ =	shalt  }
0x7e: {  	_ =	shalt  }
0x7f: {  	_ =	shalt  }
0x80: {  	_ =	shalt  }
0x81: {  	_ =	shalt  }
0x82: {  	_ =	shalt  }
0x83: {  	_ =	shalt  }
0x84: {  	_ =	shalt  }
0x85: {  	_ =	shalt  }
0x86: {  	_ =	shalt  }
0x87: {  	_ =	shalt  }
.Lfunc_end0:
.L_simem_size_0:
called_computation_lowered:
.L_overlay_start_0:
0x88: {  	s2 =	sld [smem:$0x3FD9]  }
0x89: {  	s3 =	sld [smem:$0x3FFE];
	_ =	sdelay $0x1  }
0x8a: {  	s1 =	srdreg.scid  }
0x8b: {  	s0 =	sand.u32 $0x1, s1  }
0x8c: {  	s17 =	sshll.u32 s0, $0xA;
	s2 =	sadd.s32 s3, s2  }
0x8d: {  	s2 =	sadd.s32 s2, s17  }
0x8e: {  	[smem:$0x3FC3] =	sst s2  }
0x8f: {  	_ = 	snop  }
0x90: {  	s2 =	sld [smem:$0x3FC7]  }
0x91: {  	s18 =	sld [smem:$0x3FD0];
	(tm) =	ssettm $0x1  }
0x92: {  	s4 =	sld [smem:$0x3FFB];
	_ =	sdelay $0x3  }
0x93: {  	_ =	strace s4  }
0x94: {  	s4 =	sld [smem:$0x3FFC];
	_ =	sdelay $0x3  }
0x95: {  	_ =	strace s4  }
0x96: {  	s4 =	sld [smem:$0x3FFD];
	_ =	sdelay $0x3  }
0x97: {  	_ =	strace s4  }
0x98: {  	_ =	strace $0x8FFFFFFF  }
0x99: {  	s19 =	sld [smem:$0x3FDB];
	_ =	sdelay $0x1  }
0x9a: {  	s5 =	simm.s32 $_scs_section_size  }
0x9b: {  	s6 =	simm.s32 $_size__tile_overlayer_lowered;
	s7 =	simm.s32 $_tile_overlayer_lowered  }
0x9c: {  	s22 =	simm.s32 $0x1BFF;
	s21 =	sshll.u32 s7, $0x1;
	s4 =	sadd.s32 s5, s19  }
0x9d: {  	s8 =	simm.s32 $0x0;
	s20 =	sshll.u32 s6, $0x1;
	s6 =	sadd.s32 s21, s4  }
0x9e: {  	[timem:s8], [sflag:s22] =	dma.local [hbm:s6], s20  }
0x9f: {  	_ =	swait.ge [sflag:s22], s20  }
0xa0: {  	s5 =	ssub.s32 $0x0, s20;
	[sflag:s22] =	ssyncset.done $0x0  }
0xa1: {  	[sflag:s22] =	ssyncadd.s32 s5;
	_ =	sdelay $0x1  }
0xa2: {  	s23 =	simm.s32 $0x1B8B  }
0xa3: {  	_ =	swait.ge [sflag:s23], $0x1  }
0xa4: {  	[sflag:s23] =	ssyncset.done $0x0  }
0xa5: {  	s25 =	simm.s32 $0x1B8E;
	s24 =	sld [smem:$0x3FFE];
	[sflag:s23] =	ssyncadd.s32 $0xFFFFFFFF  }
0xa6: {  	s26 =	simm.s32 $execute0_lowered;
	[smem:$0x3FD2] =	sst s25  }
0xa7: {  	s6 =	sshll.u32 s26, $0x1;
	_ =	strace $0x80000046;
	[dreg:$0x1] =	wrdreg $0xFFFFFFFF  }
0xa8: {  	s28 =	simm.s32 $_size_execute0_lowered;
	s4 =	sadd.s32 s4, s6;
	[dreg:$0x0] =	wrdreg $0x0  }
0xa9: {  	s6 =	sshll.u32 s28, $0x1;
	[dreg:$0x2] =	wrdreg s4  }
0xaa: {  	[dreg:$0x3] =	wrdreg s6  }
0xab: {  	[dreg:$0x4] =	wrdreg $0xC0  }
0xac: {  	_ =	task [dreg:s8], $0x5FFFF  }
0xad: {  	[dreg:$0x1] =	wrdreg $0xFFFFFFFF  }
0xae: {  	[dreg:$0x0] =	wrdreg $0x60  }
0xaf: {  	[dreg:$0x2] =	wrdreg s24  }
0xb0: {  	[dreg:$0x3] =	wrdreg s2  }
0xb1: {  	[dreg:$0x4] =	wrdreg s18  }
0xb2: {  	[dreg:$0x5] =	wrdreg $0x9  }
0xb3: {  	_ =	task.clear_ibuf [dreg:s8], $0x6FFFF;
	_ =	strace $0x90000046  }
0xb4: {  	s29 =	simm.s32 $0x9;
	_ =	strace $0x80000048  }
0xb5: {  	_ =	swait.ge [sflag:s29], $0x1  }
0xb6: {  	[sflag:s29] =	ssyncadd.s32 $0xFFFFFFFF  }
0xb7: {  	_ =	strace $0x90000048  }
0xb8: {  	_ =	sfence  }
0xb9: {  	s30 =	sld [smem:$0x0];
	_ =	sdelay $0x2  }
0xba: {  	s31 =	sshll.u32 s1, $0xD;
	s1 =	sshrl.u32 s1, $0x2  }
0xbb: {  	s3 =	sand.u32 $0x4000, s31;
	s1 =	sadd.s32 s1, s30  }
0xbc: {  	s0 =	sor.u32 s3, s0;
	s1 =	sshll.u32 s1, $0x11  }
0xbd: {  	s0 =	sor.u32 s1, s0  }
0xbe: {  	s0 =	sadd.s32 $0x8F2B, s0  }
0xbf: {  	[sflag:s0] =	ssyncadd.remote.s32 $0x1  }
0xc0: {  	_ =	sfence.sel $0xFFFF  }
0xc1: {  	[dreg:$0x0] =	wrdreg $0xFFFFFFFF;
	(pc) =	sbr.abs _section_cstart, $3  }
0xc2: {  	[dreg:$0x1] =	wrdreg $0xFFFFFFFF  }
0xc3: {  	_ =	task.clear_ibuf [dreg:s8], $0x2FFFF;
	_ =	strace $0x9FFFFFFF  }
0xc4: {  	(tm) =	ssettm $0x7FFFFFFF  }
0xc5: {  	_ =	shalt  }
tec
execute0_lowered:
.L_overlay_start_1:
0x0: {  	(tag) =	ssettag $0x1  }
0x1: {  	s4 =	rddreg [dreg:$0x0]  }
0x2: {  	s0 =	srdreg.scid;
	s2 =	rddreg [dreg:$0x1]  }
0x3: {  	s8 =	rddreg [dreg:$0x2];
	s1 =	stileid.u32  }
0x4: {  	s3 =	simm.s32 $0x0;
	s12 =	simm.s32 $0x7680;
	s13 =	simm.s32 $0x2  }
0x5: {  	s14 =	simm.s32 $0x4F00;
	s15 =	simm.s32 $0xA300;
	s16 =	simm.s32 $0x1  }
0x6: {  	s17 =	simm.s32 $0xA380;
	s18 =	simm.s32 $0x7A80;
	s5 =	sand.u32 $0x1, s0  }
0x7: {  	s19 =	simm.s32 $0x0;
	s0 =	rddreg [dreg:$0x3];
	s6 =	sshll.u32 s5, $0x4  }
0x8: {  	[smem:$0x7FF] =	sst s3;
	s5 =	ssub.s32 $0x2, s5;
	s9 =	sor.u32 s1, s6  }
0x9: {  	_ =	strace $0x80000047;
	s30 =	sshrl.u32 s5, $0x1;
	s6 =	smul.u32 $0x4E2, s9  }
0xa: {  	s7 =	smul.u32 $0x502, s9;
	s10 =	sshll.u32 s9, $0x2;
	s31 =	ssub.s32 s5, s30  }
0xb: {  	s29 =	sadd.s32 s10, s4;
	s10 =	smax.u32 s31, $0x1;
	s6 =	sadd.s32 s6, s4  }
0xc: {  	s11 =	sadd.s32 s7, s4;
	s7 =	sadd.s32 $0x1F000, s29;
	s4 =	sadd.s32 $0xB000, s6  }
0xd: {  	s5 =	sadd.s32 $0x1200, s6;
	s6 =	sshll.u32 s9, $0x5;
	s9 =	sshll.u32 s9, $0x1  }
0xe: {  	v0 =	vimm.s32 $0xFFFFFFFF;
	v1 =	vlaneseq.u32;
	v2 =	vimm.s32 $0x40000000;
	s8 =	sadd.s32 s8, s9;
	s9 =	sadd.s32 $0x14E00, s11;
	s11 =	simm.s32 $0x2780  }
.LBB2_1:
0xf: {  	[tilespmem:s3], [sflag:$0x1] =	stream.linear.gather [hbm4b:s4+s3], $0x2710, $0x38;
	[tilespmem:$0xA400] =	vst v63  }
0x10: {  	_ = 	snop  }
0x11: {  	[tilespmem:s11], [sflag:$0x1] =	stream.linear.gather [hbm4b:s5+s3], $0x2710, $0x38;
	[tilespmem:$0xA400] =	vst v63  }
0x12: {  	_ = 	snop  }
0x13: {  	[tilespmem:s12], [sflag:$0x2] =	stream.linear.gather [hbm4b:s2+s3], $0x400, $0x38;
	[tilespmem:$0xA400] =	vst v63  }
0x14: {  	_ =	swait.ge [sflag:s13], $0x400  }
0x15: {  	[sflag:s13] =	ssyncset.done $0x0  }
0x16: {  	s20 =	simm.s32 $0x0;
	[sflag:s13] =	ssyncadd.s32 $0xFFFFFC00  }
.LBB2_2:
0x17: {  	p0 =	sne.s32 s20, $0x9C00  }
.Ltmp0:
0x18: {  	_ = 	snop;
	(pc) =	sbr.rel @p0 .LBB2_2-.Ltmp0, $3  }
0x19: {  	_ =	sdelay $0x1  }
0x1a: {  	s21 =	sshra.s32 s20, $0x2  }
0x1b: {  	s20 =	sadd.s32 $0x40, s20;
	[tilespmem:s21+$0x4F00] =	vst v0  }
0x1c: {  	s20 =	simm.s32 $0x7680  }
0x1d: {  	s21 =	simm.s32 $0x0;
	s22 =	simm.s32 $0x10;
	v3 =	vld [tilespmem:s20+$0x0]  }
.LBB2_4:
0x1e: {  	p0 =	sne.s32 s22, $0x3F0;
	_ =	sdelay $0x3  }
.Ltmp1:
0x1f: {  	(pc) =	sbr.rel @p0 .LBB2_4-.Ltmp1, $4  }
0x20: {  	_ = 	snop  }
0x21: {  	v4 =	vor.u32 s21, v1;
	s21 =	smov.u32 s22  }
0x22: {  	s20 =	sadd.s32 $0x10, s20;
	[tilespmem:v3+s14+$0x0] =	vst.idx.msk $0xffff, v4  }
0x23: {  	s22 =	sadd.s32 $0x10, s22;
	v3 =	vld [tilespmem:s20+$0x0]  }
0x24: {  	_ =	sdelay $0x6  }
0x25: {  	v4 =	vor.u32 s21, v1  }
0x26: {  	[tilespmem:v3+s14+$0x0] =	vst.idx.msk $0xffff, v4  }
0x27: {  	v3 =	vld [tilespmem:s6+$0x7680];
	_ =	sdelay $0x7  }
0x28: {  	v3 =	vld.idx.msk [tilespmem:v3+s14+$0x0], $0xffff;
	_ =	sdelay $0x4  }
0x29: {  	[tilespmem:$0xA300] =	vst v3  }
0x2a: {  	v3 =	vld [tilespmem:s6+$0x7690];
	_ =	sdelay $0x7  }
0x2b: {  	v3 =	vld.idx.msk [tilespmem:v3+s14+$0x0], $0xffff;
	_ =	sdelay $0x4  }
0x2c: {  	s20 =	simm.s32 $0x0;
	[tilespmem:$0xA310] =	vst v3  }
0x2d: {  	[hbm4b:s7+s20] =	stream.linear.scatter [tilespmem:s15], [sflag:$0x1], $0x20, $0x38;
	[tilespmem:$0xA400] =	vst v63  }
0x2e: {  	_ =	swait.ge [sflag:s16], $0x2710  }
0x2f: {  	[sflag:s16] =	ssyncset.done $0x0  }
0x30: {  	[sflag:s16] =	ssyncadd.s32 $0xFFFFD8F0  }
0x31: {  	_ =	swait.ge [sflag:s16], $0x2710  }
0x32: {  	[sflag:s16] =	ssyncset.done $0x0  }
0x33: {  	s31 =	simm.s32 $0x0;
	[sflag:s16] =	ssyncadd.s32 $0xFFFFD8F0  }
0x34: {  	v3 =	vld [tilespmem:s31+$0x2780];
	_ =	sdelay $0x7  }
0x35: {  	v3 =	vld.idx.msk [tilespmem:v3+s14+$0x0], $0xffff;
	_ =	sdelay $0x1  }
0x36: {  	v63 =	vld [tilespmem:s31+$0x0];
	_ =	sdelay $0x2  }
0x37: {  	vm0 =	vgt.s32 v3, $0xFFFFFFFF  }
0x38: {  	v3 =	vshll.u32 v3, $0x10;
	v5 =	vmpcnt.ones.xlane vm0  }
0x39: {  	v3 =	vor.u32 v63, v3  }
0x3a: {  	s22 =	simm.s32 $0x10;
	s21 =	simm.s32 $0x80;
	[tilespmem:s20+$0x7A80] =	vst.msk vm0, v3;
	(v2sf) =	vpush v5, $0x0  }
.LBB2_6:
0x3b: {  	p0 =	sne.s32 s21, $0x9C00;
	v3 =	vld [tilespmem:s22+$0x2780];
	_ =	sdelay $0x7  }
0x3c: {  	v3 =	vld.idx.msk [tilespmem:v3+s14+$0x0], $0xffff;
	_ =	sdelay $0x1  }
0x3d: {  	v4 =	vld [tilespmem:s22+$0x0];
	_ =	sdelay $0x2  }
.Ltmp2:
0x3e: {  	(pc) =	sbr.rel @p0 .LBB2_6-.Ltmp2, $4  }
0x3f: {  	vm0 =	vgt.s32 v3, $0xFFFFFFFF;
	v3 =	vshll.u32 v3, $0x10;
	s22 =	spop (v2sf)  }
0x40: {  	v3 =	vor.u32 v4, v3;
	v4 =	vmpcnt.ones.xlane vm0;
	s20 =	sadd.s32 s20, s22  }
0x41: {  	[tilespmem:s20+$0x7A80] =	vst.msk vm0, v3  }
0x42: {  	s22 =	sshra.s32 s21, $0x2;
	s21 =	sadd.s32 $0x40, s21;
	(v2sf) =	vpush v4, $0x0  }
0x43: {  	v3 =	vld [tilespmem:s22+$0x2780];
	_ =	sdelay $0x7  }
0x44: {  	v3 =	vld.idx.msk [tilespmem:v3+s14+$0x0], $0xffff;
	_ =	sdelay $0x4  }
0x45: {  	vm0 =	vgt.s32 v3, $0xFFFFFFFF  }
0x46: {  	v4 =	vmpcnt.ones.xlane vm0;
	_ =	sdelay $0x1  }
0x47: {  	(v2sf) =	vpush v4, $0x0;
	_ =	sdelay $0x9  }
0x48: {  	v63 =	vld [tilespmem:s22+$0x0];
	_ =	sdelay $0x3  }
0x49: {  	v3 =	vshll.u32 v3, $0x10;
	s21 =	spop (v2sf)  }
0x4a: {  	v3 =	vor.u32 v63, v3;
	s20 =	sadd.s32 s20, s21;
	s31 =	spop (v2sf)  }
0x4b: {  	[tilespmem:s20+$0x7A80] =	vst.msk vm0, v3;
	s20 =	sadd.s32 s20, s31  }
0x4c: {  	[tilespmem:s20+$0x7A80] =	vst v2;
	v3 =	vmov s20  }
0x4d: {  	[tilespmem:$0xA380] =	vst v3  }
0x4e: {  	[hbm4b:s8+s3] =	stream.linear.scatter [tilespmem:s17], [sflag:$0x2], $0x10, $0x38;
	[tilespmem:$0xA400] =	vst v63  }
0x4f: {  	_ =	swait.ge [sflag:s13], $0x10  }
0x50: {  	[sflag:s13] =	ssyncset.done $0x0  }
0x51: {  	s19 =	sadd.s32 $0x1, s19;
	[sflag:s13] =	ssyncadd.s32 $0xFFFFFFF0  }
0x52: {  	[hbm4b:s9+s3] =	stream.linear.scatter [tilespmem:s18], [sflag:$0x2], $0x2810, $0x38;
	[tilespmem:$0xA400] =	vst v63  }
0x53: {  	p0 =	sne.s32 s19, s10;
	_ =	swait.ge [sflag:s13], $0x2810  }
.Ltmp3:
0x54: {  	[sflag:s13] =	ssyncset.done $0x0;
	(pc) =	sbr.rel @p0 .LBB2_1-.Ltmp3, $4  }
0x55: {  	[sflag:s13] =	ssyncadd.s32 $0xFFFFD7F0  }
0x56: {  	_ =	swait.ge [sflag:s16], $0x20  }
0x57: {  	[sflag:s16] =	ssyncset.done $0x0  }
0x58: {  	[sflag:s16] =	ssyncadd.s32 $0xFFFFFFE0  }
0x59: {  	_ =	sfence.sel $0x180000  }
0x5a: {  	[bflag:$0x0] =	sbarrier.arrive $0xFFFF  }
0x5b: {  	p0 =	sne.s32 s1, $0x0;
	_ =	strace $0x90000047  }
0x5c: {  	s0 =	sadd.s32 @!p0 $0x100000, s0;
	[bflag:$0x2] =	sbarrier.arrive $0xFFFF  }
0x5d: {  	[sflag:s0] =	ssyncadd.tile.s32 @!p0 $0x1;
	_ =	shalt  }
.Lfunc_end2:
_tile_overlayer_lowered:
.L_overlay_start_2:
0x5e: {  	(tag) =	ssettag $0x2  }
0x5f: {  	s0 =	rddreg [dreg:$0x0];
	s2 =	stileid.u32  }
0x60: {  	s1 =	rddreg [dreg:$0x1];
	p0 =	sne.s32 s2, $0x0  }
0x61: {  	s3 =	rddreg [dreg:$0x2];
	[bflag:$0x3] =	sbarrier.arrive $0xFFFF;
	s2 =	simm.s32 @!p0 $0x1C02  }
0x62: {  	[timem:s3], [sflag:s2] =	dma.local @!p0 [hbm:s0], s1  }
0x63: {  	s0 =	simm.s32 @!p0 $0x2  }
0x64: {  	_ =	swait.ge @!p0 [sflag:s0], s1  }
0x65: {  	s1 =	ssub.s32 @!p0 $0x0, s1;
	[sflag:s0] =	ssyncset.done @!p0 $0x0  }
0x66: {  	[sflag:s0] =	ssyncadd.s32 @!p0 s1  }
0x67: {  	[bflag:$0x3] =	sbarrier.arrive $0xFFFF  }
0x68: {  	_ =	shalt  }

// kernel: kernel.9.cloned.1.call-start
scs
__scs_entry_jumppad:
0x0: {  	(pc) =	sbr.rel $0x88, $3  }
0x1: {  	(tag) =	ssettag $0x0;
	lr =	simm.s32 $0x1  }
0x2: {  	[smem:$0x3F9C] =	sst lr;
	_ =	strace $0xD0000000  }
0x3: {  	_ = 	snop  }
0x4: {  	_ = 	snop  }
0x5: {  	_ = 	snop  }
0x6: {  	_ = 	snop  }
0x7: {  	_ = 	snop  }
__scs_overlays_trampoline_lowered:
0x8: {  	[smem:$0x3FAB] =	sst s0  }
0x9: {  	[smem:$0x3FAC] =	sst s1  }
0xa: {  	[smem:$0x3FAD] =	sst s2  }
0xb: {  	[smem:$0x3FAE] =	sst s3  }
0xc: {  	[smem:$0x3FAF] =	sst s4  }
0xd: {  	[smem:$0x3FB0] =	sst s5  }
0xe: {  	[smem:$0x3FB1] =	sst s6  }
0xf: {  	[smem:$0x3FB2] =	sst s7  }
0x10: {  	[smem:$0x3FB3] =	sst s8  }
0x11: {  	[smem:$0x3FB4] =	sst s9;
	s0 =	simm.s32 @!p0 $0x0  }
0x12: {  	s1 =	sld [smem:$0x3F9A];
	s0 =	simm.s32 @p0 $0x1  }
0x13: {  	[smem:$0x3FB5] =	sst s0;
	s0 =	simm.s32 @!p1 $0x0  }
0x14: {  	s2 =	sld [smem:$0x3F99];
	s0 =	simm.s32 @p1 $0x1  }
0x15: {  	[smem:$0x3FB6] =	sst s0;
	s0 =	simm.s32 @!p2 $0x0  }
0x16: {  	s3 =	sld [smem:$0x3FDB];
	s0 =	simm.s32 @p2 $0x1  }
0x17: {  	s4 =	simm.s32 $0x1BF5;
	[smem:$0x3FB8] =	sst s0  }
0x18: {  	s0 =	sld [smem:$0x3F9B];
	_ =	swait.ge [sflag:s4], $0x0  }
0x19: {  	s7 =	sld [smem:$0x3F9C]  }
0x1a: {  	s8 =	sadd.s32 $0xFFFFE003, lr  }
0x1b: {  	s9 =	sadd.s32 $0xFFFFFEF7, lr;
	s5 =	simm.s32 $0xFFFFFFFF;
	p2 =	slt.u32 s8, $0xFFFFF086  }
0x1c: {  	p1 =	slt.u32 s9, $0xF7A;
	s5 =	simm.s32 @!p2 $0x0  }
0x1d: {  	s5 =	simm.s32 @p1 $0x1;
	p0 =	seq.s32 s7, s2  }
0x1e: {  	s7 =	smul.u32 @!p0 $0xF7A, s2;
	p2 =	seq.s32 @!p0 s5, $0x0  }
0x1f: {  	s9 =	smul.u32 $0xF7A, s1;
	s8 =	simm.s32 @!p0 $0x1BF5;
	p2 =	por !p2, p0  }
0x20: {  	[sflag:s8] =	ssyncset.s32 @!p0 $0xFFFFF086;
	s6 =	sadd.s32 @!p0 s3, s7;
	s7 =	simm.s32 @!p0 $0x108  }
0x21: {  	s3 =	sadd.s32 s3, s9;
	s6 =	sadd.s32 @!p0 $0x88, s6;
	s7 =	simm.s32 @p2 $0x1082  }
0x22: {  	[simem:s7], [sflag:s8] =	dma.local @!p0 [hbm:s6], $0xF7A  }
0x23: {  	s9 =	sor.u32 $0xD0000000, s2;
	s6 =	simm.s32 $0x108;
	_ =	swait.ge @!p0 [sflag:s8], $0x0  }
0x24: {  	s3 =	sadd.s32 $0x88, s3;
	s6 =	simm.s32 @!p1 $0x1082;
	[sflag:s4] =	ssyncset.s32 $0xFFFFF086  }
0x25: {  	[simem:s6], [sflag:s4] =	dma.local [hbm:s3], $0xF7A  }
0x26: {  	[smem:$0x3F9C] =	sst s1;
	(tag) =	ssettag s2;
	_ =	strace s9  }
0x27: {  	s1 =	sld [smem:$0x3FAC]  }
0x28: {  	s2 =	sld [smem:$0x3FAD]  }
0x29: {  	s4 =	sld [smem:$0x3FAF]  }
0x2a: {  	p0 =	seq.s32 s5, $0x0;
	s5 =	sld [smem:$0x3FB0]  }
0x2b: {  	s6 =	sld [smem:$0x3FB1]  }
0x2c: {  	s7 =	sld [smem:$0x3FB2]  }
0x2d: {  	s3 =	simm.s32 $0x108;
	s8 =	sld [smem:$0x3FB3]  }
0x2e: {  	s3 =	simm.s32 @!p0 $0x1082;
	s9 =	sld [smem:$0x3FB4]  }
0x2f: {  	lr =	sadd.s32 s0, s3;
	s0 =	sld [smem:$0x3FAB]  }
0x30: {  	s3 =	sld [smem:$0x3FAE]  }
0x31: {  	[smem:$0x3FB7] =	sst s10  }
0x32: {  	s10 =	sld [smem:$0x3FB5];
	_ =	sdelay $0x3  }
0x33: {  	p0 =	seq.s32 s10, $0x1;
	s10 =	sld [smem:$0x3FB7];
	_ =	sdelay $0x3  }
0x34: {  	[smem:$0x3FB7] =	sst s10  }
0x35: {  	s10 =	sld [smem:$0x3FB6];
	_ =	sdelay $0x3  }
0x36: {  	p1 =	seq.s32 s10, $0x1;
	s10 =	sld [smem:$0x3FB7];
	_ =	sdelay $0x3  }
0x37: {  	[smem:$0x3FB7] =	sst s10  }
0x38: {  	s10 =	sld [smem:$0x3FB8]  }
0x39: {  	_ = 	snop;
	(pc) =	sbr.ind lr, $3  }
0x3a: {  	_ = 	snop  }
0x3b: {  	_ = 	snop  }
0x3c: {  	p2 =	seq.s32 s10, $0x1;
	s10 =	sld [smem:$0x3FB7]  }
0x3d: {  	_ =	shalt  }
0x3e: {  	_ =	shalt  }
0x3f: {  	_ =	shalt  }
0x40: {  	_ =	shalt  }
0x41: {  	_ =	shalt  }
0x42: {  	_ =	shalt  }
0x43: {  	_ =	shalt  }
0x44: {  	_ =	shalt  }
0x45: {  	_ =	shalt  }
0x46: {  	_ =	shalt  }
0x47: {  	_ =	shalt  }
0x48: {  	_ =	shalt  }
0x49: {  	_ =	shalt  }
0x4a: {  	_ =	shalt  }
0x4b: {  	_ =	shalt  }
0x4c: {  	_ =	shalt  }
0x4d: {  	_ =	shalt  }
0x4e: {  	_ =	shalt  }
0x4f: {  	_ =	shalt  }
0x50: {  	_ =	shalt  }
0x51: {  	_ =	shalt  }
0x52: {  	_ =	shalt  }
0x53: {  	_ =	shalt  }
0x54: {  	_ =	shalt  }
0x55: {  	_ =	shalt  }
0x56: {  	_ =	shalt  }
0x57: {  	_ =	shalt  }
0x58: {  	_ =	shalt  }
0x59: {  	_ =	shalt  }
0x5a: {  	_ =	shalt  }
0x5b: {  	_ =	shalt  }
0x5c: {  	_ =	shalt  }
0x5d: {  	_ =	shalt  }
0x5e: {  	_ =	shalt  }
0x5f: {  	_ =	shalt  }
0x60: {  	_ =	shalt  }
0x61: {  	_ =	shalt  }
0x62: {  	_ =	shalt  }
0x63: {  	_ =	shalt  }
0x64: {  	_ =	shalt  }
0x65: {  	_ =	shalt  }
0x66: {  	_ =	shalt  }
0x67: {  	_ =	shalt  }
0x68: {  	_ =	shalt  }
0x69: {  	_ =	shalt  }
0x6a: {  	_ =	shalt  }
0x6b: {  	_ =	shalt  }
0x6c: {  	_ =	shalt  }
0x6d: {  	_ =	shalt  }
0x6e: {  	_ =	shalt  }
0x6f: {  	_ =	shalt  }
0x70: {  	_ =	shalt  }
0x71: {  	_ =	shalt  }
0x72: {  	_ =	shalt  }
0x73: {  	_ =	shalt  }
0x74: {  	_ =	shalt  }
0x75: {  	_ =	shalt  }
0x76: {  	_ =	shalt  }
0x77: {  	_ =	shalt  }
0x78: {  	_ =	shalt  }
0x79: {  	_ =	shalt  }
0x7a: {  	_ =	shalt  }
0x7b: {  	_ =	shalt  }
0x7c: {  	_ =	shalt  }
0x7d: {  	_ =	shalt  }
0x7e: {  	_ =	shalt  }
0x7f: {  	_ =	shalt  }
0x80: {  	_ =	shalt  }
0x81: {  	_ =	shalt  }
0x82: {  	_ =	shalt  }
0x83: {  	_ =	shalt  }
0x84: {  	_ =	shalt  }
0x85: {  	_ =	shalt  }
0x86: {  	_ =	shalt  }
0x87: {  	_ =	shalt  }
.Lfunc_end0:
.L_simem_size_0:
called_computation.1_lowered:
.L_overlay_start_0:
0x88: {  	s2 =	sld [smem:$0x3FD9]  }
0x89: {  	s3 =	sld [smem:$0x3FFE];
	_ =	sdelay $0x1  }
0x8a: {  	s1 =	srdreg.scid  }
0x8b: {  	s0 =	sand.u32 $0x1, s1  }
0x8c: {  	s17 =	sshll.u32 s0, $0xA;
	s2 =	sadd.s32 s3, s2  }
0x8d: {  	s2 =	sadd.s32 s2, s17  }
0x8e: {  	[smem:$0x3FC3] =	sst s2  }
0x8f: {  	_ = 	snop  }
0x90: {  	s2 =	sld [smem:$0x3FC9]  }
0x91: {  	s18 =	sld [smem:$0x3FD0];
	(tm) =	ssettm $0x1  }
0x92: {  	s4 =	sld [smem:$0x3FFB];
	_ =	sdelay $0x3  }
0x93: {  	_ =	strace s4  }
0x94: {  	s4 =	sld [smem:$0x3FFC];
	_ =	sdelay $0x3  }
0x95: {  	_ =	strace s4  }
0x96: {  	s4 =	sld [smem:$0x3FFD];
	_ =	sdelay $0x3  }
0x97: {  	_ =	strace s4  }
0x98: {  	_ =	strace $0x8FFFFFFF  }
0x99: {  	s19 =	sld [smem:$0x3FDB];
	_ =	sdelay $0x1  }
0x9a: {  	s5 =	simm.s32 $_scs_section_size  }
0x9b: {  	s6 =	simm.s32 $_size__tile_overlayer_lowered;
	s7 =	simm.s32 $_tile_overlayer_lowered  }
0x9c: {  	s22 =	simm.s32 $0x1BFF;
	s21 =	sshll.u32 s7, $0x1;
	s4 =	sadd.s32 s5, s19  }
0x9d: {  	s8 =	simm.s32 $0x0;
	s20 =	sshll.u32 s6, $0x1;
	s6 =	sadd.s32 s21, s4  }
0x9e: {  	[timem:s8], [sflag:s22] =	dma.local [hbm:s6], s20  }
0x9f: {  	_ =	swait.ge [sflag:s22], s20  }
0xa0: {  	s5 =	ssub.s32 $0x0, s20;
	[sflag:s22] =	ssyncset.done $0x0  }
0xa1: {  	[sflag:s22] =	ssyncadd.s32 s5;
	_ =	sdelay $0x1  }
0xa2: {  	s23 =	simm.s32 $0x1B8B  }
0xa3: {  	_ =	swait.ge [sflag:s23], $0x1  }
0xa4: {  	[sflag:s23] =	ssyncset.done $0x0  }
0xa5: {  	s25 =	simm.s32 $0x1B8E;
	s24 =	sld [smem:$0x3FFE];
	[sflag:s23] =	ssyncadd.s32 $0xFFFFFFFF  }
0xa6: {  	s26 =	simm.s32 $execute0_lowered;
	[smem:$0x3FD2] =	sst s25  }
0xa7: {  	s6 =	sshll.u32 s26, $0x1;
	_ =	strace $0x80000049;
	[dreg:$0x1] =	wrdreg $0xFFFFFFFF  }
0xa8: {  	s28 =	simm.s32 $_size_execute0_lowered;
	s4 =	sadd.s32 s4, s6;
	[dreg:$0x0] =	wrdreg $0x0  }
0xa9: {  	s6 =	sshll.u32 s28, $0x1;
	[dreg:$0x2] =	wrdreg s4  }
0xaa: {  	[dreg:$0x3] =	wrdreg s6  }
0xab: {  	[dreg:$0x4] =	wrdreg $0xC0  }
0xac: {  	_ =	task [dreg:s8], $0x5FFFF  }
0xad: {  	[dreg:$0x1] =	wrdreg $0xFFFFFFFF  }
0xae: {  	[dreg:$0x0] =	wrdreg $0x60  }
0xaf: {  	[dreg:$0x2] =	wrdreg s24  }
0xb0: {  	[dreg:$0x3] =	wrdreg s18  }
0xb1: {  	[dreg:$0x4] =	wrdreg s2  }
0xb2: {  	[dreg:$0x5] =	wrdreg $0x9  }
0xb3: {  	_ =	task.clear_ibuf [dreg:s8], $0x6FFFF;
	_ =	strace $0x90000049  }
0xb4: {  	s29 =	simm.s32 $0x9;
	_ =	strace $0x8000004B  }
0xb5: {  	_ =	swait.ge [sflag:s29], $0x1  }
0xb6: {  	[sflag:s29] =	ssyncadd.s32 $0xFFFFFFFF  }
0xb7: {  	_ =	strace $0x9000004B  }
0xb8: {  	_ =	sfence  }
0xb9: {  	s30 =	sld [smem:$0x0];
	_ =	sdelay $0x2  }
0xba: {  	s31 =	sshll.u32 s1, $0xD;
	s1 =	sshrl.u32 s1, $0x2  }
0xbb: {  	s3 =	sand.u32 $0x4000, s31;
	s1 =	sadd.s32 s1, s30  }
0xbc: {  	s0 =	sor.u32 s3, s0;
	s1 =	sshll.u32 s1, $0x11  }
0xbd: {  	s0 =	sor.u32 s1, s0  }
0xbe: {  	s0 =	sadd.s32 $0x8F2B, s0  }
0xbf: {  	[sflag:s0] =	ssyncadd.remote.s32 $0x1  }
0xc0: {  	_ =	sfence.sel $0xFFFF  }
0xc1: {  	[dreg:$0x0] =	wrdreg $0xFFFFFFFF;
	(pc) =	sbr.abs _section_cstart, $3  }
0xc2: {  	[dreg:$0x1] =	wrdreg $0xFFFFFFFF  }
0xc3: {  	_ =	task.clear_ibuf [dreg:s8], $0x2FFFF;
	_ =	strace $0x9FFFFFFF  }
0xc4: {  	(tm) =	ssettm $0x7FFFFFFF  }
0xc5: {  	_ =	shalt  }
tec
execute0_lowered:
.L_overlay_start_1:
0x0: {  	(tag) =	ssettag $0x1  }
0x1: {  	s0 =	srdreg.scid;
	s1 =	rddreg [dreg:$0x0]  }
0x2: {  	s2 =	rddreg [dreg:$0x1];
	s30 =	stileid.u32  }
0x3: {  	s3 =	rddreg [dreg:$0x2];
	s12 =	simm.s32 $0x80;
	s6 =	sand.u32 $0x1, s0  }
0x4: {  	s13 =	simm.s32 $0x5200;
	s14 =	simm.s32 $0x5300;
	s4 =	sshll.u32 s6, $0x4  }
0x5: {  	s15 =	simm.s32 $0x2;
	s16 =	simm.s32 $0x1200;
	s7 =	sor.u32 s30, s4  }
0x6: {  	s17 =	simm.s32 $0xD300;
	s18 =	simm.s32 $0xE700;
	s8 =	smul.u32 $0x280, s7  }
0x7: {  	s19 =	simm.s32 $0x0;
	s5 =	sadd.s32 $0x14E00, s1;
	s9 =	smul.u32 $0x28, s7  }
0x8: {  	s6 =	ssub.s32 $0x2, s6;
	s4 =	simm.s32 $0x0;
	s7 =	smul.u32 $0x280000, s7  }
.Ltmp0:
0x9: {  	v3 =	vimm.f32 $0.0e+00;
	v4 =	vlaneseq.u32;
	s31 =	sshrl.u32 s6, $0x1;
	[smem:$0x7FF] =	sst s4;
	(pc) =	sbr.rel .LBB2_1-.Ltmp0, $4  }
0xa: {  	v5 =	vimm.s32 $0x0;
	v13 =	vimm.f32 $1.000000000e+00;
	v6 =	vor.u32 $0x10, v4;
	_ =	strace $0x8000004A;
	s8 =	sadd.s32 s8, s1;
	s10 =	sshrl.u32 s9, $0x3  }
0xb: {  	v7 =	vor.u32 $0x20, v4;
	v8 =	vor.u32 $0x30, v4;
	s11 =	sadd.s32 $0x280000, s7;
	v2 =	vmov s9;
	s9 =	simm.s32 $0x3;
	s1 =	sadd.s32 s10, s1  }
0xc: {  	v9 =	vor.u32 $0x40, v4;
	v10 =	vor.u32 $0x50, v4;
	s10 =	ssub.s32 s6, s31;
	v1 =	vmov s11;
	s6 =	sadd.s32 $0x1200, s8;
	s11 =	simm.s32 $0x1  }
0xd: {  	v11 =	vor.u32 $0x60, v4;
	v12 =	vor.u32 $0x70, v4;
	v0 =	vmov s7;
	s7 =	sadd.s32 $0x6200, s1;
	s8 =	smax.u32 s10, $0x1;
	s10 =	simm.s32 $0x200  }
.LBB2_42:
0xe: {  	[hbm4b:s6+s4] =	stream.linear.scatter [tilespmem:s17], [sflag:$0x3], $0x1400, $0x38;
	[tilespmem:$0xE780] =	vst v63  }
0xf: {  	s19 =	sadd.s32 $0x1, s19;
	_ =	swait.ge [sflag:s9], $0x1400  }
0x10: {  	p0 =	sne.s32 s19, s8;
	[sflag:s9] =	ssyncset.done $0x0  }
.Ltmp1:
0x11: {  	[sflag:s9] =	ssyncadd.s32 $0xFFFFEC00;
	(pc) =	sbr.rel @!p0 .LBB2_43-.Ltmp1, $4  }
0x12: {  	[hbm4b:s7+s4] =	stream.linear.scatter [tilespmem:s18], [sflag:$0x3], $0x28, $0x38;
	[tilespmem:$0xE780] =	vst v63  }
0x13: {  	_ =	swait.ge [sflag:s9], $0x28  }
0x14: {  	[sflag:s9] =	ssyncset.done $0x0  }
0x15: {  	[sflag:s9] =	ssyncadd.s32 $0xFFFFFFD8  }
.LBB2_1:
0x16: {  	[tilespmem:s4], [sflag:$0x3] =	stream.linear.gather [hbm4b:s2+s4], $0x200, $0x38;
	[tilespmem:$0xE780] =	vst v63  }
0x17: {  	_ =	swait.ge [sflag:s9], $0x200  }
0x18: {  	[sflag:s9] =	ssyncset.done $0x0  }
0x19: {  	s20 =	simm.s32 $0x70;
	s1 =	simm.s32 $0x3C0;
	[sflag:s9] =	ssyncadd.s32 $0xFFFFFE00  }
.LBB2_2:
0x1a: {  	p0 =	sne.s32 s1, $0x4FC0;
	[tilespmem:s20+$0xD300] =	vst v3  }
0x1b: {  	[tilespmem:s20+$0xD290] =	vst v3  }
0x1c: {  	[tilespmem:s20+$0xD2A0] =	vst v3  }
.Ltmp2:
0x1d: {  	[tilespmem:s20+$0xD2B0] =	vst v3;
	(pc) =	sbr.rel @p0 .LBB2_2-.Ltmp2, $4  }
0x1e: {  	[tilespmem:s20+$0xD2C0] =	vst v3  }
0x1f: {  	[tilespmem:s20+$0xD2D0] =	vst v3  }
0x20: {  	[tilespmem:s20+$0xD2E0] =	vst v3  }
0x21: {  	[tilespmem:s20+$0xD2F0] =	vst v3;
	s20 =	sshra.s32 s1, $0x2;
	s1 =	sadd.s32 $0x200, s1  }
0x22: {  	[tilespmem:s20+$0xD300] =	vst v3  }
0x23: {  	[tilespmem:s20+$0xD290] =	vst v3  }
0x24: {  	[tilespmem:s20+$0xD2A0] =	vst v3  }
0x25: {  	[tilespmem:s20+$0xD2B0] =	vst v3  }
0x26: {  	[tilespmem:s20+$0xD2C0] =	vst v3  }
0x27: {  	[tilespmem:s20+$0xD2D0] =	vst v3  }
0x28: {  	[tilespmem:s20+$0xD2E0] =	vst v3  }
0x29: {  	[tilespmem:s20+$0xD2F0] =	vst v3  }
0x2a: {  	[tilespmem:$0xE700] =	vst v3  }
0x2b: {  	[tilespmem:$0xE710] =	vst v3  }
0x2c: {  	[tilespmem:$0xE720] =	vst v3  }
0x2d: {  	[tilespmem:$0x1200] =	vst v5  }
0x2e: {  	[tilespmem:$0x1210] =	vst v5  }
0x2f: {  	[tilespmem:$0x1220] =	vst v5  }
0x30: {  	[tilespmem:$0x1230] =	vst v5  }
.Ltmp3:
0x31: {  	[tilespmem:$0x1240] =	vst v5;
	(pc) =	sbr.rel .LBB2_4-.Ltmp3, $4  }
0x32: {  	[tilespmem:$0x1250] =	vst v5  }
0x33: {  	[tilespmem:$0x1260] =	vst v5  }
0x34: {  	s20 =	simm.s32 $0x0;
	p0 =	por $0x0, $0x0;
	s24 =	simm.s32 $0x0;
	[tilespmem:$0x1270] =	vst v5  }
0x35: {  	[tilespmem:s10], [sflag:$0x1] =	stream.linear.gather [hbm4b:s5+s20], $0x800, $0x38;
	[tilespmem:$0xE780] =	vst v63  }
.LBB2_25:
0x36: {  	v14 =	vld [tilespmem:s22+$0x1200];
	_ =	sdelay $0x4  }
0x37: {  	[tilespmem:$0x1200] =	vst v14  }
0x38: {  	v14 =	vld [tilespmem:s22+$0x1210];
	_ =	sdelay $0x4  }
0x39: {  	[tilespmem:$0x1210] =	vst v14  }
0x3a: {  	v14 =	vld [tilespmem:s22+$0x1220];
	_ =	sdelay $0x4  }
0x3b: {  	[tilespmem:$0x1220] =	vst v14  }
0x3c: {  	v14 =	vld [tilespmem:s22+$0x1230];
	_ =	sdelay $0x4  }
0x3d: {  	[tilespmem:$0x1230] =	vst v14  }
0x3e: {  	v14 =	vld [tilespmem:s22+$0x1240];
	_ =	sdelay $0x4  }
0x3f: {  	[tilespmem:$0x1240] =	vst v14  }
0x40: {  	v14 =	vld [tilespmem:s22+$0x1250];
	_ =	sdelay $0x4  }
0x41: {  	[tilespmem:$0x1250] =	vst v14  }
0x42: {  	v14 =	vld [tilespmem:s22+$0x1260];
	_ =	sdelay $0x4  }
0x43: {  	[tilespmem:$0x1260] =	vst v14  }
0x44: {  	v14 =	vld [tilespmem:s22+$0x1270];
	_ =	sdelay $0x4  }
0x45: {  	s20 =	sand.u32 $0x7F, s20;
	[tilespmem:$0x1270] =	vst v14  }
.LBB2_26:
0x46: {  	p1 =	sne.s32 s21, $0x20  }
.Ltmp4:
0x47: {  	_ = 	snop;
	(pc) =	sbr.rel @!p1 .LBB2_27-.Ltmp4, $2  }
0x48: {  	_ =	sdelay $0x2  }
0x49: {  	p0 =	por !p0, !p0;
	s24 =	smov.u32 s21  }
.LBB2_4:
0x4a: {  	s1 =	sshll.u32 s24, $0x4  }
0x4b: {  	s1 =	sand.u32 $0x3FFFFFF0, s1  }
0x4c: {  	v14 =	vld [tilespmem:s1+$0x0];
	_ =	sdelay $0x4  }
0x4d: {  	(v2sf) =	vpush v14, $0x0;
	_ =	sdelay $0xd  }
0x4e: {  	s21 =	sadd.s32 $0x1, s24;
	p1 =	seq.s32 s24, $0x1F  }
0x4f: {  	s26 =	sshll.u32 s24, $0xB;
	s23 =	smul.u32 @!p1 $0x502, s21;
	s22 =	spop (v2sf)  }
0x50: {  	s25 =	sand.u32 $0x800, s26;
	s26 =	simm.s32 @!p1 $0x0;
	_ =	swait.ge [sflag:s11], $0x800  }
0x51: {  	s1 =	ssub.s32 @!p1 $0xA00, s25;
	s28 =	sadd.s32 $0xF, s22;
	[sflag:s11] =	ssyncset.done $0x0  }
0x52: {  	s23 =	sadd.s32 @!p1 s5, s23;
	s29 =	sand.u32 $0xF, s28;
	[sflag:s11] =	ssyncadd.s32 $0xFFFFF800  }
0x53: {  	[tilespmem:s1], [sflag:$0x1] =	stream.linear.gather @!p1 [hbm4b:s23+s26], $0x800, $0x38;
	[tilespmem:$0xE780] =	vst v63  }
0x54: {  	s30 =	sshra.s32 s28, $0x1F;
	p2 =	slt.s32 s28, $0x1;
	p1 =	sne.s32 s29, $0x0  }
0x55: {  	s31 =	sshrl.u32 s30, $0x1C;
	p2 =	por !p2, !p1  }
0x56: {  	s1 =	sadd.s32 s31, s28;
	s23 =	simm.s32 $0x1;
	p2 =	por !p2, !p2  }
0x57: {  	s1 =	sshra.s32 s1, $0x4;
	s23 =	simm.s32 @!p2 $0x0  }
0x58: {  	s1 =	ssub.s32 s1, s23  }
0x59: {  	p2 =	slt.s32 s1, $0x1  }
.Ltmp5:
0x5a: {  	_ = 	snop;
	(pc) =	sbr.rel @p2 .LBB2_11-.Ltmp5, $4  }
0x5b: {  	_ = 	snop  }
0x5c: {  	s26 =	simm.s32 $0x1  }
0x5d: {  	s26 =	simm.s32 @!p0 $0x0  }
0x5e: {  	s23 =	sshll.u32 s26, $0xB  }
0x5f: {  	s1 =	smin.u32 s1, $0x80  }
0x60: {  	p3 =	sne.s32 s1, $0x1  }
.Ltmp6:
0x61: {  	_ = 	snop;
	(pc) =	sbr.rel @!p3 .LBB2_6-.Ltmp6, $3  }
0x62: {  	_ =	sdelay $0x1  }
0x63: {  	s26 =	simm.s32 $0x0  }
0x64: {  	s30 =	sadd.s32 $0x0, s23;
	p2 =	por $0x0, $0x0;
	s1 =	sadd.s32 $0xFFFFFFFF, s1  }
0x65: {  	s28 =	sand.u32 $0xFFFFFF80, s30;
	s26 =	sand.u32 $0x70, s26  }
0x66: {  	s26 =	sor.u32 s26, s28  }
0x67: {  	v14 =	vld [tilespmem:s26+$0x200];
	_ =	sdelay $0x4  }
0x68: {  	vm0 =	vge.s32 v14, v0;
	vm1 =	vlt.s32 v14, v1  }
0x69: {  	vm0 =	vmand vm0, vm1  }
0x6a: {  	v15 =	vmpcnt.ones.xlane vm0  }
0x6b: {  	p3 =	sne.s32 s1, $0x1  }
.Ltmp7:
0x6c: {  	(v2sf) =	vpush v15, $0x0;
	(pc) =	sbr.rel @!p3 .LBB2_8-.Ltmp7, $3  }
0x6d: {  	_ =	sdelay $0x1  }
0x6e: {  	s30 =	sadd.s32 $0x10, s23;
	s29 =	sadd.s32 $0xFFFFFFFF, s1  }
0x6f: {  	p2 =	por $0x1, $0x1;
	s28 =	smov.u32 s20;
	s26 =	simm.s32 $0x10;
	[tilespmem:s20+$0x1200] =	vst.msk vm0, v14  }
.LBB2_9:
0x70: {  	p3 =	sne.s32 s29, $0x1;
	s1 =	sand.u32 $0xFFFFFF80, s30;
	s30 =	sand.u32 $0x70, s26  }
0x71: {  	s1 =	sor.u32 s30, s1  }
0x72: {  	v14 =	vld [tilespmem:s1+$0x200];
	_ =	sdelay $0x4  }
0x73: {  	vm0 =	vge.s32 v14, v0;
	vm1 =	vlt.s32 v14, v1  }
0x74: {  	vm0 =	vmand vm0, vm1  }
0x75: {  	v15 =	vmpcnt.ones.xlane vm0  }
0x76: {  	s1 =	spop (v2sf)  }
.Ltmp8:
0x77: {  	(v2sf) =	vpush v15, $0x0;
	s28 =	sadd.s32 s28, s1;
	(pc) =	sbr.rel @p3 .LBB2_9-.Ltmp8, $3  }
0x78: {  	[tilespmem:s28+$0x1200] =	vst.msk vm0, v14;
	_ =	sdelay $0x1  }
0x79: {  	s26 =	sadd.s32 $0x10, s26  }
0x7a: {  	s29 =	sadd.s32 $0xFFFFFFFF, s29;
	s30 =	sadd.s32 s26, s23  }
.LBB2_10:
0x7b: {  	s1 =	sand.u32 $0xFFFFFF80, s30;
	s26 =	sand.u32 $0x70, s26  }
0x7c: {  	s1 =	sor.u32 s26, s1  }
0x7d: {  	v14 =	vld [tilespmem:s1+$0x200];
	_ =	sdelay $0x4  }
0x7e: {  	vm0 =	vge.s32 v14, v0;
	vm1 =	vlt.s32 v14, v1  }
0x7f: {  	vm0 =	vmand vm0, vm1  }
0x80: {  	v15 =	vmpcnt.ones.xlane vm0;
	_ =	sdelay $0x1  }
0x81: {  	(v2sf) =	vpush v15, $0x0;
	_ =	sdelay $0xc  }
0x82: {  	s1 =	spop @p2 (v2sf)  }
0x83: {  	s1 =	sadd.s32 @p2 s28, s1  }
0x84: {  	s20 =	smov.u32 @p2 s1;
	s31 =	spop (v2sf)  }
0x85: {  	[tilespmem:s20+$0x1200] =	vst.msk vm0, v14;
	s20 =	sadd.s32 s20, s31  }
.LBB2_11:
0x86: {  	s1 =	sadd.s32 $0x7FF, s22  }
0x87: {  	s26 =	sand.u32 $0x7FF, s1  }
0x88: {  	s28 =	sshra.s32 s1, $0x1F;
	p2 =	slt.s32 s1, $0x1;
	p3 =	sne.s32 s26, $0x0  }
0x89: {  	s31 =	sshrl.u32 s28, $0x15;
	p2 =	por !p2, !p3  }
0x8a: {  	s26 =	simm.s32 $0x1;
	s1 =	sadd.s32 s31, s1;
	p2 =	por !p2, !p2  }
0x8b: {  	s1 =	sshra.s32 s1, $0xB;
	s26 =	simm.s32 @!p2 $0x0  }
0x8c: {  	s26 =	ssub.s32 s1, s26  }
0x8d: {  	p2 =	slt.s32 s26, $0x2  }
.Ltmp9:
0x8e: {  	_ = 	snop;
	(pc) =	sbr.rel @p2 .LBB2_21-.Ltmp9, $1  }
0x8f: {  	_ =	sdelay $0x3  }
.Ltmp10:
0x90: {  	(pc) =	sbr.rel .LBB2_13-.Ltmp10, $2  }
0x91: {  	_ =	sdelay $0x2  }
0x92: {  	s24 =	smul.u32 $0x2810, s24;
	s25 =	sor.u32 $0x200, s25;
	s28 =	simm.s32 $0x1  }
.LBB2_15:
0x93: {  	s30 =	smov.u32 s20  }
.LBB2_19:
0x94: {  	s0 =	sand.u32 $0xFFFFFF80, s1;
	s29 =	sand.u32 $0x70, s29  }
0x95: {  	s0 =	sor.u32 s29, s0  }
0x96: {  	v14 =	vld [tilespmem:s0+$0x200];
	_ =	sdelay $0x4  }
0x97: {  	vm0 =	vge.s32 v14, v0;
	vm1 =	vlt.s32 v14, v1  }
0x98: {  	vm0 =	vmand vm0, vm1  }
0x99: {  	v15 =	vmpcnt.ones.xlane vm0;
	_ =	sdelay $0x1  }
0x9a: {  	(v2sf) =	vpush v15, $0x0;
	_ =	sdelay $0xc  }
0x9b: {  	s0 =	spop @p2 (v2sf)  }
0x9c: {  	s0 =	sadd.s32 @p2 s30, s0  }
0x9d: {  	s20 =	smov.u32 @p2 s0;
	s31 =	spop (v2sf)  }
0x9e: {  	[tilespmem:s20+$0x1200] =	vst.msk vm0, v14;
	s20 =	sadd.s32 s20, s31  }
.LBB2_20:
0x9f: {  	s28 =	sadd.s32 $0x1, s28  }
0xa0: {  	p2 =	sne.s32 s28, s26  }
.Ltmp11:
0xa1: {  	_ = 	snop;
	(pc) =	sbr.rel @!p2 .LBB2_21-.Ltmp11, $1  }
0xa2: {  	_ =	sdelay $0x3  }
.LBB2_13:
0xa3: {  	s1 =	sshll.u32 s28, $0xB  }
0xa4: {  	s29 =	sadd.s32 s24, s1;
	s1 =	ssub.s32 s22, s1  }
0xa5: {  	s29 =	sshrl.u32 s29, $0x3;
	s1 =	sadd.s32 $0xF, s1  }
0xa6: {  	s29 =	sadd.s32 s5, s29;
	s31 =	sshra.s32 s1, $0x1F;
	p2 =	slt.s32 s1, $0x1  }
0xa7: {  	[tilespmem:s25], [sflag:$0x1] =	stream.linear.gather [hbm4b:s29+s4], $0x800, $0x38;
	[tilespmem:$0xE780] =	vst v63  }
0xa8: {  	s29 =	sshrl.u32 s31, $0x1C;
	p2 =	por !p2, !p1  }
0xa9: {  	s1 =	sadd.s32 s29, s1;
	p2 =	por !p2, !p2;
	s29 =	simm.s32 $0x1  }
0xaa: {  	s1 =	sshra.s32 s1, $0x4;
	s29 =	simm.s32 @!p2 $0x0  }
0xab: {  	s1 =	ssub.s32 s1, s29  }
0xac: {  	p2 =	slt.s32 s1, $0x1  }
.Ltmp12:
0xad: {  	_ = 	snop;
	(pc) =	sbr.rel @p2 .LBB2_20-.Ltmp12, $4  }
0xae: {  	_ = 	snop  }
0xaf: {  	_ =	swait.ge [sflag:s11], $0x800  }
0xb0: {  	[sflag:s11] =	ssyncset.done $0x0  }
0xb1: {  	[sflag:s11] =	ssyncadd.s32 $0xFFFFF800  }
0xb2: {  	s30 =	smin.u32 s1, $0x80  }
0xb3: {  	p3 =	sne.s32 s30, $0x1  }
.Ltmp13:
0xb4: {  	_ = 	snop;
	(pc) =	sbr.rel @!p3 .LBB2_15-.Ltmp13, $3  }
0xb5: {  	_ =	sdelay $0x1  }
0xb6: {  	s29 =	simm.s32 $0x0  }
0xb7: {  	s1 =	sadd.s32 $0x0, s23;
	p2 =	por $0x0, $0x0;
	s30 =	sadd.s32 $0xFFFFFFFF, s30  }
0xb8: {  	s1 =	sand.u32 $0xFFFFFF80, s1;
	s29 =	sand.u32 $0x70, s29  }
0xb9: {  	s1 =	sor.u32 s29, s1  }
0xba: {  	v14 =	vld [tilespmem:s1+$0x200];
	_ =	sdelay $0x4  }
0xbb: {  	vm0 =	vge.s32 v14, v0;
	vm1 =	vlt.s32 v14, v1  }
0xbc: {  	vm0 =	vmand vm0, vm1  }
0xbd: {  	v15 =	vmpcnt.ones.xlane vm0  }
0xbe: {  	p3 =	sne.s32 s30, $0x1  }
.Ltmp14:
0xbf: {  	(v2sf) =	vpush v15, $0x0;
	(pc) =	sbr.rel @!p3 .LBB2_17-.Ltmp14, $3  }
0xc0: {  	_ =	sdelay $0x1  }
0xc1: {  	s31 =	sadd.s32 $0xFFFFFFFF, s30;
	p2 =	por $0x1, $0x1  }
0xc2: {  	s30 =	smov.u32 s20;
	s29 =	simm.s32 $0x10;
	s1 =	sadd.s32 $0x10, s23;
	[tilespmem:s20+$0x1200] =	vst.msk vm0, v14  }
.LBB2_18:
0xc3: {  	p3 =	sne.s32 s31, $0x1;
	s1 =	sand.u32 $0xFFFFFF80, s1;
	s0 =	sand.u32 $0x70, s29  }
0xc4: {  	s0 =	sor.u32 s0, s1  }
0xc5: {  	v14 =	vld [tilespmem:s0+$0x200];
	_ =	sdelay $0x4  }
0xc6: {  	vm0 =	vge.s32 v14, v0;
	vm1 =	vlt.s32 v14, v1  }
0xc7: {  	vm0 =	vmand vm0, vm1  }
0xc8: {  	v15 =	vmpcnt.ones.xlane vm0  }
0xc9: {  	s0 =	spop (v2sf)  }
.Ltmp15:
0xca: {  	(v2sf) =	vpush v15, $0x0;
	s30 =	sadd.s32 s30, s0;
	(pc) =	sbr.rel @p3 .LBB2_18-.Ltmp15, $3  }
0xcb: {  	[tilespmem:s30+$0x1200] =	vst.msk vm0, v14;
	_ =	sdelay $0x1  }
0xcc: {  	s29 =	sadd.s32 $0x10, s29  }
0xcd: {  	s31 =	sadd.s32 $0xFFFFFFFF, s31;
	s1 =	sadd.s32 s29, s23  }
.Ltmp16:
0xce: {  	_ = 	snop;
	(pc) =	sbr.rel .LBB2_19-.Ltmp16, $1  }
0xcf: {  	_ =	sdelay $0x3  }
.LBB2_17:
.Ltmp17:
0xd0: {  	(pc) =	sbr.rel .LBB2_19-.Ltmp17, $2  }
0xd1: {  	_ =	sdelay $0x2  }
0xd2: {  	s30 =	smov.u32 s20  }
.LBB2_21:
0xd3: {  	p1 =	slt.s32 s20, $0x17F0  }
.Ltmp18:
0xd4: {  	_ = 	snop;
	(pc) =	sbr.rel @p1 .LBB2_26-.Ltmp18, $1  }
0xd5: {  	_ =	sdelay $0x3  }
0xd6: {  	v14 =	vld [tilespmem:$0x1200]  }
0xd7: {  	v15 =	vld [tilespmem:$0x1210]  }
0xd8: {  	v16 =	vld [tilespmem:$0x1220]  }
0xd9: {  	v17 =	vld [tilespmem:$0x1230]  }
0xda: {  	v18 =	vld [tilespmem:$0x1240]  }
0xdb: {  	v19 =	vld [tilespmem:$0x1250];
	v14 =	vand.u32 $0xFFFF, v14  }
0xdc: {  	[tilespmem:$0x5200] =	vst v14;
	v14 =	vand.u32 $0xFFFF, v15;
	v15 =	vld [tilespmem:$0x1260]  }
0xdd: {  	v63 =	vld [tilespmem:$0x1270];
	[tilespmem:$0x5210] =	vst v14;
	v14 =	vand.u32 $0xFFFF, v16  }
0xde: {  	[tilespmem:$0x5220] =	vst v14;
	v14 =	vand.u32 $0xFFFF, v17  }
0xdf: {  	[tilespmem:$0x5230] =	vst v14;
	v14 =	vand.u32 $0xFFFF, v18  }
.Ltmp19:
0xe0: {  	[tilespmem:$0x5240] =	vst v14;
	v14 =	vand.u32 $0xFFFF, v19;
	(pc) =	sbr.rel .LBB2_23-.Ltmp19, $4  }
0xe1: {  	[tilespmem:$0x5250] =	vst v14;
	v14 =	vand.u32 $0xFFFF, v15  }
0xe2: {  	s23 =	sshrl.u32 s20, $0x7;
	s22 =	sand.u32 $0x7FFFFF80, s20;
	s24 =	simm.s32 $0x0;
	[tilespmem:$0x5260] =	vst v14;
	v14 =	vand.u32 $0xFFFF, v63  }
0xe3: {  	p1 =	por $0x0, $0x0;
	s25 =	simm.s32 $0x0;
	s26 =	smov.u32 s22;
	[tilespmem:$0x5270] =	vst v14  }
0xe4: {  	[tilespmem:s14], [sflag:$0x2] =	stream.indirect.gather [hbm4b:s3+s12], $0x80, s13, s12, $0xb8;
	[tilespmem:$0xE780] =	vst v63  }
.LBB2_29:
0xe5: {  	s29 =	smov.u32 s28  }
.LBB2_33:
0xe6: {  	_ =	sdelay $0x3  }
0xe7: {  	[tilespmem:v14+s18+$0x0] =	vst.idx.add.f32.msk @p2 $0x1, v13  }
0xe8: {  	v14 =	vld.idx.msk [tilespmem:v15+s16+$0x0], $0xffff;
	_ =	sdelay $0x4  }
0xe9: {  	v14 =	vshra.s32 v14, $0x10  }
0xea: {  	s0 =	sadd.s32 @p2 $0x80, s29;
	v14 =	vsub.s32 v14, v2  }
0xeb: {  	s28 =	smov.u32 @p2 s0;
	v15 =	vshll.u32 v14, $0x7  }
0xec: {  	v16 =	vld [tilespmem:s28+$0xFFFFFFC0];
	v17 =	vor.u32 v4, v15;
	_ =	sdelay $0x4  }
0xed: {  	[tilespmem:v17+s17+$0x0] =	vst.idx.add.f32.msk $0xffff, v16  }
0xee: {  	v58 =	vor.u32 v6, v15;
	v16 =	vld [tilespmem:s28+$0xFFFFFFD0];
	_ =	sdelay $0x4  }
0xef: {  	[tilespmem:v58+s17+$0x0] =	vst.idx.add.f32.msk $0xffff, v16  }
0xf0: {  	v59 =	vor.u32 v7, v15;
	v16 =	vld [tilespmem:s28+$0xFFFFFFE0];
	_ =	sdelay $0x4  }
0xf1: {  	[tilespmem:v59+s17+$0x0] =	vst.idx.add.f32.msk $0xffff, v16  }
0xf2: {  	v60 =	vor.u32 v8, v15;
	v16 =	vld [tilespmem:s28+$0xFFFFFFF0];
	_ =	sdelay $0x4  }
0xf3: {  	[tilespmem:v60+s17+$0x0] =	vst.idx.add.f32.msk $0xffff, v16  }
0xf4: {  	v61 =	vor.u32 v9, v15;
	v16 =	vld [tilespmem:s28+$0x0];
	_ =	sdelay $0x4  }
0xf5: {  	[tilespmem:v61+s17+$0x0] =	vst.idx.add.f32.msk $0xffff, v16  }
0xf6: {  	v62 =	vor.u32 v10, v15;
	v16 =	vld [tilespmem:s28+$0x10];
	_ =	sdelay $0x4  }
0xf7: {  	[tilespmem:v62+s17+$0x0] =	vst.idx.add.f32.msk $0xffff, v16  }
0xf8: {  	v63 =	vor.u32 v11, v15;
	v16 =	vld [tilespmem:s28+$0x20];
	_ =	sdelay $0x4  }
0xf9: {  	[tilespmem:v63+s17+$0x0] =	vst.idx.add.f32.msk $0xffff, v16  }
0xfa: {  	v15 =	vor.u32 v12, v15;
	v16 =	vld [tilespmem:s28+$0x30];
	_ =	sdelay $0x4  }
0xfb: {  	[tilespmem:v15+s17+$0x0] =	vst.idx.add.f32.msk $0xffff, v16  }
0xfc: {  	[tilespmem:v14+s18+$0x0] =	vst.idx.add.f32.msk $0x1, v13  }
.LBB2_24:
0xfd: {  	p2 =	sne.s32 s24, s23  }
.Ltmp20:
0xfe: {  	_ = 	snop;
	(pc) =	sbr.rel @!p2 .LBB2_25-.Ltmp20, $2  }
0xff: {  	_ =	sdelay $0x2  }
0x100: {  	s26 =	sadd.s32 $0xFFFFFF80, s26;
	s25 =	sadd.s32 $0x80, s25;
	p1 =	por !p1, !p1  }
.LBB2_23:
0x101: {  	s0 =	smov.u32 s24;
	s24 =	sadd.s32 $0x1, s24  }
0x102: {  	_ =	swait.ge [sflag:s15], $0x4000;
	p2 =	sge.u32 s24, s23  }
0x103: {  	[sflag:s15] =	ssyncset.done $0x0;
	s1 =	sshll.u32 @!p2 s24, $0x9  }
0x104: {  	[sflag:s15] =	ssyncadd.s32 $0xFFFFC000;
	s1 =	sshra.s32 @!p2 s1, $0x2  }
0x105: {  	v14 =	vld @!p2 [tilespmem:s1+$0x1200];
	_ =	sdelay $0x2  }
0x106: {  	s28 =	sand.u32 $0x1, s0  }
0x107: {  	s28 =	sxor.u32 @!p2 $0x1, s28  }
0x108: {  	s29 =	sshll.u32 @!p2 s28, $0x7;
	v14 =	vand.u32 @!p2 $0xFFFF, v14  }
0x109: {  	[tilespmem:s29+$0x5200] =	vst @!p2 v14  }
0x10a: {  	v14 =	vld @!p2 [tilespmem:s1+$0x1210];
	_ =	sdelay $0x4  }
0x10b: {  	v14 =	vand.u32 @!p2 $0xFFFF, v14  }
0x10c: {  	[tilespmem:s29+$0x5210] =	vst @!p2 v14  }
0x10d: {  	v14 =	vld @!p2 [tilespmem:s1+$0x1220];
	_ =	sdelay $0x4  }
0x10e: {  	v14 =	vand.u32 @!p2 $0xFFFF, v14  }
0x10f: {  	[tilespmem:s29+$0x5220] =	vst @!p2 v14  }
0x110: {  	v14 =	vld @!p2 [tilespmem:s1+$0x1230];
	_ =	sdelay $0x4  }
0x111: {  	v14 =	vand.u32 @!p2 $0xFFFF, v14  }
0x112: {  	[tilespmem:s29+$0x5230] =	vst @!p2 v14  }
0x113: {  	v14 =	vld @!p2 [tilespmem:s1+$0x1240];
	_ =	sdelay $0x4  }
0x114: {  	v14 =	vand.u32 @!p2 $0xFFFF, v14  }
0x115: {  	[tilespmem:s29+$0x5240] =	vst @!p2 v14  }
0x116: {  	v14 =	vld @!p2 [tilespmem:s1+$0x1250];
	_ =	sdelay $0x4  }
0x117: {  	v14 =	vand.u32 @!p2 $0xFFFF, v14  }
0x118: {  	[tilespmem:s29+$0x5250] =	vst @!p2 v14  }
0x119: {  	v14 =	vld @!p2 [tilespmem:s1+$0x1260];
	_ =	sdelay $0x4  }
0x11a: {  	v14 =	vand.u32 @!p2 $0xFFFF, v14  }
0x11b: {  	[tilespmem:s29+$0x5260] =	vst @!p2 v14  }
0x11c: {  	v14 =	vld @!p2 [tilespmem:s1+$0x1270];
	_ =	sdelay $0x3  }
0x11d: {  	s0 =	sshll.u32 s0, $0x7  }
0x11e: {  	s0 =	ssub.s32 s22, s0;
	s1 =	sshll.u32 @!p2 s28, $0xE;
	v14 =	vand.u32 @!p2 $0xFFFF, v14  }
0x11f: {  	s28 =	sor.u32 @!p2 $0x5200, s29;
	s1 =	sadd.s32 @!p2 $0x5300, s1;
	[tilespmem:s29+$0x5270] =	vst @!p2 v14;
	s29 =	simm.s32 @!p2 $0x80  }
0x120: {  	[tilespmem:s1], [sflag:$0x2] =	stream.indirect.gather @!p2 [hbm4b:s3+s29], $0x80, s28, s29, $0xb8;
	[tilespmem:$0xE780] =	vst v63  }
0x121: {  	p2 =	slt.s32 s0, $0x1  }
.Ltmp21:
0x122: {  	_ = 	snop;
	(pc) =	sbr.rel @p2 .LBB2_24-.Ltmp21, $1  }
0x123: {  	_ =	sdelay $0x3  }
0x124: {  	p2 =	sgt.s32 s26, $0x1;
	s0 =	smov.u32 s26  }
0x125: {  	s0 =	simm.s32 @!p2 $0x1  }
0x126: {  	s0 =	smin.u32 s0, $0x80  }
0x127: {  	p3 =	seq.s32 s0, $0x1  }
.Ltmp22:
0x128: {  	_ = 	snop;
	(pc) =	sbr.rel @p3 .LBB2_29-.Ltmp22, $4  }
0x129: {  	s1 =	simm.s32 $0x1  }
0x12a: {  	s1 =	simm.s32 @!p1 $0x0  }
0x12b: {  	s1 =	sshll.u32 s1, $0xE  }
0x12c: {  	v15 =	vmov s25;
	p2 =	por $0x0, $0x0;
	s28 =	sadd.s32 $0x5340, s1;
	s29 =	sadd.s32 $0xFFFFFFFF, s0  }
0x12d: {  	_ =	sdelay $0x3  }
0x12e: {  	v14 =	vld.idx.msk [tilespmem:v15+s16+$0x0], $0xffff;
	_ =	sdelay $0x4  }
0x12f: {  	v14 =	vshra.s32 v14, $0x10  }
0x130: {  	v14 =	vsub.s32 v14, v2  }
0x131: {  	v15 =	vshll.u32 v14, $0x7  }
0x132: {  	v16 =	vld [tilespmem:s28+$0xFFFFFFC0];
	v17 =	vor.u32 v4, v15;
	_ =	sdelay $0x4  }
0x133: {  	[tilespmem:v17+s17+$0x0] =	vst.idx.add.f32.msk $0xffff, v16  }
0x134: {  	v17 =	vor.u32 v6, v15;
	v16 =	vld [tilespmem:s28+$0xFFFFFFD0];
	_ =	sdelay $0x4  }
0x135: {  	[tilespmem:v17+s17+$0x0] =	vst.idx.add.f32.msk $0xffff, v16  }
0x136: {  	v17 =	vor.u32 v7, v15;
	v16 =	vld [tilespmem:s28+$0xFFFFFFE0];
	_ =	sdelay $0x4  }
0x137: {  	[tilespmem:v17+s17+$0x0] =	vst.idx.add.f32.msk $0xffff, v16  }
0x138: {  	v17 =	vor.u32 v8, v15;
	v16 =	vld [tilespmem:s28+$0xFFFFFFF0];
	_ =	sdelay $0x4  }
0x139: {  	[tilespmem:v17+s17+$0x0] =	vst.idx.add.f32.msk $0xffff, v16  }
0x13a: {  	v17 =	vor.u32 v9, v15;
	v16 =	vld [tilespmem:s28+$0x0];
	_ =	sdelay $0x4  }
0x13b: {  	[tilespmem:v17+s17+$0x0] =	vst.idx.add.f32.msk $0xffff, v16  }
0x13c: {  	v17 =	vor.u32 v10, v15;
	v16 =	vld [tilespmem:s28+$0x10];
	_ =	sdelay $0x4  }
0x13d: {  	[tilespmem:v17+s17+$0x0] =	vst.idx.add.f32.msk $0xffff, v16  }
0x13e: {  	v17 =	vor.u32 v11, v15;
	v16 =	vld [tilespmem:s28+$0x20];
	_ =	sdelay $0x4  }
0x13f: {  	[tilespmem:v17+s17+$0x0] =	vst.idx.add.f32.msk $0xffff, v16  }
0x140: {  	p3 =	seq.s32 s29, $0x1;
	v17 =	vor.u32 v12, v15;
	v16 =	vld [tilespmem:s28+$0x30]  }
.Ltmp23:
0x141: {  	s30 =	sadd.s32 $0x1, s25;
	(pc) =	sbr.rel @p3 .LBB2_31-.Ltmp23, $2  }
0x142: {  	v15 =	vmov s30;
	_ =	sdelay $0x2  }
0x143: {  	s31 =	sadd.s32 $0xFFFFFFFF, s29;
	p2 =	por $0x1, $0x1;
	s29 =	smov.u32 s28;
	[tilespmem:v17+s17+$0x0] =	vst.idx.add.f32.msk $0xffff, v16  }
.LBB2_32:
0x144: {  	p3 =	seq.s32 s31, $0x1;
	s31 =	sadd.s32 $0xFFFFFFFF, s31;
	[tilespmem:v14+s18+$0x0] =	vst.idx.add.f32.msk $0x1, v13;
	s29 =	sadd.s32 $0x80, s29  }
0x145: {  	v14 =	vld.idx.msk [tilespmem:v15+s16+$0x0], $0xffff;
	_ =	sdelay $0x5  }
0x146: {  	v14 =	vshra.s32 v14, $0x10  }
0x147: {  	v14 =	vsub.s32 v14, v2  }
0x148: {  	v15 =	vshll.u32 v14, $0x7  }
0x149: {  	v17 =	vor.u32 v4, v15;
	v16 =	vld [tilespmem:s29+$0xFFFFFFC0];
	_ =	sdelay $0x4  }
0x14a: {  	[tilespmem:v17+s17+$0x0] =	vst.idx.add.f32.msk $0xffff, v16  }
0x14b: {  	v17 =	vor.u32 v6, v15;
	v16 =	vld [tilespmem:s29+$0xFFFFFFD0];
	_ =	sdelay $0x4  }
0x14c: {  	[tilespmem:v17+s17+$0x0] =	vst.idx.add.f32.msk $0xffff, v16  }
0x14d: {  	v17 =	vor.u32 v7, v15;
	v16 =	vld [tilespmem:s29+$0xFFFFFFE0];
	_ =	sdelay $0x4  }
0x14e: {  	[tilespmem:v17+s17+$0x0] =	vst.idx.add.f32.msk $0xffff, v16  }
0x14f: {  	v17 =	vor.u32 v8, v15;
	v16 =	vld [tilespmem:s29+$0xFFFFFFF0];
	_ =	sdelay $0x4  }
0x150: {  	[tilespmem:v17+s17+$0x0] =	vst.idx.add.f32.msk $0xffff, v16  }
0x151: {  	v17 =	vor.u32 v9, v15;
	v16 =	vld [tilespmem:s29+$0x0];
	_ =	sdelay $0x4  }
0x152: {  	[tilespmem:v17+s17+$0x0] =	vst.idx.add.f32.msk $0xffff, v16  }
0x153: {  	v17 =	vor.u32 v10, v15;
	v16 =	vld [tilespmem:s29+$0x10];
	_ =	sdelay $0x4  }
0x154: {  	[tilespmem:v17+s17+$0x0] =	vst.idx.add.f32.msk $0xffff, v16  }
0x155: {  	v17 =	vor.u32 v11, v15;
	v16 =	vld [tilespmem:s29+$0x20];
	_ =	sdelay $0x4  }
0x156: {  	[tilespmem:v17+s17+$0x0] =	vst.idx.add.f32.msk $0xffff, v16  }
0x157: {  	v17 =	vor.u32 v12, v15;
	v16 =	vld [tilespmem:s29+$0x30]  }
.Ltmp24:
0x158: {  	s30 =	sadd.s32 $0x1, s30;
	(pc) =	sbr.rel @!p3 .LBB2_32-.Ltmp24, $2  }
0x159: {  	v15 =	vmov s30;
	_ =	sdelay $0x2  }
0x15a: {  	[tilespmem:v17+s17+$0x0] =	vst.idx.add.f32.msk $0xffff, v16  }
.Ltmp25:
0x15b: {  	_ = 	snop;
	(pc) =	sbr.rel .LBB2_33-.Ltmp25, $1  }
0x15c: {  	_ =	sdelay $0x3  }
.LBB2_31:
.Ltmp26:
0x15d: {  	(pc) =	sbr.rel .LBB2_33-.Ltmp26, $2  }
0x15e: {  	_ =	sdelay $0x2  }
0x15f: {  	s29 =	smov.u32 s28  }
.LBB2_6:
.Ltmp27:
0x160: {  	(pc) =	sbr.rel .LBB2_10-.Ltmp27, $2  }
0x161: {  	_ =	sdelay $0x2  }
0x162: {  	s28 =	smov.u32 s20  }
.LBB2_8:
.Ltmp28:
0x163: {  	(pc) =	sbr.rel .LBB2_10-.Ltmp28, $2  }
0x164: {  	_ =	sdelay $0x2  }
0x165: {  	s28 =	smov.u32 s20  }
.LBB2_27:
0x166: {  	[tilespmem:s20+$0x1200] =	vst v5  }
0x167: {  	[tilespmem:s20+$0x1210] =	vst v5  }
0x168: {  	[tilespmem:s20+$0x1220] =	vst v5  }
0x169: {  	[tilespmem:s20+$0x1230] =	vst v5  }
0x16a: {  	[tilespmem:s20+$0x1240] =	vst v5  }
0x16b: {  	[tilespmem:s20+$0x1250] =	vst v5  }
0x16c: {  	[tilespmem:s20+$0x1260] =	vst v5  }
0x16d: {  	[tilespmem:s20+$0x1270] =	vst v5  }
0x16e: {  	v14 =	vld [tilespmem:$0x1200]  }
0x16f: {  	v15 =	vld [tilespmem:$0x1210]  }
0x170: {  	v16 =	vld [tilespmem:$0x1220]  }
0x171: {  	v17 =	vld [tilespmem:$0x1230]  }
0x172: {  	v18 =	vld [tilespmem:$0x1240]  }
0x173: {  	s0 =	sadd.s32 $0x7F, s20;
	v19 =	vld [tilespmem:$0x1250];
	v14 =	vand.u32 $0xFFFF, v14  }
0x174: {  	s1 =	sand.u32 $0x7F, s0;
	[tilespmem:$0x5200] =	vst v14;
	v14 =	vand.u32 $0xFFFF, v15;
	v15 =	vld [tilespmem:$0x1260]  }
0x175: {  	p0 =	slt.s32 s20, $0xFFFFFF82;
	v63 =	vld [tilespmem:$0x1270];
	s21 =	sshra.s32 s0, $0x1F;
	p1 =	sne.s32 s1, $0x0;
	[tilespmem:$0x5210] =	vst v14;
	v14 =	vand.u32 $0xFFFF, v16  }
0x176: {  	s31 =	sshrl.u32 s21, $0x19;
	p0 =	por !p0, !p1;
	[tilespmem:$0x5220] =	vst v14;
	v14 =	vand.u32 $0xFFFF, v17  }
0x177: {  	s1 =	simm.s32 $0x1;
	s0 =	sadd.s32 s31, s0;
	p0 =	por !p0, !p0;
	[tilespmem:$0x5230] =	vst v14;
	v14 =	vand.u32 $0xFFFF, v18  }
.Ltmp29:
0x178: {  	s0 =	sshra.s32 s0, $0x7;
	s1 =	simm.s32 @!p0 $0x0;
	[tilespmem:$0x5240] =	vst v14;
	v14 =	vand.u32 $0xFFFF, v19;
	(pc) =	sbr.rel .LBB2_35-.Ltmp29, $4  }
0x179: {  	s23 =	simm.s32 $0x0;
	s21 =	ssub.s32 s0, s1;
	[tilespmem:$0x5250] =	vst v14;
	v14 =	vand.u32 $0xFFFF, v15  }
0x17a: {  	s24 =	simm.s32 $0x0;
	p0 =	sgt.s32 s21, $0x1;
	s22 =	smov.u32 s21;
	[tilespmem:$0x5260] =	vst v14;
	v14 =	vand.u32 $0xFFFF, v63  }
0x17b: {  	s25 =	smov.u32 s20;
	s22 =	simm.s32 @!p0 $0x1;
	p0 =	por $0x0, $0x0;
	[tilespmem:$0x5270] =	vst v14  }
0x17c: {  	[tilespmem:s14], [sflag:$0x2] =	stream.indirect.gather [hbm4b:s3+s12], $0x80, s13, s12, $0xb8;
	[tilespmem:$0xE780] =	vst v63  }
.LBB2_37:
0x17d: {  	s28 =	smov.u32 s26  }
.LBB2_41:
0x17e: {  	_ =	sdelay $0x3  }
0x17f: {  	[tilespmem:v14+s18+$0x0] =	vst.idx.add.f32.msk @p1 $0x1, v13  }
0x180: {  	v14 =	vld.idx.msk [tilespmem:v15+s16+$0x0], $0xffff;
	_ =	sdelay $0x4  }
0x181: {  	v14 =	vshra.s32 v14, $0x10  }
0x182: {  	s0 =	sadd.s32 @p1 $0x80, s28;
	v14 =	vsub.s32 v14, v2  }
0x183: {  	s26 =	smov.u32 @p1 s0;
	v15 =	vshll.u32 v14, $0x7  }
0x184: {  	v16 =	vld [tilespmem:s26+$0xFFFFFFC0];
	v17 =	vor.u32 v4, v15;
	_ =	sdelay $0x4  }
0x185: {  	[tilespmem:v17+s17+$0x0] =	vst.idx.add.f32.msk $0xffff, v16  }
0x186: {  	v58 =	vor.u32 v6, v15;
	v16 =	vld [tilespmem:s26+$0xFFFFFFD0];
	_ =	sdelay $0x4  }
0x187: {  	[tilespmem:v58+s17+$0x0] =	vst.idx.add.f32.msk $0xffff, v16  }
0x188: {  	v59 =	vor.u32 v7, v15;
	v16 =	vld [tilespmem:s26+$0xFFFFFFE0];
	_ =	sdelay $0x4  }
0x189: {  	[tilespmem:v59+s17+$0x0] =	vst.idx.add.f32.msk $0xffff, v16  }
0x18a: {  	v60 =	vor.u32 v8, v15;
	v16 =	vld [tilespmem:s26+$0xFFFFFFF0];
	_ =	sdelay $0x4  }
0x18b: {  	[tilespmem:v60+s17+$0x0] =	vst.idx.add.f32.msk $0xffff, v16  }
0x18c: {  	v61 =	vor.u32 v9, v15;
	v16 =	vld [tilespmem:s26+$0x0];
	_ =	sdelay $0x4  }
0x18d: {  	[tilespmem:v61+s17+$0x0] =	vst.idx.add.f32.msk $0xffff, v16  }
0x18e: {  	v62 =	vor.u32 v10, v15;
	v16 =	vld [tilespmem:s26+$0x10];
	_ =	sdelay $0x4  }
0x18f: {  	[tilespmem:v62+s17+$0x0] =	vst.idx.add.f32.msk $0xffff, v16  }
0x190: {  	v63 =	vor.u32 v11, v15;
	v16 =	vld [tilespmem:s26+$0x20];
	_ =	sdelay $0x4  }
0x191: {  	[tilespmem:v63+s17+$0x0] =	vst.idx.add.f32.msk $0xffff, v16  }
0x192: {  	v15 =	vor.u32 v12, v15;
	v16 =	vld [tilespmem:s26+$0x30];
	_ =	sdelay $0x4  }
0x193: {  	[tilespmem:v15+s17+$0x0] =	vst.idx.add.f32.msk $0xffff, v16  }
0x194: {  	[tilespmem:v14+s18+$0x0] =	vst.idx.add.f32.msk $0x1, v13  }
.LBB2_34:
0x195: {  	p1 =	seq.s32 s23, s22  }
.Ltmp30:
0x196: {  	_ = 	snop;
	(pc) =	sbr.rel @p1 .LBB2_42-.Ltmp30, $2  }
0x197: {  	_ =	sdelay $0x2  }
0x198: {  	s25 =	sadd.s32 $0xFFFFFF80, s25;
	s24 =	sadd.s32 $0x80, s24;
	p0 =	por !p0, !p0  }
.LBB2_35:
0x199: {  	s0 =	smov.u32 s23;
	s23 =	sadd.s32 $0x1, s23  }
0x19a: {  	_ =	swait.ge [sflag:s15], $0x4000;
	p1 =	sge.s32 s23, s21  }
0x19b: {  	[sflag:s15] =	ssyncset.done $0x0;
	s1 =	sshll.u32 @!p1 s23, $0x9  }
0x19c: {  	[sflag:s15] =	ssyncadd.s32 $0xFFFFC000;
	s1 =	sshra.s32 @!p1 s1, $0x2  }
0x19d: {  	v14 =	vld @!p1 [tilespmem:s1+$0x1200];
	_ =	sdelay $0x2  }
0x19e: {  	s26 =	sand.u32 $0x1, s0  }
0x19f: {  	s26 =	sxor.u32 @!p1 $0x1, s26  }
0x1a0: {  	s28 =	sshll.u32 @!p1 s26, $0x7;
	v14 =	vand.u32 @!p1 $0xFFFF, v14  }
0x1a1: {  	[tilespmem:s28+$0x5200] =	vst @!p1 v14  }
0x1a2: {  	v14 =	vld @!p1 [tilespmem:s1+$0x1210];
	_ =	sdelay $0x4  }
0x1a3: {  	v14 =	vand.u32 @!p1 $0xFFFF, v14  }
0x1a4: {  	[tilespmem:s28+$0x5210] =	vst @!p1 v14  }
0x1a5: {  	v14 =	vld @!p1 [tilespmem:s1+$0x1220];
	_ =	sdelay $0x4  }
0x1a6: {  	v14 =	vand.u32 @!p1 $0xFFFF, v14  }
0x1a7: {  	[tilespmem:s28+$0x5220] =	vst @!p1 v14  }
0x1a8: {  	v14 =	vld @!p1 [tilespmem:s1+$0x1230];
	_ =	sdelay $0x4  }
0x1a9: {  	v14 =	vand.u32 @!p1 $0xFFFF, v14  }
0x1aa: {  	[tilespmem:s28+$0x5230] =	vst @!p1 v14  }
0x1ab: {  	v14 =	vld @!p1 [tilespmem:s1+$0x1240];
	_ =	sdelay $0x4  }
0x1ac: {  	v14 =	vand.u32 @!p1 $0xFFFF, v14  }
0x1ad: {  	[tilespmem:s28+$0x5240] =	vst @!p1 v14  }
0x1ae: {  	v14 =	vld @!p1 [tilespmem:s1+$0x1250];
	_ =	sdelay $0x4  }
0x1af: {  	v14 =	vand.u32 @!p1 $0xFFFF, v14  }
0x1b0: {  	[tilespmem:s28+$0x5250] =	vst @!p1 v14  }
0x1b1: {  	v14 =	vld @!p1 [tilespmem:s1+$0x1260];
	_ =	sdelay $0x4  }
0x1b2: {  	v14 =	vand.u32 @!p1 $0xFFFF, v14  }
0x1b3: {  	[tilespmem:s28+$0x5260] =	vst @!p1 v14  }
0x1b4: {  	v14 =	vld @!p1 [tilespmem:s1+$0x1270];
	_ =	sdelay $0x3  }
0x1b5: {  	s0 =	sshll.u32 s0, $0x7  }
0x1b6: {  	s0 =	ssub.s32 s20, s0;
	s1 =	sshll.u32 @!p1 s26, $0xE;
	v14 =	vand.u32 @!p1 $0xFFFF, v14  }
0x1b7: {  	s26 =	sor.u32 @!p1 $0x5200, s28;
	s1 =	sadd.s32 @!p1 $0x5300, s1;
	[tilespmem:s28+$0x5270] =	vst @!p1 v14;
	s28 =	simm.s32 @!p1 $0x80  }
0x1b8: {  	[tilespmem:s1], [sflag:$0x2] =	stream.indirect.gather @!p1 [hbm4b:s3+s28], $0x80, s26, s28, $0xb8;
	[tilespmem:$0xE780] =	vst v63  }
0x1b9: {  	p1 =	slt.s32 s0, $0x1  }
.Ltmp31:
0x1ba: {  	_ = 	snop;
	(pc) =	sbr.rel @p1 .LBB2_34-.Ltmp31, $1  }
0x1bb: {  	_ =	sdelay $0x3  }
0x1bc: {  	p1 =	sgt.s32 s25, $0x1;
	s0 =	smov.u32 s25  }
0x1bd: {  	s0 =	simm.s32 @!p1 $0x1  }
0x1be: {  	s0 =	smin.u32 s0, $0x80  }
0x1bf: {  	p2 =	seq.s32 s0, $0x1  }
.Ltmp32:
0x1c0: {  	_ = 	snop;
	(pc) =	sbr.rel @p2 .LBB2_37-.Ltmp32, $4  }
0x1c1: {  	s1 =	simm.s32 $0x1  }
0x1c2: {  	s1 =	simm.s32 @!p0 $0x0  }
0x1c3: {  	s1 =	sshll.u32 s1, $0xE  }
0x1c4: {  	v15 =	vmov s24;
	p1 =	por $0x0, $0x0;
	s26 =	sadd.s32 $0x5340, s1;
	s28 =	sadd.s32 $0xFFFFFFFF, s0  }
0x1c5: {  	_ =	sdelay $0x3  }
0x1c6: {  	v14 =	vld.idx.msk [tilespmem:v15+s16+$0x0], $0xffff;
	_ =	sdelay $0x4  }
0x1c7: {  	v14 =	vshra.s32 v14, $0x10  }
0x1c8: {  	v14 =	vsub.s32 v14, v2  }
0x1c9: {  	v15 =	vshll.u32 v14, $0x7  }
0x1ca: {  	v16 =	vld [tilespmem:s26+$0xFFFFFFC0];
	v17 =	vor.u32 v4, v15;
	_ =	sdelay $0x4  }
0x1cb: {  	[tilespmem:v17+s17+$0x0] =	vst.idx.add.f32.msk $0xffff, v16  }
0x1cc: {  	v17 =	vor.u32 v6, v15;
	v16 =	vld [tilespmem:s26+$0xFFFFFFD0];
	_ =	sdelay $0x4  }
0x1cd: {  	[tilespmem:v17+s17+$0x0] =	vst.idx.add.f32.msk $0xffff, v16  }
0x1ce: {  	v17 =	vor.u32 v7, v15;
	v16 =	vld [tilespmem:s26+$0xFFFFFFE0];
	_ =	sdelay $0x4  }
0x1cf: {  	[tilespmem:v17+s17+$0x0] =	vst.idx.add.f32.msk $0xffff, v16  }
0x1d0: {  	v17 =	vor.u32 v8, v15;
	v16 =	vld [tilespmem:s26+$0xFFFFFFF0];
	_ =	sdelay $0x4  }
0x1d1: {  	[tilespmem:v17+s17+$0x0] =	vst.idx.add.f32.msk $0xffff, v16  }
0x1d2: {  	v17 =	vor.u32 v9, v15;
	v16 =	vld [tilespmem:s26+$0x0];
	_ =	sdelay $0x4  }
0x1d3: {  	[tilespmem:v17+s17+$0x0] =	vst.idx.add.f32.msk $0xffff, v16  }
0x1d4: {  	v17 =	vor.u32 v10, v15;
	v16 =	vld [tilespmem:s26+$0x10];
	_ =	sdelay $0x4  }
0x1d5: {  	[tilespmem:v17+s17+$0x0] =	vst.idx.add.f32.msk $0xffff, v16  }
0x1d6: {  	v17 =	vor.u32 v11, v15;
	v16 =	vld [tilespmem:s26+$0x20];
	_ =	sdelay $0x4  }
0x1d7: {  	[tilespmem:v17+s17+$0x0] =	vst.idx.add.f32.msk $0xffff, v16  }
0x1d8: {  	p2 =	seq.s32 s28, $0x1;
	v17 =	vor.u32 v12, v15;
	v16 =	vld [tilespmem:s26+$0x30]  }
.Ltmp33:
0x1d9: {  	s29 =	sadd.s32 $0x1, s24;
	(pc) =	sbr.rel @p2 .LBB2_39-.Ltmp33, $2  }
0x1da: {  	v15 =	vmov s29;
	_ =	sdelay $0x2  }
0x1db: {  	s30 =	sadd.s32 $0xFFFFFFFF, s28;
	p1 =	por $0x1, $0x1;
	s28 =	smov.u32 s26;
	[tilespmem:v17+s17+$0x0] =	vst.idx.add.f32.msk $0xffff, v16  }
.LBB2_40:
0x1dc: {  	p2 =	seq.s32 s30, $0x1;
	s30 =	sadd.s32 $0xFFFFFFFF, s30;
	[tilespmem:v14+s18+$0x0] =	vst.idx.add.f32.msk $0x1, v13;
	s28 =	sadd.s32 $0x80, s28  }
0x1dd: {  	v14 =	vld.idx.msk [tilespmem:v15+s16+$0x0], $0xffff;
	_ =	sdelay $0x5  }
0x1de: {  	v14 =	vshra.s32 v14, $0x10  }
0x1df: {  	v14 =	vsub.s32 v14, v2  }
0x1e0: {  	v15 =	vshll.u32 v14, $0x7  }
0x1e1: {  	v17 =	vor.u32 v4, v15;
	v16 =	vld [tilespmem:s28+$0xFFFFFFC0];
	_ =	sdelay $0x4  }
0x1e2: {  	[tilespmem:v17+s17+$0x0] =	vst.idx.add.f32.msk $0xffff, v16  }
0x1e3: {  	v17 =	vor.u32 v6, v15;
	v16 =	vld [tilespmem:s28+$0xFFFFFFD0];
	_ =	sdelay $0x4  }
0x1e4: {  	[tilespmem:v17+s17+$0x0] =	vst.idx.add.f32.msk $0xffff, v16  }
0x1e5: {  	v17 =	vor.u32 v7, v15;
	v16 =	vld [tilespmem:s28+$0xFFFFFFE0];
	_ =	sdelay $0x4  }
0x1e6: {  	[tilespmem:v17+s17+$0x0] =	vst.idx.add.f32.msk $0xffff, v16  }
0x1e7: {  	v17 =	vor.u32 v8, v15;
	v16 =	vld [tilespmem:s28+$0xFFFFFFF0];
	_ =	sdelay $0x4  }
0x1e8: {  	[tilespmem:v17+s17+$0x0] =	vst.idx.add.f32.msk $0xffff, v16  }
0x1e9: {  	v17 =	vor.u32 v9, v15;
	v16 =	vld [tilespmem:s28+$0x0];
	_ =	sdelay $0x4  }
0x1ea: {  	[tilespmem:v17+s17+$0x0] =	vst.idx.add.f32.msk $0xffff, v16  }
0x1eb: {  	v17 =	vor.u32 v10, v15;
	v16 =	vld [tilespmem:s28+$0x10];
	_ =	sdelay $0x4  }
0x1ec: {  	[tilespmem:v17+s17+$0x0] =	vst.idx.add.f32.msk $0xffff, v16  }
0x1ed: {  	v17 =	vor.u32 v11, v15;
	v16 =	vld [tilespmem:s28+$0x20];
	_ =	sdelay $0x4  }
0x1ee: {  	[tilespmem:v17+s17+$0x0] =	vst.idx.add.f32.msk $0xffff, v16  }
0x1ef: {  	v17 =	vor.u32 v12, v15;
	v16 =	vld [tilespmem:s28+$0x30]  }
.Ltmp34:
0x1f0: {  	s29 =	sadd.s32 $0x1, s29;
	(pc) =	sbr.rel @!p2 .LBB2_40-.Ltmp34, $2  }
0x1f1: {  	v15 =	vmov s29;
	_ =	sdelay $0x2  }
0x1f2: {  	[tilespmem:v17+s17+$0x0] =	vst.idx.add.f32.msk $0xffff, v16  }
.Ltmp35:
0x1f3: {  	_ = 	snop;
	(pc) =	sbr.rel .LBB2_41-.Ltmp35, $1  }
0x1f4: {  	_ =	sdelay $0x3  }
.LBB2_39:
.Ltmp36:
0x1f5: {  	(pc) =	sbr.rel .LBB2_41-.Ltmp36, $2  }
0x1f6: {  	_ =	sdelay $0x2  }
0x1f7: {  	s28 =	smov.u32 s26  }
.LBB2_43:
0x1f8: {  	_ =	sfence.sel $0x180000  }
0x1f9: {  	[bflag:$0x0] =	sbarrier.arrive $0xFFFF  }
0x1fa: {  	_ =	strace $0x9000004A  }
0x1fb: {  	s0 =	stileid.u32;
	[bflag:$0x2] =	sbarrier.arrive $0xFFFF  }
0x1fc: {  	p0 =	sne.s32 s0, $0x0;
	s0 =	rddreg [dreg:$0x3]  }
0x1fd: {  	s0 =	sadd.s32 @!p0 $0x100000, s0  }
0x1fe: {  	[sflag:s0] =	ssyncadd.tile.s32 @!p0 $0x1;
	_ =	shalt  }
.Lfunc_end2:
_tile_overlayer_lowered:
.L_overlay_start_2:
0x1ff: {  	(tag) =	ssettag $0x2  }
0x200: {  	s0 =	rddreg [dreg:$0x0];
	s2 =	stileid.u32  }
0x201: {  	s1 =	rddreg [dreg:$0x1];
	p0 =	sne.s32 s2, $0x0  }
0x202: {  	s3 =	rddreg [dreg:$0x2];
	[bflag:$0x3] =	sbarrier.arrive $0xFFFF;
	s2 =	simm.s32 @!p0 $0x1C03  }
0x203: {  	[timem:s3], [sflag:s2] =	dma.local @!p0 [hbm:s0], s1  }
0x204: {  	s0 =	simm.s32 @!p0 $0x3  }
0x205: {  	_ =	swait.ge @!p0 [sflag:s0], s1  }
0x206: {  	s1 =	ssub.s32 @!p0 $0x0, s1;
	[sflag:s0] =	ssyncset.done @!p0 $0x0  }
0x207: {  	[sflag:s0] =	ssyncadd.s32 @!p0 s1  }
0x208: {  	[bflag:$0x3] =	sbarrier.arrive $0xFFFF  }
0x209: {  	_ =	shalt  }

</sc_bundles>
